<compile_context>
chip_gen: v7x
topology: tpu7x:2x2x1
jax: 0.10.2.dev20260603
libtpu: 0.0.44.dev20260713+nightly
codegen_flags: <defaults>
</compile_context>

<pallas_src>
import functools

import jax
import jax.numpy as jnp
from jax import lax
from jax.experimental import pallas as pl
from jax.experimental.pallas import tpu as pltpu
from jax.experimental.pallas import tpu_sc as plsc

_N = 10000
_E = 320000
_D = 128

_NC = 2
_NS = 16
_NW = _NC * _NS
_GRP = 128
_E_PAD = 327680
_ROWS_PER_W = _E_PAD // _GRP // _NW
_N_PAD = 10240
_ROWS_PER_TILE = _N_PAD // _NS


def _sc_body(h_hbm, pair_hbm, out_hbm,
             idx, buf0, buf1, zbuf, agg, sem0, sem1):
    c = lax.axis_index("c")
    s = lax.axis_index("s")
    wid = c * _NS + s

    z16 = jnp.zeros((16,), jnp.float32)
    for r in range(8):
        for q in range(_D // 16):
            zbuf[r, pl.ds(q * 16, 16)] = z16
    row0 = s * _ROWS_PER_TILE

    def zstep(i, carry):
        pltpu.sync_copy(zbuf, agg.at[pl.ds(row0 + i * 8, 8)])
        return carry

    lax.fori_loop(0, _ROWS_PER_TILE // 8, zstep, None)
    plsc.subcore_barrier()

    base = wid * 2 * _ROWS_PER_W
    half = _ROWS_PER_W

    for p in range(2):
        pltpu.sync_copy(pair_hbm.at[pl.ds(base + p * half, half)], idx)

        pltpu.async_copy(h_hbm.at[idx.at[0]], buf0, sem0)
        pltpu.async_copy(h_hbm.at[idx.at[2]], buf1, sem1)

        nstep = _ROWS_PER_W // 4

        def step(jj, carry):
            g0 = 2 * jj
            pltpu.make_async_copy(h_hbm.at[idx.at[2 * g0]], buf0, sem0).wait()
            pltpu.sync_copy(buf0, agg.at[idx.at[2 * g0 + 1]], add=True)

            @pl.when(jj < nstep - 1)
            def _start0():
                pltpu.async_copy(h_hbm.at[idx.at[2 * g0 + 4]], buf0, sem0)

            pltpu.make_async_copy(h_hbm.at[idx.at[2 * g0 + 2]], buf1,
                                  sem1).wait()
            pltpu.sync_copy(buf1, agg.at[idx.at[2 * g0 + 3]], add=True)

            @pl.when(jj < nstep - 1)
            def _start1():
                pltpu.async_copy(h_hbm.at[idx.at[2 * g0 + 6]], buf1, sem1)

            return carry

        lax.fori_loop(0, nstep, step, None)

    plsc.subcore_barrier()

    pltpu.sync_copy(agg.at[pl.ds(row0, _ROWS_PER_TILE)],
                    out_hbm.at[c, pl.ds(row0, _ROWS_PER_TILE)])


_sc_gather_scatter = functools.partial(
    pl.kernel,
    out_type=jax.ShapeDtypeStruct((_NC, _N_PAD, _D), jnp.float32),
    mesh=plsc.VectorSubcoreMesh(core_axis_name="c", subcore_axis_name="s"),
    scratch_types=[
        pltpu.VMEM((_ROWS_PER_W, _GRP), jnp.int32),
        pltpu.VMEM((_GRP, _D), jnp.float32),
        pltpu.VMEM((_GRP, _D), jnp.float32),
        pltpu.VMEM((8, _D), jnp.float32),
        pltpu.VMEM_SHARED((_N_PAD, _D), jnp.float32),
        pltpu.SemaphoreType.DMA,
        pltpu.SemaphoreType.DMA,
    ],
)(_sc_body)


_BLK = 2000


def _dense1_body(p0, p1, h, wr, wroot, o):
    agg = p0[...] + p1[...]
    o[...] = jnp.maximum(
        jnp.dot(agg, wr[...], preferred_element_type=jnp.float32)
        + jnp.dot(h[...], wroot[...], preferred_element_type=jnp.float32),
        0.0)


def _dense2_body(p0, p1, h, wr, wroot, wl, o):
    agg = p0[...] + p1[...]
    h2 = jnp.maximum(
        jnp.dot(agg, wr[...], preferred_element_type=jnp.float32)
        + jnp.dot(h[...], wroot[...], preferred_element_type=jnp.float32),
        0.0)
    o[...] = jnp.dot(h2, wl[...], preferred_element_type=jnp.float32)


def _row_spec():
    return pl.BlockSpec((_BLK, _D), lambda i: (i, 0))


def _w_spec():
    return pl.BlockSpec((_D, _D), lambda i: (0, 0))


def _dense1(p0, p1, h, wr, wroot):
    return pl.pallas_call(
        _dense1_body,
        grid=(_N // _BLK,),
        in_specs=[_row_spec(), _row_spec(), _row_spec(), _w_spec(), _w_spec()],
        out_specs=_row_spec(),
        out_shape=jax.ShapeDtypeStruct((_N, _D), jnp.float32),
    )(p0, p1, h, wr, wroot)


def _dense2(p0, p1, h, wr, wroot, wl):
    return pl.pallas_call(
        _dense2_body,
        grid=(_N // _BLK,),
        in_specs=[_row_spec(), _row_spec(), _row_spec(), _w_spec(), _w_spec(),
                  pl.BlockSpec((_D, 1), lambda i: (0, 0))],
        out_specs=pl.BlockSpec((_BLK, 1), lambda i: (i, 0)),
        out_shape=jax.ShapeDtypeStruct((_N, 1), jnp.float32),
    )(p0, p1, h, wr, wroot, wl)


def kernel(x, edge_index, batch, W_rel, W_root, W_lin):
    src = edge_index[0].astype(jnp.int32)
    dst = edge_index[1].astype(jnp.int32)
    pad = _E_PAD - _E
    dummy = _N + jnp.arange(pad, dtype=jnp.int32) % (_N_PAD - _N)
    src_p = jnp.concatenate([src, jnp.zeros((pad,), jnp.int32)]).reshape(
        _E_PAD // _GRP, _GRP)
    dst_p = jnp.concatenate([dst, dummy]).reshape(
        _E_PAD // _GRP, _GRP)
    pairs = jnp.stack([src_p, dst_p], axis=1).reshape(
        2 * _E_PAD // _GRP, _GRP)

    wr = W_rel.T
    wroot = W_root.T
    wl = W_lin.T

    h = x
    partials = _sc_gather_scatter(h, pairs)
    h = _dense1(partials[0, :_N], partials[1, :_N], h, wr, wroot)
    partials = _sc_gather_scatter(h, pairs)
    return _dense2(partials[0, :_N], partials[1, :_N], h, wr, wroot, wl)

# --- scband reference (transcript-rebuilt; emitter-appended) ---
"""Pipeline reference for scband-gconv-7499012899094 (READ-ONLY COPY).

The authoritative reference and input builder live on the scoring server;
editing this copy changes nothing except your own understanding.
"""

import jax, jax.numpy as jnp
import numpy as np

N = 10000
E = 320000
D = 128
K = 3  # k global: k-1 = 2 conv layers


def setup_inputs(seed: int = 0) -> dict:
    key = jax.random.key(seed)
    k1, k2, k3, k4, k5 = jax.random.split(key, 5)
    x = jax.random.normal(k1, (N, D), dtype=jnp.float32)
    edge_index = jax.random.randint(k2, (2, E), 0, N).astype(jnp.int64)
    batch = jnp.zeros((N,), dtype=jnp.int64)
    s = 1.0 / np.sqrt(D)
    W_rel = jax.random.uniform(k3, (D, D), dtype=jnp.float32, minval=-s, maxval=s)
    W_root = jax.random.uniform(k4, (D, D), dtype=jnp.float32, minval=-s, maxval=s)
    W_lin = jax.random.uniform(k5, (1, D), dtype=jnp.float32, minval=-s, maxval=s)
    return {"x": x, "edge_index": edge_index, "batch": batch,
            "W_rel": W_rel, "W_root": W_root, "W_lin": W_lin}


def reference(x, edge_index, batch, W_rel, W_root, W_lin):
    # GraphConv(aggr='add', bias=False): out_i = W_rel @ sum_{j in N(i)} x_j + W_root @ x_i
    src = edge_index[0]
    dst = edge_index[1]
    h = x
    for _ in range(K - 1):
        msgs = jnp.take(h, src, axis=0)                       # gather source node features
        agg = jnp.zeros_like(h).at[dst].add(msgs)             # scatter-add to destination nodes
        h = agg @ W_rel.T + h @ W_root.T
        h = jax.nn.relu(h)
    out = h @ W_lin.T                                         # use_linear: Linear(D, 1, bias=False)
    return out

if __name__ == "__main__":
    import jax
    _d = setup_inputs()
    print(jax.jit(kernel)(*tuple(_d.values())))

</pallas_src>

<mosaic_0001>
#map = affine_map<(d0, d1) -> (0, 0)>
#map1 = affine_map<(d0, d1) -> (0, 0, 0)>
module attributes {stable_mosaic.version = 14 : i64} {
  func.func @_sc_body(%arg0: i32, %arg1: i32, %arg2: memref<10000x128xf32, #tpu.memory_space<hbm>>, %arg3: memref<5120x128xi32, #tpu.memory_space<hbm>>, %arg4: memref<2x10240x128xf32, #tpu.memory_space<hbm>>, %arg5: memref<80x128xi32, #tpu.memory_space<vmem>>, %arg6: memref<128x128xf32, #tpu.memory_space<vmem>>, %arg7: memref<128x128xf32, #tpu.memory_space<vmem>>, %arg8: memref<8x128xf32, #tpu.memory_space<vmem>>, %arg9: memref<10240x128xf32, #tpu.memory_space<vmem_shared>>, %arg10: memref<!tpu.dma_semaphore, #tpu.memory_space<semaphore_mem>>, %arg11: memref<!tpu.dma_semaphore, #tpu.memory_space<semaphore_mem>>) attributes {dimension_semantics = [#tpu.dimension_semantics<core_parallel>, #tpu.dimension_semantics<subcore_parallel>], iteration_bounds = array<i64: 2, 16>, scalar_prefetch = 0 : i64, scratch_operands = 7 : i64, tpu.core_type = #tpu.core_type<sc_vector_subcore>, window_params = [{transform_indices = #map}, {transform_indices = #map}, {transform_indices = #map1}]} {
    %mul3A = arith.constant 16 : i32
    %mul3A_0 = arith.muli %arg0, %mul3A : i32
    %add3A = arith.addi %mul3A_0, %arg1 : i32
    %broadcast_in_dim3A = arith.constant 0.000000e+00 : f32
    %broadcast_in_dim3A_1 = vector.broadcast %broadcast_in_dim3A : f32 to vector<16xf32>
    %swap3A = arith.constant 0 : i32
    %swap3A_2 = arith.index_cast %swap3A : i32 to index
    %swap3A_3 = arith.constant 0 : index
    %swap3A_4 = tpu.vector_load %arg8[%swap3A_2, %swap3A_3] {strides = array<i32>} : memref<8x128xf32, #tpu.memory_space<vmem>>, vector<1x16xf32>,
    %swap3A_5 = vector.shape_cast %swap3A_4 : vector<1x16xf32> to vector<16xf32>
    %swap3A_6 = vector.shape_cast %broadcast_in_dim3A_1 : vector<16xf32> to vector<1x16xf32>
    tpu.vector_store %arg8[%swap3A_2, %swap3A_3], %swap3A_6 {strides = array<i32>} : memref<8x128xf32, #tpu.memory_space<vmem>>, vector<1x16xf32>,
    %swap3A_7 = arith.constant 0 : i32
    %swap3A_8 = arith.index_cast %swap3A_7 : i32 to index
    %swap3A_9 = arith.constant 16 : index
    %swap3A_10 = tpu.vector_load %arg8[%swap3A_8, %swap3A_9] {strides = array<i32>} : memref<8x128xf32, #tpu.memory_space<vmem>>, vector<1x16xf32>,
    %swap3A_11 = vector.shape_cast %swap3A_10 : vector<1x16xf32> to vector<16xf32>
    %swap3A_12 = vector.shape_cast %broadcast_in_dim3A_1 : vector<16xf32> to vector<1x16xf32>
    tpu.vector_store %arg8[%swap3A_8, %swap3A_9], %swap3A_12 {strides = array<i32>} : memref<8x128xf32, #tpu.memory_space<vmem>>, vector<1x16xf32>,
    %swap3A_13 = arith.constant 0 : i32
    %swap3A_14 = arith.index_cast %swap3A_13 : i32 to index
    %swap3A_15 = arith.constant 32 : index
    %swap3A_16 = tpu.vector_load %arg8[%swap3A_14, %swap3A_15] {strides = array<i32>} : memref<8x128xf32, #tpu.memory_space<vmem>>, vector<1x16xf32>,
    %swap3A_17 = vector.shape_cast %swap3A_16 : vector<1x16xf32> to vector<16xf32>
    %swap3A_18 = vector.shape_cast %broadcast_in_dim3A_1 : vector<16xf32> to vector<1x16xf32>
    tpu.vector_store %arg8[%swap3A_14, %swap3A_15], %swap3A_18 {strides = array<i32>} : memref<8x128xf32, #tpu.memory_space<vmem>>, vector<1x16xf32>,
    %swap3A_19 = arith.constant 0 : i32
    %swap3A_20 = arith.index_cast %swap3A_19 : i32 to index
    %swap3A_21 = arith.constant 48 : index
    %swap3A_22 = tpu.vector_load %arg8[%swap3A_20, %swap3A_21] {strides = array<i32>} : memref<8x128xf32, #tpu.memory_space<vmem>>, vector<1x16xf32>,
    %swap3A_23 = vector.shape_cast %swap3A_22 : vector<1x16xf32> to vector<16xf32>
    %swap3A_24 = vector.shape_cast %broadcast_in_dim3A_1 : vector<16xf32> to vector<1x16xf32>
    tpu.vector_store %arg8[%swap3A_20, %swap3A_21], %swap3A_24 {strides = array<i32>} : memref<8x128xf32, #tpu.memory_space<vmem>>, vector<1x16xf32>,
    %swap3A_25 = arith.constant 0 : i32
    %swap3A_26 = arith.index_cast %swap3A_25 : i32 to index
    %swap3A_27 = arith.constant 64 : index
    %swap3A_28 = tpu.vector_load %arg8[%swap3A_26, %swap3A_27] {strides = array<i32>} : memref<8x128xf32, #tpu.memory_space<vmem>>, vector<1x16xf32>,
    %swap3A_29 = vector.shape_cast %swap3A_28 : vector<1x16xf32> to vector<16xf32>
    %swap3A_30 = vector.shape_cast %broadcast_in_dim3A_1 : vector<16xf32> to vector<1x16xf32>
    tpu.vector_store %arg8[%swap3A_26, %swap3A_27], %swap3A_30 {strides = array<i32>} : memref<8x128xf32, #tpu.memory_space<vmem>>, vector<1x16xf32>,
    %swap3A_31 = arith.constant 0 : i32
    %swap3A_32 = arith.index_cast %swap3A_31 : i32 to index
    %swap3A_33 = arith.constant 80 : index
    %swap3A_34 = tpu.vector_load %arg8[%swap3A_32, %swap3A_33] {strides = array<i32>} : memref<8x128xf32, #tpu.memory_space<vmem>>, vector<1x16xf32>,
    %swap3A_35 = vector.shape_cast %swap3A_34 : vector<1x16xf32> to vector<16xf32>
    %swap3A_36 = vector.shape_cast %broadcast_in_dim3A_1 : vector<16xf32> to vector<1x16xf32>
    tpu.vector_store %arg8[%swap3A_32, %swap3A_33], %swap3A_36 {strides = array<i32>} : memref<8x128xf32, #tpu.memory_space<vmem>>, vector<1x16xf32>,
    %swap3A_37 = arith.constant 0 : i32
    %swap3A_38 = arith.index_cast %swap3A_37 : i32 to index
    %swap3A_39 = arith.constant 96 : index
    %swap3A_40 = tpu.vector_load %arg8[%swap3A_38, %swap3A_39] {strides = array<i32>} : memref<8x128xf32, #tpu.memory_space<vmem>>, vector<1x16xf32>,
    %swap3A_41 = vector.shape_cast %swap3A_40 : vector<1x16xf32> to vector<16xf32>
    %swap3A_42 = vector.shape_cast %broadcast_in_dim3A_1 : vector<16xf32> to vector<1x16xf32>
    tpu.vector_store %arg8[%swap3A_38, %swap3A_39], %swap3A_42 {strides = array<i32>} : memref<8x128xf32, #tpu.memory_space<vmem>>, vector<1x16xf32>,
    %swap3A_43 = arith.constant 0 : i32
    %swap3A_44 = arith.index_cast %swap3A_43 : i32 to index
    %swap3A_45 = arith.constant 112 : index
    %swap3A_46 = tpu.vector_load %arg8[%swap3A_44, %swap3A_45] {strides = array<i32>} : memref<8x128xf32, #tpu.memory_space<vmem>>, vector<1x16xf32>,
    %swap3A_47 = vector.shape_cast %swap3A_46 : vector<1x16xf32> to vector<16xf32>
    %swap3A_48 = vector.shape_cast %broadcast_in_dim3A_1 : vector<16xf32> to vector<1x16xf32>
    tpu.vector_store %arg8[%swap3A_44, %swap3A_45], %swap3A_48 {strides = array<i32>} : memref<8x128xf32, #tpu.memory_space<vmem>>, vector<1x16xf32>,
    %swap3A_49 = arith.constant 1 : i32
    %swap3A_50 = arith.index_cast %swap3A_49 : i32 to index
    %swap3A_51 = arith.constant 0 : index
    %swap3A_52 = tpu.vector_load %arg8[%swap3A_50, %swap3A_51] {strides = array<i32>} : memref<8x128xf32, #tpu.memory_space<vmem>>, vector<1x16xf32>,
    %swap3A_53 = vector.shape_cast %swap3A_52 : vector<1x16xf32> to vector<16xf32>
    %swap3A_54 = vector.shape_cast %broadcast_in_dim3A_1 : vector<16xf32> to vector<1x16xf32>
    tpu.vector_store %arg8[%swap3A_50, %swap3A_51], %swap3A_54 {strides = array<i32>} : memref<8x128xf32, #tpu.memory_space<vmem>>, vector<1x16xf32>,
    %swap3A_55 = arith.constant 1 : i32
    %swap3A_56 = arith.index_cast %swap3A_55 : i32 to index
    %swap3A_57 = arith.constant 16 : index
    %swap3A_58 = tpu.vector_load %arg8[%swap3A_56, %swap3A_57] {strides = array<i32>} : memref<8x128xf32, #tpu.memory_space<vmem>>, vector<1x16xf32>,
    %swap3A_59 = vector.shape_cast %swap3A_58 : vector<1x16xf32> to vector<16xf32>
    %swap3A_60 = vector.shape_cast %broadcast_in_dim3A_1 : vector<16xf32> to vector<1x16xf32>
    tpu.vector_store %arg8[%swap3A_56, %swap3A_57], %swap3A_60 {strides = array<i32>} : memref<8x128xf32, #tpu.memory_space<vmem>>, vector<1x16xf32>,
    %swap3A_61 = arith.constant 1 : i32
    %swap3A_62 = arith.index_cast %swap3A_61 : i32 to index
    %swap3A_63 = arith.constant 32 : index
    %swap3A_64 = tpu.vector_load %arg8[%swap3A_62, %swap3A_63] {strides = array<i32>} : memref<8x128xf32, #tpu.memory_space<vmem>>, vector<1x16xf32>,
    %swap3A_65 = vector.shape_cast %swap3A_64 : vector<1x16xf32> to vector<16xf32>
    %swap3A_66 = vector.shape_cast %broadcast_in_dim3A_1 : vector<16xf32> to vector<1x16xf32>
    tpu.vector_store %arg8[%swap3A_62, %swap3A_63], %swap3A_66 {strides = array<i32>} : memref<8x128xf32, #tpu.memory_space<vmem>>, vector<1x16xf32>,
    %swap3A_67 = arith.constant 1 : i32
    %swap3A_68 = arith.index_cast %swap3A_67 : i32 to index
    %swap3A_69 = arith.constant 48 : index
    %swap3A_70 = tpu.vector_load %arg8[%swap3A_68, %swap3A_69] {strides = array<i32>} : memref<8x128xf32, #tpu.memory_space<vmem>>, vector<1x16xf32>,
    %swap3A_71 = vector.shape_cast %swap3A_70 : vector<1x16xf32> to vector<16xf32>
    %swap3A_72 = vector.shape_cast %broadcast_in_dim3A_1 : vector<16xf32> to vector<1x16xf32>
    tpu.vector_store %arg8[%swap3A_68, %swap3A_69], %swap3A_72 {strides = array<i32>} : memref<8x128xf32, #tpu.memory_space<vmem>>, vector<1x16xf32>,
    %swap3A_73 = arith.constant 1 : i32
    %swap3A_74 = arith.index_cast %swap3A_73 : i32 to index
    %swap3A_75 = arith.constant 64 : index
    %swap3A_76 = tpu.vector_load %arg8[%swap3A_74, %swap3A_75] {strides = array<i32>} : memref<8x128xf32, #tpu.memory_space<vmem>>, vector<1x16xf32>,
    %swap3A_77 = vector.shape_cast %swap3A_76 : vector<1x16xf32> to vector<16xf32>
    %swap3A_78 = vector.shape_cast %broadcast_in_dim3A_1 : vector<16xf32> to vector<1x16xf32>
    tpu.vector_store %arg8[%swap3A_74, %swap3A_75], %swap3A_78 {strides = array<i32>} : memref<8x128xf32, #tpu.memory_space<vmem>>, vector<1x16xf32>,
    %swap3A_79 = arith.constant 1 : i32
    %swap3A_80 = arith.index_cast %swap3A_79 : i32 to index
    %swap3A_81 = arith.constant 80 : index
    %swap3A_82 = tpu.vector_load %arg8[%swap3A_80, %swap3A_81] {strides = array<i32>} : memref<8x128xf32, #tpu.memory_space<vmem>>, vector<1x16xf32>,
    %swap3A_83 = vector.shape_cast %swap3A_82 : vector<1x16xf32> to vector<16xf32>
    %swap3A_84 = vector.shape_cast %broadcast_in_dim3A_1 : vector<16xf32> to vector<1x16xf32>
    tpu.vector_store %arg8[%swap3A_80, %swap3A_81], %swap3A_84 {strides = array<i32>} : memref<8x128xf32, #tpu.memory_space<vmem>>, vector<1x16xf32>,
    %swap3A_85 = arith.constant 1 : i32
    %swap3A_86 = arith.index_cast %swap3A_85 : i32 to index
    %swap3A_87 = arith.constant 96 : index
    %swap3A_88 = tpu.vector_load %arg8[%swap3A_86, %swap3A_87] {strides = array<i32>} : memref<8x128xf32, #tpu.memory_space<vmem>>, vector<1x16xf32>,
    %swap3A_89 = vector.shape_cast %swap3A_88 : vector<1x16xf32> to vector<16xf32>
    %swap3A_90 = vector.shape_cast %broadcast_in_dim3A_1 : vector<16xf32> to vector<1x16xf32>
    tpu.vector_store %arg8[%swap3A_86, %swap3A_87], %swap3A_90 {strides = array<i32>} : memref<8x128xf32, #tpu.memory_space<vmem>>, vector<1x16xf32>,
    %swap3A_91 = arith.constant 1 : i32
    %swap3A_92 = arith.index_cast %swap3A_91 : i32 to index
    %swap3A_93 = arith.constant 112 : index
    %swap3A_94 = tpu.vector_load %arg8[%swap3A_92, %swap3A_93] {strides = array<i32>} : memref<8x128xf32, #tpu.memory_space<vmem>>, vector<1x16xf32>,
    %swap3A_95 = vector.shape_cast %swap3A_94 : vector<1x16xf32> to vector<16xf32>
    %swap3A_96 = vector.shape_cast %broadcast_in_dim3A_1 : vector<16xf32> to vector<1x16xf32>
    tpu.vector_store %arg8[%swap3A_92, %swap3A_93], %swap3A_96 {strides = array<i32>} : memref<8x128xf32, #tpu.memory_space<vmem>>, vector<1x16xf32>,
    %swap3A_97 = arith.constant 2 : i32
    %swap3A_98 = arith.index_cast %swap3A_97 : i32 to index
    %swap3A_99 = arith.constant 0 : index
    %swap3A_100 = tpu.vector_load %arg8[%swap3A_98, %swap3A_99] {strides = array<i32>} : memref<8x128xf32, #tpu.memory_space<vmem>>, vector<1x16xf32>,
    %swap3A_101 = vector.shape_cast %swap3A_100 : vector<1x16xf32> to vector<16xf32>
    %swap3A_102 = vector.shape_cast %broadcast_in_dim3A_1 : vector<16xf32> to vector<1x16xf32>
    tpu.vector_store %arg8[%swap3A_98, %swap3A_99], %swap3A_102 {strides = array<i32>} : memref<8x128xf32, #tpu.memory_space<vmem>>, vector<1x16xf32>,
    %swap3A_103 = arith.constant 2 : i32
    %swap3A_104 = arith.index_cast %swap3A_103 : i32 to index
    %swap3A_105 = arith.constant 16 : index
    %swap3A_106 = tpu.vector_load %arg8[%swap3A_104, %swap3A_105] {strides = array<i32>} : memref<8x128xf32, #tpu.memory_space<vmem>>, vector<1x16xf32>,
    %swap3A_107 = vector.shape_cast %swap3A_106 : vector<1x16xf32> to vector<16xf32>
    %swap3A_108 = vector.shape_cast %broadcast_in_dim3A_1 : vector<16xf32> to vector<1x16xf32>
    tpu.vector_store %arg8[%swap3A_104, %swap3A_105], %swap3A_108 {strides = array<i32>} : memref<8x128xf32, #tpu.memory_space<vmem>>, vector<1x16xf32>,
    %swap3A_109 = arith.constant 2 : i32
    %swap3A_110 = arith.index_cast %swap3A_109 : i32 to index
    %swap3A_111 = arith.constant 32 : index
    %swap3A_112 = tpu.vector_load %arg8[%swap3A_110, %swap3A_111] {strides = array<i32>} : memref<8x128xf32, #tpu.memory_space<vmem>>, vector<1x16xf32>,
    %swap3A_113 = vector.shape_cast %swap3A_112 : vector<1x16xf32> to vector<16xf32>
    %swap3A_114 = vector.shape_cast %broadcast_in_dim3A_1 : vector<16xf32> to vector<1x16xf32>
    tpu.vector_store %arg8[%swap3A_110, %swap3A_111], %swap3A_114 {strides = array<i32>} : memref<8x128xf32, #tpu.memory_space<vmem>>, vector<1x16xf32>,
    %swap3A_115 = arith.constant 2 : i32
    %swap3A_116 = arith.index_cast %swap3A_115 : i32 to index
    %swap3A_117 = arith.constant 48 : index
    %swap3A_118 = tpu.vector_load %arg8[%swap3A_116, %swap3A_117] {strides = array<i32>} : memref<8x128xf32, #tpu.memory_space<vmem>>, vector<1x16xf32>,
    %swap3A_119 = vector.shape_cast %swap3A_118 : vector<1x16xf32> to vector<16xf32>
    %swap3A_120 = vector.shape_cast %broadcast_in_dim3A_1 : vector<16xf32> to vector<1x16xf32>
    tpu.vector_store %arg8[%swap3A_116, %swap3A_117], %swap3A_120 {strides = array<i32>} : memref<8x128xf32, #tpu.memory_space<vmem>>, vector<1x16xf32>,
    %swap3A_121 = arith.constant 2 : i32
    %swap3A_122 = arith.index_cast %swap3A_121 : i32 to index
    %swap3A_123 = arith.constant 64 : index
    %swap3A_124 = tpu.vector_load %arg8[%swap3A_122, %swap3A_123] {strides = array<i32>} : memref<8x128xf32, #tpu.memory_space<vmem>>, vector<1x16xf32>,
    %swap3A_125 = vector.shape_cast %swap3A_124 : vector<1x16xf32> to vector<16xf32>
    %swap3A_126 = vector.shape_cast %broadcast_in_dim3A_1 : vector<16xf32> to vector<1x16xf32>
    tpu.vector_store %arg8[%swap3A_122, %swap3A_123], %swap3A_126 {strides = array<i32>} : memref<8x128xf32, #tpu.memory_space<vmem>>, vector<1x16xf32>,
    %swap3A_127 = arith.constant 2 : i32
    %swap3A_128 = arith.index_cast %swap3A_127 : i32 to index
    %swap3A_129 = arith.constant 80 : index
    %swap3A_130 = tpu.vector_load %arg8[%swap3A_128, %swap3A_129] {strides = array<i32>} : memref<8x128xf32, #tpu.memory_space<vmem>>, vector<1x16xf32>,
    %swap3A_131 = vector.shape_cast %swap3A_130 : vector<1x16xf32> to vector<16xf32>
    %swap3A_132 = vector.shape_cast %broadcast_in_dim3A_1 : vector<16xf32> to vector<1x16xf32>
    tpu.vector_store %arg8[%swap3A_128, %swap3A_129], %swap3A_132 {strides = array<i32>} : memref<8x128xf32, #tpu.memory_space<vmem>>, vector<1x16xf32>,
    %swap3A_133 = arith.constant 2 : i32
    %swap3A_134 = arith.index_cast %swap3A_133 : i32 to index
    %swap3A_135 = arith.constant 96 : index
    %swap3A_136 = tpu.vector_load %arg8[%swap3A_134, %swap3A_135] {strides = array<i32>} : memref<8x128xf32, #tpu.memory_space<vmem>>, vector<1x16xf32>,
    %swap3A_137 = vector.shape_cast %swap3A_136 : vector<1x16xf32> to vector<16xf32>
    %swap3A_138 = vector.shape_cast %broadcast_in_dim3A_1 : vector<16xf32> to vector<1x16xf32>
    tpu.vector_store %arg8[%swap3A_134, %swap3A_135], %swap3A_138 {strides = array<i32>} : memref<8x128xf32, #tpu.memory_space<vmem>>, vector<1x16xf32>,
    %swap3A_139 = arith.constant 2 : i32
    %swap3A_140 = arith.index_cast %swap3A_139 : i32 to index
    %swap3A_141 = arith.constant 112 : index
    %swap3A_142 = tpu.vector_load %arg8[%swap3A_140, %swap3A_141] {strides = array<i32>} : memref<8x128xf32, #tpu.memory_space<vmem>>, vector<1x16xf32>,
    %swap3A_143 = vector.shape_cast %swap3A_142 : vector<1x16xf32> to vector<16xf32>
    %swap3A_144 = vector.shape_cast %broadcast_in_dim3A_1 : vector<16xf32> to vector<1x16xf32>
    tpu.vector_store %arg8[%swap3A_140, %swap3A_141], %swap3A_144 {strides = array<i32>} : memref<8x128xf32, #tpu.memory_space<vmem>>, vector<1x16xf32>,
    %swap3A_145 = arith.constant 3 : i32
    %swap3A_146 = arith.index_cast %swap3A_145 : i32 to index
    %swap3A_147 = arith.constant 0 : index
    %swap3A_148 = tpu.vector_load %arg8[%swap3A_146, %swap3A_147] {strides = array<i32>} : memref<8x128xf32, #tpu.memory_space<vmem>>, vector<1x16xf32>,
    %swap3A_149 = vector.shape_cast %swap3A_148 : vector<1x16xf32> to vector<16xf32>
    %swap3A_150 = vector.shape_cast %broadcast_in_dim3A_1 : vector<16xf32> to vector<1x16xf32>
    tpu.vector_store %arg8[%swap3A_146, %swap3A_147], %swap3A_150 {strides = array<i32>} : memref<8x128xf32, #tpu.memory_space<vmem>>, vector<1x16xf32>,
    %swap3A_151 = arith.constant 3 : i32
    %swap3A_152 = arith.index_cast %swap3A_151 : i32 to index
    %swap3A_153 = arith.constant 16 : index
    %swap3A_154 = tpu.vector_load %arg8[%swap3A_152, %swap3A_153] {strides = array<i32>} : memref<8x128xf32, #tpu.memory_space<vmem>>, vector<1x16xf32>,
    %swap3A_155 = vector.shape_cast %swap3A_154 : vector<1x16xf32> to vector<16xf32>
    %swap3A_156 = vector.shape_cast %broadcast_in_dim3A_1 : vector<16xf32> to vector<1x16xf32>
    tpu.vector_store %arg8[%swap3A_152, %swap3A_153], %swap3A_156 {strides = array<i32>} : memref<8x128xf32, #tpu.memory_space<vmem>>, vector<1x16xf32>,
    %swap3A_157 = arith.constant 3 : i32
    %swap3A_158 = arith.index_cast %swap3A_157 : i32 to index
    %swap3A_159 = arith.constant 32 : index
    %swap3A_160 = tpu.vector_load %arg8[%swap3A_158, %swap3A_159] {strides = array<i32>} : memref<8x128xf32, #tpu.memory_space<vmem>>, vector<1x16xf32>,
    %swap3A_161 = vector.shape_cast %swap3A_160 : vector<1x16xf32> to vector<16xf32>
    %swap3A_162 = vector.shape_cast %broadcast_in_dim3A_1 : vector<16xf32> to vector<1x16xf32>
    tpu.vector_store %arg8[%swap3A_158, %swap3A_159], %swap3A_162 {strides = array<i32>} : memref<8x128xf32, #tpu.memory_space<vmem>>, vector<1x16xf32>,
    %swap3A_163 = arith.constant 3 : i32
    %swap3A_164 = arith.index_cast %swap3A_163 : i32 to index
    %swap3A_165 = arith.constant 48 : index
    %swap3A_166 = tpu.vector_load %arg8[%swap3A_164, %swap3A_165] {strides = array<i32>} : memref<8x128xf32, #tpu.memory_space<vmem>>, vector<1x16xf32>,
    %swap3A_167 = vector.shape_cast %swap3A_166 : vector<1x16xf32> to vector<16xf32>
    %swap3A_168 = vector.shape_cast %broadcast_in_dim3A_1 : vector<16xf32> to vector<1x16xf32>
    tpu.vector_store %arg8[%swap3A_164, %swap3A_165], %swap3A_168 {strides = array<i32>} : memref<8x128xf32, #tpu.memory_space<vmem>>, vector<1x16xf32>,
    %swap3A_169 = arith.constant 3 : i32
    %swap3A_170 = arith.index_cast %swap3A_169 : i32 to index
    %swap3A_171 = arith.constant 64 : index
    %swap3A_172 = tpu.vector_load %arg8[%swap3A_170, %swap3A_171] {strides = array<i32>} : memref<8x128xf32, #tpu.memory_space<vmem>>, vector<1x16xf32>,
    %swap3A_173 = vector.shape_cast %swap3A_172 : vector<1x16xf32> to vector<16xf32>
    %swap3A_174 = vector.shape_cast %broadcast_in_dim3A_1 : vector<16xf32> to vector<1x16xf32>
    tpu.vector_store %arg8[%swap3A_170, %swap3A_171], %swap3A_174 {strides = array<i32>} : memref<8x128xf32, #tpu.memory_space<vmem>>, vector<1x16xf32>,
    %swap3A_175 = arith.constant 3 : i32
    %swap3A_176 = arith.index_cast %swap3A_175 : i32 to index
    %swap3A_177 = arith.constant 80 : index
    %swap3A_178 = tpu.vector_load %arg8[%swap3A_176, %swap3A_177] {strides = array<i32>} : memref<8x128xf32, #tpu.memory_space<vmem>>, vector<1x16xf32>,
    %swap3A_179 = vector.shape_cast %swap3A_178 : vector<1x16xf32> to vector<16xf32>
    %swap3A_180 = vector.shape_cast %broadcast_in_dim3A_1 : vector<16xf32> to vector<1x16xf32>
    tpu.vector_store %arg8[%swap3A_176, %swap3A_177], %swap3A_180 {strides = array<i32>} : memref<8x128xf32, #tpu.memory_space<vmem>>, vector<1x16xf32>,
    %swap3A_181 = arith.constant 3 : i32
    %swap3A_182 = arith.index_cast %swap3A_181 : i32 to index
    %swap3A_183 = arith.constant 96 : index
    %swap3A_184 = tpu.vector_load %arg8[%swap3A_182, %swap3A_183] {strides = array<i32>} : memref<8x128xf32, #tpu.memory_space<vmem>>, vector<1x16xf32>,
    %swap3A_185 = vector.shape_cast %swap3A_184 : vector<1x16xf32> to vector<16xf32>
    %swap3A_186 = vector.shape_cast %broadcast_in_dim3A_1 : vector<16xf32> to vector<1x16xf32>
    tpu.vector_store %arg8[%swap3A_182, %swap3A_183], %swap3A_186 {strides = array<i32>} : memref<8x128xf32, #tpu.memory_space<vmem>>, vector<1x16xf32>,
    %swap3A_187 = arith.constant 3 : i32
    %swap3A_188 = arith.index_cast %swap3A_187 : i32 to index
    %swap3A_189 = arith.constant 112 : index
    %swap3A_190 = tpu.vector_load %arg8[%swap3A_188, %swap3A_189] {strides = array<i32>} : memref<8x128xf32, #tpu.memory_space<vmem>>, vector<1x16xf32>,
    %swap3A_191 = vector.shape_cast %swap3A_190 : vector<1x16xf32> to vector<16xf32>
    %swap3A_192 = vector.shape_cast %broadcast_in_dim3A_1 : vector<16xf32> to vector<1x16xf32>
    tpu.vector_store %arg8[%swap3A_188, %swap3A_189], %swap3A_192 {strides = array<i32>} : memref<8x128xf32, #tpu.memory_space<vmem>>, vector<1x16xf32>,
    %swap3A_193 = arith.constant 4 : i32
    %swap3A_194 = arith.index_cast %swap3A_193 : i32 to index
    %swap3A_195 = arith.constant 0 : index
    %swap3A_196 = tpu.vector_load %arg8[%swap3A_194, %swap3A_195] {strides = array<i32>} : memref<8x128xf32, #tpu.memory_space<vmem>>, vector<1x16xf32>,
    %swap3A_197 = vector.shape_cast %swap3A_196 : vector<1x16xf32> to vector<16xf32>
    %swap3A_198 = vector.shape_cast %broadcast_in_dim3A_1 : vector<16xf32> to vector<1x16xf32>
    tpu.vector_store %arg8[%swap3A_194, %swap3A_195], %swap3A_198 {strides = array<i32>} : memref<8x128xf32, #tpu.memory_space<vmem>>, vector<1x16xf32>,
    %swap3A_199 = arith.constant 4 : i32
    %swap3A_200 = arith.index_cast %swap3A_199 : i32 to index
    %swap3A_201 = arith.constant 16 : index
    %swap3A_202 = tpu.vector_load %arg8[%swap3A_200, %swap3A_201] {strides = array<i32>} : memref<8x128xf32, #tpu.memory_space<vmem>>, vector<1x16xf32>,
    %swap3A_203 = vector.shape_cast %swap3A_202 : vector<1x16xf32> to vector<16xf32>
    %swap3A_204 = vector.shape_cast %broadcast_in_dim3A_1 : vector<16xf32> to vector<1x16xf32>
    tpu.vector_store %arg8[%swap3A_200, %swap3A_201], %swap3A_204 {strides = array<i32>} : memref<8x128xf32, #tpu.memory_space<vmem>>, vector<1x16xf32>,
    %swap3A_205 = arith.constant 4 : i32
    %swap3A_206 = arith.index_cast %swap3A_205 : i32 to index
    %swap3A_207 = arith.constant 32 : index
    %swap3A_208 = tpu.vector_load %arg8[%swap3A_206, %swap3A_207] {strides = array<i32>} : memref<8x128xf32, #tpu.memory_space<vmem>>, vector<1x16xf32>,
    %swap3A_209 = vector.shape_cast %swap3A_208 : vector<1x16xf32> to vector<16xf32>
    %swap3A_210 = vector.shape_cast %broadcast_in_dim3A_1 : vector<16xf32> to vector<1x16xf32>
    tpu.vector_store %arg8[%swap3A_206, %swap3A_207], %swap3A_210 {strides = array<i32>} : memref<8x128xf32, #tpu.memory_space<vmem>>, vector<1x16xf32>,
    %swap3A_211 = arith.constant 4 : i32
    %swap3A_212 = arith.index_cast %swap3A_211 : i32 to index
    %swap3A_213 = arith.constant 48 : index
    %swap3A_214 = tpu.vector_load %arg8[%swap3A_212, %swap3A_213] {strides = array<i32>} : memref<8x128xf32, #tpu.memory_space<vmem>>, vector<1x16xf32>,
    %swap3A_215 = vector.shape_cast %swap3A_214 : vector<1x16xf32> to vector<16xf32>
    %swap3A_216 = vector.shape_cast %broadcast_in_dim3A_1 : vector<16xf32> to vector<1x16xf32>
    tpu.vector_store %arg8[%swap3A_212, %swap3A_213], %swap3A_216 {strides = array<i32>} : memref<8x128xf32, #tpu.memory_space<vmem>>, vector<1x16xf32>,
    %swap3A_217 = arith.constant 4 : i32
    %swap3A_218 = arith.index_cast %swap3A_217 : i32 to index
    %swap3A_219 = arith.constant 64 : index
    %swap3A_220 = tpu.vector_load %arg8[%swap3A_218, %swap3A_219] {strides = array<i32>} : memref<8x128xf32, #tpu.memory_space<vmem>>, vector<1x16xf32>,
    %swap3A_221 = vector.shape_cast %swap3A_220 : vector<1x16xf32> to vector<16xf32>
    %swap3A_222 = vector.shape_cast %broadcast_in_dim3A_1 : vector<16xf32> to vector<1x16xf32>
    tpu.vector_store %arg8[%swap3A_218, %swap3A_219], %swap3A_222 {strides = array<i32>} : memref<8x128xf32, #tpu.memory_space<vmem>>, vector<1x16xf32>,
    %swap3A_223 = arith.constant 4 : i32
    %swap3A_224 = arith.index_cast %swap3A_223 : i32 to index
    %swap3A_225 = arith.constant 80 : index
    %swap3A_226 = tpu.vector_load %arg8[%swap3A_224, %swap3A_225] {strides = array<i32>} : memref<8x128xf32, #tpu.memory_space<vmem>>, vector<1x16xf32>,
    %swap3A_227 = vector.shape_cast %swap3A_226 : vector<1x16xf32> to vector<16xf32>
    %swap3A_228 = vector.shape_cast %broadcast_in_dim3A_1 : vector<16xf32> to vector<1x16xf32>
    tpu.vector_store %arg8[%swap3A_224, %swap3A_225], %swap3A_228 {strides = array<i32>} : memref<8x128xf32, #tpu.memory_space<vmem>>, vector<1x16xf32>,
    %swap3A_229 = arith.constant 4 : i32
    %swap3A_230 = arith.index_cast %swap3A_229 : i32 to index
    %swap3A_231 = arith.constant 96 : index
    %swap3A_232 = tpu.vector_load %arg8[%swap3A_230, %swap3A_231] {strides = array<i32>} : memref<8x128xf32, #tpu.memory_space<vmem>>, vector<1x16xf32>,
    %swap3A_233 = vector.shape_cast %swap3A_232 : vector<1x16xf32> to vector<16xf32>
    %swap3A_234 = vector.shape_cast %broadcast_in_dim3A_1 : vector<16xf32> to vector<1x16xf32>
    tpu.vector_store %arg8[%swap3A_230, %swap3A_231], %swap3A_234 {strides = array<i32>} : memref<8x128xf32, #tpu.memory_space<vmem>>, vector<1x16xf32>,
    %swap3A_235 = arith.constant 4 : i32
    %swap3A_236 = arith.index_cast %swap3A_235 : i32 to index
    %swap3A_237 = arith.constant 112 : index
    %swap3A_238 = tpu.vector_load %arg8[%swap3A_236, %swap3A_237] {strides = array<i32>} : memref<8x128xf32, #tpu.memory_space<vmem>>, vector<1x16xf32>,
    %swap3A_239 = vector.shape_cast %swap3A_238 : vector<1x16xf32> to vector<16xf32>
    %swap3A_240 = vector.shape_cast %broadcast_in_dim3A_1 : vector<16xf32> to vector<1x16xf32>
    tpu.vector_store %arg8[%swap3A_236, %swap3A_237], %swap3A_240 {strides = array<i32>} : memref<8x128xf32, #tpu.memory_space<vmem>>, vector<1x16xf32>,
    %swap3A_241 = arith.constant 5 : i32
    %swap3A_242 = arith.index_cast %swap3A_241 : i32 to index
    %swap3A_243 = arith.constant 0 : index
    %swap3A_244 = tpu.vector_load %arg8[%swap3A_242, %swap3A_243] {strides = array<i32>} : memref<8x128xf32, #tpu.memory_space<vmem>>, vector<1x16xf32>,
    %swap3A_245 = vector.shape_cast %swap3A_244 : vector<1x16xf32> to vector<16xf32>
    %swap3A_246 = vector.shape_cast %broadcast_in_dim3A_1 : vector<16xf32> to vector<1x16xf32>
    tpu.vector_store %arg8[%swap3A_242, %swap3A_243], %swap3A_246 {strides = array<i32>} : memref<8x128xf32, #tpu.memory_space<vmem>>, vector<1x16xf32>,
    %swap3A_247 = arith.constant 5 : i32
    %swap3A_248 = arith.index_cast %swap3A_247 : i32 to index
    %swap3A_249 = arith.constant 16 : index
    %swap3A_250 = tpu.vector_load %arg8[%swap3A_248, %swap3A_249] {strides = array<i32>} : memref<8x128xf32, #tpu.memory_space<vmem>>, vector<1x16xf32>,
    %swap3A_251 = vector.shape_cast %swap3A_250 : vector<1x16xf32> to vector<16xf32>
    %swap3A_252 = vector.shape_cast %broadcast_in_dim3A_1 : vector<16xf32> to vector<1x16xf32>
    tpu.vector_store %arg8[%swap3A_248, %swap3A_249], %swap3A_252 {strides = array<i32>} : memref<8x128xf32, #tpu.memory_space<vmem>>, vector<1x16xf32>,
    %swap3A_253 = arith.constant 5 : i32
    %swap3A_254 = arith.index_cast %swap3A_253 : i32 to index
    %swap3A_255 = arith.constant 32 : index
    %swap3A_256 = tpu.vector_load %arg8[%swap3A_254, %swap3A_255] {strides = array<i32>} : memref<8x128xf32, #tpu.memory_space<vmem>>, vector<1x16xf32>,
    %swap3A_257 = vector.shape_cast %swap3A_256 : vector<1x16xf32> to vector<16xf32>
    %swap3A_258 = vector.shape_cast %broadcast_in_dim3A_1 : vector<16xf32> to vector<1x16xf32>
    tpu.vector_store %arg8[%swap3A_254, %swap3A_255], %swap3A_258 {strides = array<i32>} : memref<8x128xf32, #tpu.memory_space<vmem>>, vector<1x16xf32>,
    %swap3A_259 = arith.constant 5 : i32
    %swap3A_260 = arith.index_cast %swap3A_259 : i32 to index
    %swap3A_261 = arith.constant 48 : index
    %swap3A_262 = tpu.vector_load %arg8[%swap3A_260, %swap3A_261] {strides = array<i32>} : memref<8x128xf32, #tpu.memory_space<vmem>>, vector<1x16xf32>,
    %swap3A_263 = vector.shape_cast %swap3A_262 : vector<1x16xf32> to vector<16xf32>
    %swap3A_264 = vector.shape_cast %broadcast_in_dim3A_1 : vector<16xf32> to vector<1x16xf32>
    tpu.vector_store %arg8[%swap3A_260, %swap3A_261], %swap3A_264 {strides = array<i32>} : memref<8x128xf32, #tpu.memory_space<vmem>>, vector<1x16xf32>,
    %swap3A_265 = arith.constant 5 : i32
    %swap3A_266 = arith.index_cast %swap3A_265 : i32 to index
    %swap3A_267 = arith.constant 64 : index
    %swap3A_268 = tpu.vector_load %arg8[%swap3A_266, %swap3A_267] {strides = array<i32>} : memref<8x128xf32, #tpu.memory_space<vmem>>, vector<1x16xf32>,
    %swap3A_269 = vector.shape_cast %swap3A_268 : vector<1x16xf32> to vector<16xf32>
    %swap3A_270 = vector.shape_cast %broadcast_in_dim3A_1 : vector<16xf32> to vector<1x16xf32>
    tpu.vector_store %arg8[%swap3A_266, %swap3A_267], %swap3A_270 {strides = array<i32>} : memref<8x128xf32, #tpu.memory_space<vmem>>, vector<1x16xf32>,
    %swap3A_271 = arith.constant 5 : i32
    %swap3A_272 = arith.index_cast %swap3A_271 : i32 to index
    %swap3A_273 = arith.constant 80 : index
    %swap3A_274 = tpu.vector_load %arg8[%swap3A_272, %swap3A_273] {strides = array<i32>} : memref<8x128xf32, #tpu.memory_space<vmem>>, vector<1x16xf32>,
    %swap3A_275 = vector.shape_cast %swap3A_274 : vector<1x16xf32> to vector<16xf32>
    %swap3A_276 = vector.shape_cast %broadcast_in_dim3A_1 : vector<16xf32> to vector<1x16xf32>
    tpu.vector_store %arg8[%swap3A_272, %swap3A_273], %swap3A_276 {strides = array<i32>} : memref<8x128xf32, #tpu.memory_space<vmem>>, vector<1x16xf32>,
    %swap3A_277 = arith.constant 5 : i32
    %swap3A_278 = arith.index_cast %swap3A_277 : i32 to index
    %swap3A_279 = arith.constant 96 : index
    %swap3A_280 = tpu.vector_load %arg8[%swap3A_278, %swap3A_279] {strides = array<i32>} : memref<8x128xf32, #tpu.memory_space<vmem>>, vector<1x16xf32>,
    %swap3A_281 = vector.shape_cast %swap3A_280 : vector<1x16xf32> to vector<16xf32>
    %swap3A_282 = vector.shape_cast %broadcast_in_dim3A_1 : vector<16xf32> to vector<1x16xf32>
    tpu.vector_store %arg8[%swap3A_278, %swap3A_279], %swap3A_282 {strides = array<i32>} : memref<8x128xf32, #tpu.memory_space<vmem>>, vector<1x16xf32>,
    %swap3A_283 = arith.constant 5 : i32
    %swap3A_284 = arith.index_cast %swap3A_283 : i32 to index
    %swap3A_285 = arith.constant 112 : index
    %swap3A_286 = tpu.vector_load %arg8[%swap3A_284, %swap3A_285] {strides = array<i32>} : memref<8x128xf32, #tpu.memory_space<vmem>>, vector<1x16xf32>,
    %swap3A_287 = vector.shape_cast %swap3A_286 : vector<1x16xf32> to vector<16xf32>
    %swap3A_288 = vector.shape_cast %broadcast_in_dim3A_1 : vector<16xf32> to vector<1x16xf32>
    tpu.vector_store %arg8[%swap3A_284, %swap3A_285], %swap3A_288 {strides = array<i32>} : memref<8x128xf32, #tpu.memory_space<vmem>>, vector<1x16xf32>,
    %swap3A_289 = arith.constant 6 : i32
    %swap3A_290 = arith.index_cast %swap3A_289 : i32 to index
    %swap3A_291 = arith.constant 0 : index
    %swap3A_292 = tpu.vector_load %arg8[%swap3A_290, %swap3A_291] {strides = array<i32>} : memref<8x128xf32, #tpu.memory_space<vmem>>, vector<1x16xf32>,
    %swap3A_293 = vector.shape_cast %swap3A_292 : vector<1x16xf32> to vector<16xf32>
    %swap3A_294 = vector.shape_cast %broadcast_in_dim3A_1 : vector<16xf32> to vector<1x16xf32>
    tpu.vector_store %arg8[%swap3A_290, %swap3A_291], %swap3A_294 {strides = array<i32>} : memref<8x128xf32, #tpu.memory_space<vmem>>, vector<1x16xf32>,
    %swap3A_295 = arith.constant 6 : i32
    %swap3A_296 = arith.index_cast %swap3A_295 : i32 to index
    %swap3A_297 = arith.constant 16 : index
    %swap3A_298 = tpu.vector_load %arg8[%swap3A_296, %swap3A_297] {strides = array<i32>} : memref<8x128xf32, #tpu.memory_space<vmem>>, vector<1x16xf32>,
    %swap3A_299 = vector.shape_cast %swap3A_298 : vector<1x16xf32> to vector<16xf32>
    %swap3A_300 = vector.shape_cast %broadcast_in_dim3A_1 : vector<16xf32> to vector<1x16xf32>
    tpu.vector_store %arg8[%swap3A_296, %swap3A_297], %swap3A_300 {strides = array<i32>} : memref<8x128xf32, #tpu.memory_space<vmem>>, vector<1x16xf32>,
    %swap3A_301 = arith.constant 6 : i32
    %swap3A_302 = arith.index_cast %swap3A_301 : i32 to index
    %swap3A_303 = arith.constant 32 : index
    %swap3A_304 = tpu.vector_load %arg8[%swap3A_302, %swap3A_303] {strides = array<i32>} : memref<8x128xf32, #tpu.memory_space<vmem>>, vector<1x16xf32>,
    %swap3A_305 = vector.shape_cast %swap3A_304 : vector<1x16xf32> to vector<16xf32>
    %swap3A_306 = vector.shape_cast %broadcast_in_dim3A_1 : vector<16xf32> to vector<1x16xf32>
    tpu.vector_store %arg8[%swap3A_302, %swap3A_303], %swap3A_306 {strides = array<i32>} : memref<8x128xf32, #tpu.memory_space<vmem>>, vector<1x16xf32>,
    %swap3A_307 = arith.constant 6 : i32
    %swap3A_308 = arith.index_cast %swap3A_307 : i32 to index
    %swap3A_309 = arith.constant 48 : index
    %swap3A_310 = tpu.vector_load %arg8[%swap3A_308, %swap3A_309] {strides = array<i32>} : memref<8x128xf32, #tpu.memory_space<vmem>>, vector<1x16xf32>,
    %swap3A_311 = vector.shape_cast %swap3A_310 : vector<1x16xf32> to vector<16xf32>
    %swap3A_312 = vector.shape_cast %broadcast_in_dim3A_1 : vector<16xf32> to vector<1x16xf32>
    tpu.vector_store %arg8[%swap3A_308, %swap3A_309], %swap3A_312 {strides = array<i32>} : memref<8x128xf32, #tpu.memory_space<vmem>>, vector<1x16xf32>,
    %swap3A_313 = arith.constant 6 : i32
    %swap3A_314 = arith.index_cast %swap3A_313 : i32 to index
    %swap3A_315 = arith.constant 64 : index
    %swap3A_316 = tpu.vector_load %arg8[%swap3A_314, %swap3A_315] {strides = array<i32>} : memref<8x128xf32, #tpu.memory_space<vmem>>, vector<1x16xf32>,
    %swap3A_317 = vector.shape_cast %swap3A_316 : vector<1x16xf32> to vector<16xf32>
    %swap3A_318 = vector.shape_cast %broadcast_in_dim3A_1 : vector<16xf32> to vector<1x16xf32>
    tpu.vector_store %arg8[%swap3A_314, %swap3A_315], %swap3A_318 {strides = array<i32>} : memref<8x128xf32, #tpu.memory_space<vmem>>, vector<1x16xf32>,
    %swap3A_319 = arith.constant 6 : i32
    %swap3A_320 = arith.index_cast %swap3A_319 : i32 to index
    %swap3A_321 = arith.constant 80 : index
    %swap3A_322 = tpu.vector_load %arg8[%swap3A_320, %swap3A_321] {strides = array<i32>} : memref<8x128xf32, #tpu.memory_space<vmem>>, vector<1x16xf32>,
    %swap3A_323 = vector.shape_cast %swap3A_322 : vector<1x16xf32> to vector<16xf32>
    %swap3A_324 = vector.shape_cast %broadcast_in_dim3A_1 : vector<16xf32> to vector<1x16xf32>
    tpu.vector_store %arg8[%swap3A_320, %swap3A_321], %swap3A_324 {strides = array<i32>} : memref<8x128xf32, #tpu.memory_space<vmem>>, vector<1x16xf32>,
    %swap3A_325 = arith.constant 6 : i32
    %swap3A_326 = arith.index_cast %swap3A_325 : i32 to index
    %swap3A_327 = arith.constant 96 : index
    %swap3A_328 = tpu.vector_load %arg8[%swap3A_326, %swap3A_327] {strides = array<i32>} : memref<8x128xf32, #tpu.memory_space<vmem>>, vector<1x16xf32>,
    %swap3A_329 = vector.shape_cast %swap3A_328 : vector<1x16xf32> to vector<16xf32>
    %swap3A_330 = vector.shape_cast %broadcast_in_dim3A_1 : vector<16xf32> to vector<1x16xf32>
    tpu.vector_store %arg8[%swap3A_326, %swap3A_327], %swap3A_330 {strides = array<i32>} : memref<8x128xf32, #tpu.memory_space<vmem>>, vector<1x16xf32>,
    %swap3A_331 = arith.constant 6 : i32
    %swap3A_332 = arith.index_cast %swap3A_331 : i32 to index
    %swap3A_333 = arith.constant 112 : index
    %swap3A_334 = tpu.vector_load %arg8[%swap3A_332, %swap3A_333] {strides = array<i32>} : memref<8x128xf32, #tpu.memory_space<vmem>>, vector<1x16xf32>,
    %swap3A_335 = vector.shape_cast %swap3A_334 : vector<1x16xf32> to vector<16xf32>
    %swap3A_336 = vector.shape_cast %broadcast_in_dim3A_1 : vector<16xf32> to vector<1x16xf32>
    tpu.vector_store %arg8[%swap3A_332, %swap3A_333], %swap3A_336 {strides = array<i32>} : memref<8x128xf32, #tpu.memory_space<vmem>>, vector<1x16xf32>,
    %swap3A_337 = arith.constant 7 : i32
    %swap3A_338 = arith.index_cast %swap3A_337 : i32 to index
    %swap3A_339 = arith.constant 0 : index
    %swap3A_340 = tpu.vector_load %arg8[%swap3A_338, %swap3A_339] {strides = array<i32>} : memref<8x128xf32, #tpu.memory_space<vmem>>, vector<1x16xf32>,
    %swap3A_341 = vector.shape_cast %swap3A_340 : vector<1x16xf32> to vector<16xf32>
    %swap3A_342 = vector.shape_cast %broadcast_in_dim3A_1 : vector<16xf32> to vector<1x16xf32>
    tpu.vector_store %arg8[%swap3A_338, %swap3A_339], %swap3A_342 {strides = array<i32>} : memref<8x128xf32, #tpu.memory_space<vmem>>, vector<1x16xf32>,
    %swap3A_343 = arith.constant 7 : i32
    %swap3A_344 = arith.index_cast %swap3A_343 : i32 to index
    %swap3A_345 = arith.constant 16 : index
    %swap3A_346 = tpu.vector_load %arg8[%swap3A_344, %swap3A_345] {strides = array<i32>} : memref<8x128xf32, #tpu.memory_space<vmem>>, vector<1x16xf32>,
    %swap3A_347 = vector.shape_cast %swap3A_346 : vector<1x16xf32> to vector<16xf32>
    %swap3A_348 = vector.shape_cast %broadcast_in_dim3A_1 : vector<16xf32> to vector<1x16xf32>
    tpu.vector_store %arg8[%swap3A_344, %swap3A_345], %swap3A_348 {strides = array<i32>} : memref<8x128xf32, #tpu.memory_space<vmem>>, vector<1x16xf32>,
    %swap3A_349 = arith.constant 7 : i32
    %swap3A_350 = arith.index_cast %swap3A_349 : i32 to index
    %swap3A_351 = arith.constant 32 : index
    %swap3A_352 = tpu.vector_load %arg8[%swap3A_350, %swap3A_351] {strides = array<i32>} : memref<8x128xf32, #tpu.memory_space<vmem>>, vector<1x16xf32>,
    %swap3A_353 = vector.shape_cast %swap3A_352 : vector<1x16xf32> to vector<16xf32>
    %swap3A_354 = vector.shape_cast %broadcast_in_dim3A_1 : vector<16xf32> to vector<1x16xf32>
    tpu.vector_store %arg8[%swap3A_350, %swap3A_351], %swap3A_354 {strides = array<i32>} : memref<8x128xf32, #tpu.memory_space<vmem>>, vector<1x16xf32>,
    %swap3A_355 = arith.constant 7 : i32
    %swap3A_356 = arith.index_cast %swap3A_355 : i32 to index
    %swap3A_357 = arith.constant 48 : index
    %swap3A_358 = tpu.vector_load %arg8[%swap3A_356, %swap3A_357] {strides = array<i32>} : memref<8x128xf32, #tpu.memory_space<vmem>>, vector<1x16xf32>,
    %swap3A_359 = vector.shape_cast %swap3A_358 : vector<1x16xf32> to vector<16xf32>
    %swap3A_360 = vector.shape_cast %broadcast_in_dim3A_1 : vector<16xf32> to vector<1x16xf32>
    tpu.vector_store %arg8[%swap3A_356, %swap3A_357], %swap3A_360 {strides = array<i32>} : memref<8x128xf32, #tpu.memory_space<vmem>>, vector<1x16xf32>,
    %swap3A_361 = arith.constant 7 : i32
    %swap3A_362 = arith.index_cast %swap3A_361 : i32 to index
    %swap3A_363 = arith.constant 64 : index
    %swap3A_364 = tpu.vector_load %arg8[%swap3A_362, %swap3A_363] {strides = array<i32>} : memref<8x128xf32, #tpu.memory_space<vmem>>, vector<1x16xf32>,
    %swap3A_365 = vector.shape_cast %swap3A_364 : vector<1x16xf32> to vector<16xf32>
    %swap3A_366 = vector.shape_cast %broadcast_in_dim3A_1 : vector<16xf32> to vector<1x16xf32>
    tpu.vector_store %arg8[%swap3A_362, %swap3A_363], %swap3A_366 {strides = array<i32>} : memref<8x128xf32, #tpu.memory_space<vmem>>, vector<1x16xf32>,
    %swap3A_367 = arith.constant 7 : i32
    %swap3A_368 = arith.index_cast %swap3A_367 : i32 to index
    %swap3A_369 = arith.constant 80 : index
    %swap3A_370 = tpu.vector_load %arg8[%swap3A_368, %swap3A_369] {strides = array<i32>} : memref<8x128xf32, #tpu.memory_space<vmem>>, vector<1x16xf32>,
    %swap3A_371 = vector.shape_cast %swap3A_370 : vector<1x16xf32> to vector<16xf32>
    %swap3A_372 = vector.shape_cast %broadcast_in_dim3A_1 : vector<16xf32> to vector<1x16xf32>
    tpu.vector_store %arg8[%swap3A_368, %swap3A_369], %swap3A_372 {strides = array<i32>} : memref<8x128xf32, #tpu.memory_space<vmem>>, vector<1x16xf32>,
    %swap3A_373 = arith.constant 7 : i32
    %swap3A_374 = arith.index_cast %swap3A_373 : i32 to index
    %swap3A_375 = arith.constant 96 : index
    %swap3A_376 = tpu.vector_load %arg8[%swap3A_374, %swap3A_375] {strides = array<i32>} : memref<8x128xf32, #tpu.memory_space<vmem>>, vector<1x16xf32>,
    %swap3A_377 = vector.shape_cast %swap3A_376 : vector<1x16xf32> to vector<16xf32>
    %swap3A_378 = vector.shape_cast %broadcast_in_dim3A_1 : vector<16xf32> to vector<1x16xf32>
    tpu.vector_store %arg8[%swap3A_374, %swap3A_375], %swap3A_378 {strides = array<i32>} : memref<8x128xf32, #tpu.memory_space<vmem>>, vector<1x16xf32>,
    %swap3A_379 = arith.constant 7 : i32
    %swap3A_380 = arith.index_cast %swap3A_379 : i32 to index
    %swap3A_381 = arith.constant 112 : index
    %swap3A_382 = tpu.vector_load %arg8[%swap3A_380, %swap3A_381] {strides = array<i32>} : memref<8x128xf32, #tpu.memory_space<vmem>>, vector<1x16xf32>,
    %swap3A_383 = vector.shape_cast %swap3A_382 : vector<1x16xf32> to vector<16xf32>
    %swap3A_384 = vector.shape_cast %broadcast_in_dim3A_1 : vector<16xf32> to vector<1x16xf32>
    tpu.vector_store %arg8[%swap3A_380, %swap3A_381], %swap3A_384 {strides = array<i32>} : memref<8x128xf32, #tpu.memory_space<vmem>>, vector<1x16xf32>,
    %mul3A_385 = arith.constant 640 : i32
    %mul3A_386 = arith.muli %arg1, %mul3A_385 : i32
    %scan3A = arith.constant 0 : i32
    %scan3A_387 = arith.constant 80 : i32
    %scan3A_388 = arith.addi %scan3A, %scan3A_387 : i32
    %scan3A_389 = arith.constant 1 : i32
    scf.for %scan3A_437 = %scan3A to %scan3A_388 step %scan3A_389  : i32 {
      %mul3A_438 = arith.constant 8 : i32
      %mul3A_439 = arith.muli %scan3A_437, %mul3A_438 : i32
      %add3A_440 = arith.addi %mul3A_386, %mul3A_439 : i32
      "tpu.region"() ({
        %run_scoped3A = tpu.sem_alloc : memref<!tpu.dma_semaphore, #tpu.memory_space<semaphore_mem>>
        %dma_start3A_441 = arith.constant 0 : i32
        %dma_start3A_442 = tpu.memref_slice %arg9[%add3A_440, %dma_start3A_441] : memref<10240x128xf32, #tpu.memory_space<vmem_shared>> -> memref<8x128xf32, #tpu.memory_space<vmem_shared>>
        %dma_start3A_443 = arith.constant 0 : i32
        %dma_start3A_444 = tpu.memref_slice %arg9[%add3A_440, %dma_start3A_443] : memref<10240x128xf32, #tpu.memory_space<vmem_shared>> -> memref<8x128xf32, #tpu.memory_space<vmem_shared>>
        tpu.enqueue_dma source(%arg8 : memref<8x128xf32, #tpu.memory_space<vmem>>) target(%dma_start3A_444 : memref<8x128xf32, #tpu.memory_space<vmem_shared>>) target_semaphore(%run_scoped3A : memref<!tpu.dma_semaphore, #tpu.memory_space<semaphore_mem>>)
        %dma_wait3A = arith.constant 0 : i32
        %dma_wait3A_445 = tpu.memref_slice %arg9[%add3A_440, %dma_wait3A] : memref<10240x128xf32, #tpu.memory_space<vmem_shared>> -> memref<8x128xf32, #tpu.memory_space<vmem_shared>>
        %dma_wait3A_446 = arith.constant 0 : i32
        %dma_wait3A_447 = tpu.memref_slice %arg9[%add3A_440, %dma_wait3A_446] : memref<10240x128xf32, #tpu.memory_space<vmem_shared>> -> memref<8x128xf32, #tpu.memory_space<vmem_shared>>
        tpu.wait_dma2 semaphore(%run_scoped3A : memref<!tpu.dma_semaphore, #tpu.memory_space<semaphore_mem>>) src(%arg8 : memref<8x128xf32, #tpu.memory_space<vmem>>) dst(%dma_wait3A_447 : memref<8x128xf32, #tpu.memory_space<vmem_shared>>)
        tpu.yield
      }) : () -> ()
    }
    %scan3A_390 = arith.constant 80 : i32
    %barrier3A = arith.constant 0 : index
    tpu.barrier barrier_id(%barrier3A)
    %mul3A_391 = arith.constant 2 : i32
    %mul3A_392 = arith.muli %add3A, %mul3A_391 : i32
    %mul3A_393 = arith.constant 80 : i32
    %mul3A_394 = arith.muli %mul3A_392, %mul3A_393 : i32
    %add3A_395 = arith.constant 0 : i32
    %add3A_396 = arith.addi %mul3A_394, %add3A_395 : i32
    "tpu.region"() ({
      %run_scoped3A = tpu.sem_alloc : memref<!tpu.dma_semaphore, #tpu.memory_space<semaphore_mem>>
      %dma_start3A_437 = arith.constant 0 : i32
      %dma_start3A_438 = tpu.memref_slice %arg3[%add3A_396, %dma_start3A_437] : memref<5120x128xi32, #tpu.memory_space<hbm>> -> memref<80x128xi32, #tpu.memory_space<hbm>>
      %dma_start3A_439 = arith.constant 0 : i32
      %dma_start3A_440 = tpu.memref_slice %arg3[%add3A_396, %dma_start3A_439] : memref<5120x128xi32, #tpu.memory_space<hbm>> -> memref<80x128xi32, #tpu.memory_space<hbm>>
      tpu.enqueue_dma source(%dma_start3A_440 : memref<80x128xi32, #tpu.memory_space<hbm>>) target(%arg5 : memref<80x128xi32, #tpu.memory_space<vmem>>) target_semaphore(%run_scoped3A : memref<!tpu.dma_semaphore, #tpu.memory_space<semaphore_mem>>)
      %dma_wait3A = arith.constant 0 : i32
      %dma_wait3A_441 = tpu.memref_slice %arg3[%add3A_396, %dma_wait3A] : memref<5120x128xi32, #tpu.memory_space<hbm>> -> memref<80x128xi32, #tpu.memory_space<hbm>>
      %dma_wait3A_442 = arith.constant 0 : i32
      %dma_wait3A_443 = tpu.memref_slice %arg3[%add3A_396, %dma_wait3A_442] : memref<5120x128xi32, #tpu.memory_space<hbm>> -> memref<80x128xi32, #tpu.memory_space<hbm>>
      tpu.wait_dma2 semaphore(%run_scoped3A : memref<!tpu.dma_semaphore, #tpu.memory_space<semaphore_mem>>) src(%dma_wait3A_443 : memref<80x128xi32, #tpu.memory_space<hbm>>) dst(%arg5 : memref<80x128xi32, #tpu.memory_space<vmem>>)
      tpu.yield
    }) : () -> ()
    %dma_start3A = arith.constant 0 : i32
    %dma_start3A_397 = arith.constant 0 : i32
    %dma_start3A_398 = tpu.memref_slice %arg5[%dma_start3A, %dma_start3A_397] : memref<80x128xi32, #tpu.memory_space<vmem>> -> memref<1x128xi32, #tpu.memory_space<vmem>>
    %dma_start3A_399 = tpu.memref_squeeze %dma_start3A_398 : memref<1x128xi32, #tpu.memory_space<vmem>> -> memref<128xi32, #tpu.memory_space<vmem>>
    %dma_start3A_400 = arith.constant 0 : i32
    %dma_start3A_401 = arith.constant 0 : i32
    %dma_start3A_402 = tpu.memref_slice %arg2[%dma_start3A_400, %dma_start3A_401] : memref<10000x128xf32, #tpu.memory_space<hbm>> -> memref<10000x128xf32, #tpu.memory_space<hbm>>
    tpu.enqueue_indirect_dma source(%dma_start3A_402 : memref<10000x128xf32, #tpu.memory_space<hbm>>) target(%arg6 : memref<128x128xf32, #tpu.memory_space<vmem>>) offsets(%dma_start3A_399 : memref<128xi32, #tpu.memory_space<vmem>>) semaphore(%arg10 : memref<!tpu.dma_semaphore, #tpu.memory_space<semaphore_mem>>)
    %dma_start3A_403 = arith.constant 2 : i32
    %dma_start3A_404 = arith.constant 0 : i32
    %dma_start3A_405 = tpu.memref_slice %arg5[%dma_start3A_403, %dma_start3A_404] : memref<80x128xi32, #tpu.memory_space<vmem>> -> memref<1x128xi32, #tpu.memory_space<vmem>>
    %dma_start3A_406 = tpu.memref_squeeze %dma_start3A_405 : memref<1x128xi32, #tpu.memory_space<vmem>> -> memref<128xi32, #tpu.memory_space<vmem>>
    %dma_start3A_407 = arith.constant 0 : i32
    %dma_start3A_408 = arith.constant 0 : i32
    %dma_start3A_409 = tpu.memref_slice %arg2[%dma_start3A_407, %dma_start3A_408] : memref<10000x128xf32, #tpu.memory_space<hbm>> -> memref<10000x128xf32, #tpu.memory_space<hbm>>
    tpu.enqueue_indirect_dma source(%dma_start3A_409 : memref<10000x128xf32, #tpu.memory_space<hbm>>) target(%arg7 : memref<128x128xf32, #tpu.memory_space<vmem>>) offsets(%dma_start3A_406 : memref<128xi32, #tpu.memory_space<vmem>>) semaphore(%arg11 : memref<!tpu.dma_semaphore, #tpu.memory_space<semaphore_mem>>)
    %scan3A_410 = arith.constant 0 : i32
    %scan3A_411 = arith.constant 20 : i32
    %scan3A_412 = arith.addi %scan3A_410, %scan3A_411 : i32
    %scan3A_413 = arith.constant 1 : i32
    scf.for %scan3A_437 = %scan3A_410 to %scan3A_412 step %scan3A_413  : i32 {
      %mul3A_438 = arith.constant 2 : i32
      %mul3A_439 = arith.muli %mul3A_438, %scan3A_437 : i32
      %mul3A_440 = arith.constant 2 : i32
      %mul3A_441 = arith.muli %mul3A_440, %mul3A_439 : i32
      %dma_wait3A = arith.constant 0 : i32
      %dma_wait3A_442 = tpu.memref_slice %arg5[%mul3A_441, %dma_wait3A] : memref<80x128xi32, #tpu.memory_space<vmem>> -> memref<1x128xi32, #tpu.memory_space<vmem>>
      %dma_wait3A_443 = tpu.memref_squeeze %dma_wait3A_442 : memref<1x128xi32, #tpu.memory_space<vmem>> -> memref<128xi32, #tpu.memory_space<vmem>>
      %dma_wait3A_444 = arith.constant 0 : i32
      %dma_wait3A_445 = arith.constant 0 : i32
      %dma_wait3A_446 = tpu.memref_slice %arg2[%dma_wait3A_444, %dma_wait3A_445] : memref<10000x128xf32, #tpu.memory_space<hbm>> -> memref<10000x128xf32, #tpu.memory_space<hbm>>
      tpu.wait_indirect_dma semaphore(%arg10 : memref<!tpu.dma_semaphore, #tpu.memory_space<semaphore_mem>>) src(%dma_wait3A_446 : memref<10000x128xf32, #tpu.memory_space<hbm>>) dst(%arg6 : memref<128x128xf32, #tpu.memory_space<vmem>>)
      %mul3A_447 = arith.constant 2 : i32
      %mul3A_448 = arith.muli %mul3A_447, %mul3A_439 : i32
      %add3A_449 = arith.constant 1 : i32
      %add3A_450 = arith.addi %mul3A_448, %add3A_449 : i32
      "tpu.region"() ({
        %run_scoped3A = tpu.sem_alloc : memref<!tpu.dma_semaphore, #tpu.memory_space<semaphore_mem>>
        %dma_start3A_472 = arith.constant 0 : i32
        %dma_start3A_473 = tpu.memref_slice %arg5[%add3A_450, %dma_start3A_472] : memref<80x128xi32, #tpu.memory_space<vmem>> -> memref<1x128xi32, #tpu.memory_space<vmem>>
        %dma_start3A_474 = tpu.memref_squeeze %dma_start3A_473 : memref<1x128xi32, #tpu.memory_space<vmem>> -> memref<128xi32, #tpu.memory_space<vmem>>
        %dma_start3A_475 = arith.constant 0 : i32
        %dma_start3A_476 = arith.constant 0 : i32
        %dma_start3A_477 = tpu.memref_slice %arg9[%dma_start3A_475, %dma_start3A_476] : memref<10240x128xf32, #tpu.memory_space<vmem_shared>> -> memref<10240x128xf32, #tpu.memory_space<vmem_shared>>
        tpu.enqueue_indirect_dma source(%arg6 : memref<128x128xf32, #tpu.memory_space<vmem>>) target(%dma_start3A_477 : memref<10240x128xf32, #tpu.memory_space<vmem_shared>>) offsets(%dma_start3A_474 : memref<128xi32, #tpu.memory_space<vmem>>) semaphore(%run_scoped3A : memref<!tpu.dma_semaphore, #tpu.memory_space<semaphore_mem>>) {add = true}
        %dma_wait3A_478 = arith.constant 0 : i32
        %dma_wait3A_479 = tpu.memref_slice %arg5[%add3A_450, %dma_wait3A_478] : memref<80x128xi32, #tpu.memory_space<vmem>> -> memref<1x128xi32, #tpu.memory_space<vmem>>
        %dma_wait3A_480 = tpu.memref_squeeze %dma_wait3A_479 : memref<1x128xi32, #tpu.memory_space<vmem>> -> memref<128xi32, #tpu.memory_space<vmem>>
        %dma_wait3A_481 = arith.constant 0 : i32
        %dma_wait3A_482 = arith.constant 0 : i32
        %dma_wait3A_483 = tpu.memref_slice %arg9[%dma_wait3A_481, %dma_wait3A_482] : memref<10240x128xf32, #tpu.memory_space<vmem_shared>> -> memref<10240x128xf32, #tpu.memory_space<vmem_shared>>
        tpu.wait_indirect_dma semaphore(%run_scoped3A : memref<!tpu.dma_semaphore, #tpu.memory_space<semaphore_mem>>) src(%arg6 : memref<128x128xf32, #tpu.memory_space<vmem>>) dst(%dma_wait3A_483 : memref<10240x128xf32, #tpu.memory_space<vmem_shared>>)
        tpu.yield
      }) : () -> ()
      %lt3A = arith.constant 19 : i32
      %lt3A_451 = arith.cmpi slt, %scan3A_437, %lt3A : i32
      %convert_element_type3A = arith.extui %lt3A_451 : i1 to i32
      %cond3A = arith.constant 0 : i32
      %cond3A_452 = arith.cmpi ne, %convert_element_type3A, %cond3A : i32
      scf.if %cond3A_452 {
        %mul3A_472 = arith.constant 2 : i32
        %mul3A_473 = arith.muli %mul3A_472, %mul3A_439 : i32
        %add3A_474 = arith.constant 4 : i32
        %add3A_475 = arith.addi %mul3A_473, %add3A_474 : i32
        %dma_start3A_476 = arith.constant 0 : i32
        %dma_start3A_477 = tpu.memref_slice %arg5[%add3A_475, %dma_start3A_476] : memref<80x128xi32, #tpu.memory_space<vmem>> -> memref<1x128xi32, #tpu.memory_space<vmem>>
        %dma_start3A_478 = tpu.memref_squeeze %dma_start3A_477 : memref<1x128xi32, #tpu.memory_space<vmem>> -> memref<128xi32, #tpu.memory_space<vmem>>
        %dma_start3A_479 = arith.constant 0 : i32
        %dma_start3A_480 = arith.constant 0 : i32
        %dma_start3A_481 = tpu.memref_slice %arg2[%dma_start3A_479, %dma_start3A_480] : memref<10000x128xf32, #tpu.memory_space<hbm>> -> memref<10000x128xf32, #tpu.memory_space<hbm>>
        tpu.enqueue_indirect_dma source(%dma_start3A_481 : memref<10000x128xf32, #tpu.memory_space<hbm>>) target(%arg6 : memref<128x128xf32, #tpu.memory_space<vmem>>) offsets(%dma_start3A_478 : memref<128xi32, #tpu.memory_space<vmem>>) semaphore(%arg10 : memref<!tpu.dma_semaphore, #tpu.memory_space<semaphore_mem>>)
      } else {
      }
      %mul3A_453 = arith.constant 2 : i32
      %mul3A_454 = arith.muli %mul3A_453, %mul3A_439 : i32
      %add3A_455 = arith.constant 2 : i32
      %add3A_456 = arith.addi %mul3A_454, %add3A_455 : i32
      %dma_wait3A_457 = arith.constant 0 : i32
      %dma_wait3A_458 = tpu.memref_slice %arg5[%add3A_456, %dma_wait3A_457] : memref<80x128xi32, #tpu.memory_space<vmem>> -> memref<1x128xi32, #tpu.memory_space<vmem>>
      %dma_wait3A_459 = tpu.memref_squeeze %dma_wait3A_458 : memref<1x128xi32, #tpu.memory_space<vmem>> -> memref<128xi32, #tpu.memory_space<vmem>>
      %dma_wait3A_460 = arith.constant 0 : i32
      %dma_wait3A_461 = arith.constant 0 : i32
      %dma_wait3A_462 = tpu.memref_slice %arg2[%dma_wait3A_460, %dma_wait3A_461] : memref<10000x128xf32, #tpu.memory_space<hbm>> -> memref<10000x128xf32, #tpu.memory_space<hbm>>
      tpu.wait_indirect_dma semaphore(%arg11 : memref<!tpu.dma_semaphore, #tpu.memory_space<semaphore_mem>>) src(%dma_wait3A_462 : memref<10000x128xf32, #tpu.memory_space<hbm>>) dst(%arg7 : memref<128x128xf32, #tpu.memory_space<vmem>>)
      %mul3A_463 = arith.constant 2 : i32
      %mul3A_464 = arith.muli %mul3A_463, %mul3A_439 : i32
      %add3A_465 = arith.constant 3 : i32
      %add3A_466 = arith.addi %mul3A_464, %add3A_465 : i32
      "tpu.region"() ({
        %run_scoped3A = tpu.sem_alloc : memref<!tpu.dma_semaphore, #tpu.memory_space<semaphore_mem>>
        %dma_start3A_472 = arith.constant 0 : i32
        %dma_start3A_473 = tpu.memref_slice %arg5[%add3A_466, %dma_start3A_472] : memref<80x128xi32, #tpu.memory_space<vmem>> -> memref<1x128xi32, #tpu.memory_space<vmem>>
        %dma_start3A_474 = tpu.memref_squeeze %dma_start3A_473 : memref<1x128xi32, #tpu.memory_space<vmem>> -> memref<128xi32, #tpu.memory_space<vmem>>
        %dma_start3A_475 = arith.constant 0 : i32
        %dma_start3A_476 = arith.constant 0 : i32
        %dma_start3A_477 = tpu.memref_slice %arg9[%dma_start3A_475, %dma_start3A_476] : memref<10240x128xf32, #tpu.memory_space<vmem_shared>> -> memref<10240x128xf32, #tpu.memory_space<vmem_shared>>
        tpu.enqueue_indirect_dma source(%arg7 : memref<128x128xf32, #tpu.memory_space<vmem>>) target(%dma_start3A_477 : memref<10240x128xf32, #tpu.memory_space<vmem_shared>>) offsets(%dma_start3A_474 : memref<128xi32, #tpu.memory_space<vmem>>) semaphore(%run_scoped3A : memref<!tpu.dma_semaphore, #tpu.memory_space<semaphore_mem>>) {add = true}
        %dma_wait3A_478 = arith.constant 0 : i32
        %dma_wait3A_479 = tpu.memref_slice %arg5[%add3A_466, %dma_wait3A_478] : memref<80x128xi32, #tpu.memory_space<vmem>> -> memref<1x128xi32, #tpu.memory_space<vmem>>
        %dma_wait3A_480 = tpu.memref_squeeze %dma_wait3A_479 : memref<1x128xi32, #tpu.memory_space<vmem>> -> memref<128xi32, #tpu.memory_space<vmem>>
        %dma_wait3A_481 = arith.constant 0 : i32
        %dma_wait3A_482 = arith.constant 0 : i32
        %dma_wait3A_483 = tpu.memref_slice %arg9[%dma_wait3A_481, %dma_wait3A_482] : memref<10240x128xf32, #tpu.memory_space<vmem_shared>> -> memref<10240x128xf32, #tpu.memory_space<vmem_shared>>
        tpu.wait_indirect_dma semaphore(%run_scoped3A : memref<!tpu.dma_semaphore, #tpu.memory_space<semaphore_mem>>) src(%arg7 : memref<128x128xf32, #tpu.memory_space<vmem>>) dst(%dma_wait3A_483 : memref<10240x128xf32, #tpu.memory_space<vmem_shared>>)
        tpu.yield
      }) : () -> ()
      %lt3A_467 = arith.constant 19 : i32
      %lt3A_468 = arith.cmpi slt, %scan3A_437, %lt3A_467 : i32
      %convert_element_type3A_469 = arith.extui %lt3A_468 : i1 to i32
      %cond3A_470 = arith.constant 0 : i32
      %cond3A_471 = arith.cmpi ne, %convert_element_type3A_469, %cond3A_470 : i32
      scf.if %cond3A_471 {
        %mul3A_472 = arith.constant 2 : i32
        %mul3A_473 = arith.muli %mul3A_472, %mul3A_439 : i32
        %add3A_474 = arith.constant 6 : i32
        %add3A_475 = arith.addi %mul3A_473, %add3A_474 : i32
        %dma_start3A_476 = arith.constant 0 : i32
        %dma_start3A_477 = tpu.memref_slice %arg5[%add3A_475, %dma_start3A_476] : memref<80x128xi32, #tpu.memory_space<vmem>> -> memref<1x128xi32, #tpu.memory_space<vmem>>
        %dma_start3A_478 = tpu.memref_squeeze %dma_start3A_477 : memref<1x128xi32, #tpu.memory_space<vmem>> -> memref<128xi32, #tpu.memory_space<vmem>>
        %dma_start3A_479 = arith.constant 0 : i32
        %dma_start3A_480 = arith.constant 0 : i32
        %dma_start3A_481 = tpu.memref_slice %arg2[%dma_start3A_479, %dma_start3A_480] : memref<10000x128xf32, #tpu.memory_space<hbm>> -> memref<10000x128xf32, #tpu.memory_space<hbm>>
        tpu.enqueue_indirect_dma source(%dma_start3A_481 : memref<10000x128xf32, #tpu.memory_space<hbm>>) target(%arg7 : memref<128x128xf32, #tpu.memory_space<vmem>>) offsets(%dma_start3A_478 : memref<128xi32, #tpu.memory_space<vmem>>) semaphore(%arg11 : memref<!tpu.dma_semaphore, #tpu.memory_space<semaphore_mem>>)
      } else {
      }
    }
    %scan3A_414 = arith.constant 20 : i32
    %add3A_415 = arith.constant 80 : i32
    %add3A_416 = arith.addi %mul3A_394, %add3A_415 : i32
    "tpu.region"() ({
      %run_scoped3A = tpu.sem_alloc : memref<!tpu.dma_semaphore, #tpu.memory_space<semaphore_mem>>
      %dma_start3A_437 = arith.constant 0 : i32
      %dma_start3A_438 = tpu.memref_slice %arg3[%add3A_416, %dma_start3A_437] : memref<5120x128xi32, #tpu.memory_space<hbm>> -> memref<80x128xi32, #tpu.memory_space<hbm>>
      %dma_start3A_439 = arith.constant 0 : i32
      %dma_start3A_440 = tpu.memref_slice %arg3[%add3A_416, %dma_start3A_439] : memref<5120x128xi32, #tpu.memory_space<hbm>> -> memref<80x128xi32, #tpu.memory_space<hbm>>
      tpu.enqueue_dma source(%dma_start3A_440 : memref<80x128xi32, #tpu.memory_space<hbm>>) target(%arg5 : memref<80x128xi32, #tpu.memory_space<vmem>>) target_semaphore(%run_scoped3A : memref<!tpu.dma_semaphore, #tpu.memory_space<semaphore_mem>>)
      %dma_wait3A = arith.constant 0 : i32
      %dma_wait3A_441 = tpu.memref_slice %arg3[%add3A_416, %dma_wait3A] : memref<5120x128xi32, #tpu.memory_space<hbm>> -> memref<80x128xi32, #tpu.memory_space<hbm>>
      %dma_wait3A_442 = arith.constant 0 : i32
      %dma_wait3A_443 = tpu.memref_slice %arg3[%add3A_416, %dma_wait3A_442] : memref<5120x128xi32, #tpu.memory_space<hbm>> -> memref<80x128xi32, #tpu.memory_space<hbm>>
      tpu.wait_dma2 semaphore(%run_scoped3A : memref<!tpu.dma_semaphore, #tpu.memory_space<semaphore_mem>>) src(%dma_wait3A_443 : memref<80x128xi32, #tpu.memory_space<hbm>>) dst(%arg5 : memref<80x128xi32, #tpu.memory_space<vmem>>)
      tpu.yield
    }) : () -> ()
    %dma_start3A_417 = arith.constant 0 : i32
    %dma_start3A_418 = arith.constant 0 : i32
    %dma_start3A_419 = tpu.memref_slice %arg5[%dma_start3A_417, %dma_start3A_418] : memref<80x128xi32, #tpu.memory_space<vmem>> -> memref<1x128xi32, #tpu.memory_space<vmem>>
    %dma_start3A_420 = tpu.memref_squeeze %dma_start3A_419 : memref<1x128xi32, #tpu.memory_space<vmem>> -> memref<128xi32, #tpu.memory_space<vmem>>
    %dma_start3A_421 = arith.constant 0 : i32
    %dma_start3A_422 = arith.constant 0 : i32
    %dma_start3A_423 = tpu.memref_slice %arg2[%dma_start3A_421, %dma_start3A_422] : memref<10000x128xf32, #tpu.memory_space<hbm>> -> memref<10000x128xf32, #tpu.memory_space<hbm>>
    tpu.enqueue_indirect_dma source(%dma_start3A_423 : memref<10000x128xf32, #tpu.memory_space<hbm>>) target(%arg6 : memref<128x128xf32, #tpu.memory_space<vmem>>) offsets(%dma_start3A_420 : memref<128xi32, #tpu.memory_space<vmem>>) semaphore(%arg10 : memref<!tpu.dma_semaphore, #tpu.memory_space<semaphore_mem>>)
    %dma_start3A_424 = arith.constant 2 : i32
    %dma_start3A_425 = arith.constant 0 : i32
    %dma_start3A_426 = tpu.memref_slice %arg5[%dma_start3A_424, %dma_start3A_425] : memref<80x128xi32, #tpu.memory_space<vmem>> -> memref<1x128xi32, #tpu.memory_space<vmem>>
    %dma_start3A_427 = tpu.memref_squeeze %dma_start3A_426 : memref<1x128xi32, #tpu.memory_space<vmem>> -> memref<128xi32, #tpu.memory_space<vmem>>
    %dma_start3A_428 = arith.constant 0 : i32
    %dma_start3A_429 = arith.constant 0 : i32
    %dma_start3A_430 = tpu.memref_slice %arg2[%dma_start3A_428, %dma_start3A_429] : memref<10000x128xf32, #tpu.memory_space<hbm>> -> memref<10000x128xf32, #tpu.memory_space<hbm>>
    tpu.enqueue_indirect_dma source(%dma_start3A_430 : memref<10000x128xf32, #tpu.memory_space<hbm>>) target(%arg7 : memref<128x128xf32, #tpu.memory_space<vmem>>) offsets(%dma_start3A_427 : memref<128xi32, #tpu.memory_space<vmem>>) semaphore(%arg11 : memref<!tpu.dma_semaphore, #tpu.memory_space<semaphore_mem>>)
    %scan3A_431 = arith.constant 0 : i32
    %scan3A_432 = arith.constant 20 : i32
    %scan3A_433 = arith.addi %scan3A_431, %scan3A_432 : i32
    %scan3A_434 = arith.constant 1 : i32
    scf.for %scan3A_437 = %scan3A_431 to %scan3A_433 step %scan3A_434  : i32 {
      %mul3A_438 = arith.constant 2 : i32
      %mul3A_439 = arith.muli %mul3A_438, %scan3A_437 : i32
      %mul3A_440 = arith.constant 2 : i32
      %mul3A_441 = arith.muli %mul3A_440, %mul3A_439 : i32
      %dma_wait3A = arith.constant 0 : i32
      %dma_wait3A_442 = tpu.memref_slice %arg5[%mul3A_441, %dma_wait3A] : memref<80x128xi32, #tpu.memory_space<vmem>> -> memref<1x128xi32, #tpu.memory_space<vmem>>
      %dma_wait3A_443 = tpu.memref_squeeze %dma_wait3A_442 : memref<1x128xi32, #tpu.memory_space<vmem>> -> memref<128xi32, #tpu.memory_space<vmem>>
      %dma_wait3A_444 = arith.constant 0 : i32
      %dma_wait3A_445 = arith.constant 0 : i32
      %dma_wait3A_446 = tpu.memref_slice %arg2[%dma_wait3A_444, %dma_wait3A_445] : memref<10000x128xf32, #tpu.memory_space<hbm>> -> memref<10000x128xf32, #tpu.memory_space<hbm>>
      tpu.wait_indirect_dma semaphore(%arg10 : memref<!tpu.dma_semaphore, #tpu.memory_space<semaphore_mem>>) src(%dma_wait3A_446 : memref<10000x128xf32, #tpu.memory_space<hbm>>) dst(%arg6 : memref<128x128xf32, #tpu.memory_space<vmem>>)
      %mul3A_447 = arith.constant 2 : i32
      %mul3A_448 = arith.muli %mul3A_447, %mul3A_439 : i32
      %add3A_449 = arith.constant 1 : i32
      %add3A_450 = arith.addi %mul3A_448, %add3A_449 : i32
      "tpu.region"() ({
        %run_scoped3A = tpu.sem_alloc : memref<!tpu.dma_semaphore, #tpu.memory_space<semaphore_mem>>
        %dma_start3A_472 = arith.constant 0 : i32
        %dma_start3A_473 = tpu.memref_slice %arg5[%add3A_450, %dma_start3A_472] : memref<80x128xi32, #tpu.memory_space<vmem>> -> memref<1x128xi32, #tpu.memory_space<vmem>>
        %dma_start3A_474 = tpu.memref_squeeze %dma_start3A_473 : memref<1x128xi32, #tpu.memory_space<vmem>> -> memref<128xi32, #tpu.memory_space<vmem>>
        %dma_start3A_475 = arith.constant 0 : i32
        %dma_start3A_476 = arith.constant 0 : i32
        %dma_start3A_477 = tpu.memref_slice %arg9[%dma_start3A_475, %dma_start3A_476] : memref<10240x128xf32, #tpu.memory_space<vmem_shared>> -> memref<10240x128xf32, #tpu.memory_space<vmem_shared>>
        tpu.enqueue_indirect_dma source(%arg6 : memref<128x128xf32, #tpu.memory_space<vmem>>) target(%dma_start3A_477 : memref<10240x128xf32, #tpu.memory_space<vmem_shared>>) offsets(%dma_start3A_474 : memref<128xi32, #tpu.memory_space<vmem>>) semaphore(%run_scoped3A : memref<!tpu.dma_semaphore, #tpu.memory_space<semaphore_mem>>) {add = true}
        %dma_wait3A_478 = arith.constant 0 : i32
        %dma_wait3A_479 = tpu.memref_slice %arg5[%add3A_450, %dma_wait3A_478] : memref<80x128xi32, #tpu.memory_space<vmem>> -> memref<1x128xi32, #tpu.memory_space<vmem>>
        %dma_wait3A_480 = tpu.memref_squeeze %dma_wait3A_479 : memref<1x128xi32, #tpu.memory_space<vmem>> -> memref<128xi32, #tpu.memory_space<vmem>>
        %dma_wait3A_481 = arith.constant 0 : i32
        %dma_wait3A_482 = arith.constant 0 : i32
        %dma_wait3A_483 = tpu.memref_slice %arg9[%dma_wait3A_481, %dma_wait3A_482] : memref<10240x128xf32, #tpu.memory_space<vmem_shared>> -> memref<10240x128xf32, #tpu.memory_space<vmem_shared>>
        tpu.wait_indirect_dma semaphore(%run_scoped3A : memref<!tpu.dma_semaphore, #tpu.memory_space<semaphore_mem>>) src(%arg6 : memref<128x128xf32, #tpu.memory_space<vmem>>) dst(%dma_wait3A_483 : memref<10240x128xf32, #tpu.memory_space<vmem_shared>>)
        tpu.yield
      }) : () -> ()
      %lt3A = arith.constant 19 : i32
      %lt3A_451 = arith.cmpi slt, %scan3A_437, %lt3A : i32
      %convert_element_type3A = arith.extui %lt3A_451 : i1 to i32
      %cond3A = arith.constant 0 : i32
      %cond3A_452 = arith.cmpi ne, %convert_element_type3A, %cond3A : i32
      scf.if %cond3A_452 {
        %mul3A_472 = arith.constant 2 : i32
        %mul3A_473 = arith.muli %mul3A_472, %mul3A_439 : i32
        %add3A_474 = arith.constant 4 : i32
        %add3A_475 = arith.addi %mul3A_473, %add3A_474 : i32
        %dma_start3A_476 = arith.constant 0 : i32
        %dma_start3A_477 = tpu.memref_slice %arg5[%add3A_475, %dma_start3A_476] : memref<80x128xi32, #tpu.memory_space<vmem>> -> memref<1x128xi32, #tpu.memory_space<vmem>>
        %dma_start3A_478 = tpu.memref_squeeze %dma_start3A_477 : memref<1x128xi32, #tpu.memory_space<vmem>> -> memref<128xi32, #tpu.memory_space<vmem>>
        %dma_start3A_479 = arith.constant 0 : i32
        %dma_start3A_480 = arith.constant 0 : i32
        %dma_start3A_481 = tpu.memref_slice %arg2[%dma_start3A_479, %dma_start3A_480] : memref<10000x128xf32, #tpu.memory_space<hbm>> -> memref<10000x128xf32, #tpu.memory_space<hbm>>
        tpu.enqueue_indirect_dma source(%dma_start3A_481 : memref<10000x128xf32, #tpu.memory_space<hbm>>) target(%arg6 : memref<128x128xf32, #tpu.memory_space<vmem>>) offsets(%dma_start3A_478 : memref<128xi32, #tpu.memory_space<vmem>>) semaphore(%arg10 : memref<!tpu.dma_semaphore, #tpu.memory_space<semaphore_mem>>)
      } else {
      }
      %mul3A_453 = arith.constant 2 : i32
      %mul3A_454 = arith.muli %mul3A_453, %mul3A_439 : i32
      %add3A_455 = arith.constant 2 : i32
      %add3A_456 = arith.addi %mul3A_454, %add3A_455 : i32
      %dma_wait3A_457 = arith.constant 0 : i32
      %dma_wait3A_458 = tpu.memref_slice %arg5[%add3A_456, %dma_wait3A_457] : memref<80x128xi32, #tpu.memory_space<vmem>> -> memref<1x128xi32, #tpu.memory_space<vmem>>
      %dma_wait3A_459 = tpu.memref_squeeze %dma_wait3A_458 : memref<1x128xi32, #tpu.memory_space<vmem>> -> memref<128xi32, #tpu.memory_space<vmem>>
      %dma_wait3A_460 = arith.constant 0 : i32
      %dma_wait3A_461 = arith.constant 0 : i32
      %dma_wait3A_462 = tpu.memref_slice %arg2[%dma_wait3A_460, %dma_wait3A_461] : memref<10000x128xf32, #tpu.memory_space<hbm>> -> memref<10000x128xf32, #tpu.memory_space<hbm>>
      tpu.wait_indirect_dma semaphore(%arg11 : memref<!tpu.dma_semaphore, #tpu.memory_space<semaphore_mem>>) src(%dma_wait3A_462 : memref<10000x128xf32, #tpu.memory_space<hbm>>) dst(%arg7 : memref<128x128xf32, #tpu.memory_space<vmem>>)
      %mul3A_463 = arith.constant 2 : i32
      %mul3A_464 = arith.muli %mul3A_463, %mul3A_439 : i32
      %add3A_465 = arith.constant 3 : i32
      %add3A_466 = arith.addi %mul3A_464, %add3A_465 : i32
      "tpu.region"() ({
        %run_scoped3A = tpu.sem_alloc : memref<!tpu.dma_semaphore, #tpu.memory_space<semaphore_mem>>
        %dma_start3A_472 = arith.constant 0 : i32
        %dma_start3A_473 = tpu.memref_slice %arg5[%add3A_466, %dma_start3A_472] : memref<80x128xi32, #tpu.memory_space<vmem>> -> memref<1x128xi32, #tpu.memory_space<vmem>>
        %dma_start3A_474 = tpu.memref_squeeze %dma_start3A_473 : memref<1x128xi32, #tpu.memory_space<vmem>> -> memref<128xi32, #tpu.memory_space<vmem>>
        %dma_start3A_475 = arith.constant 0 : i32
        %dma_start3A_476 = arith.constant 0 : i32
        %dma_start3A_477 = tpu.memref_slice %arg9[%dma_start3A_475, %dma_start3A_476] : memref<10240x128xf32, #tpu.memory_space<vmem_shared>> -> memref<10240x128xf32, #tpu.memory_space<vmem_shared>>
        tpu.enqueue_indirect_dma source(%arg7 : memref<128x128xf32, #tpu.memory_space<vmem>>) target(%dma_start3A_477 : memref<10240x128xf32, #tpu.memory_space<vmem_shared>>) offsets(%dma_start3A_474 : memref<128xi32, #tpu.memory_space<vmem>>) semaphore(%run_scoped3A : memref<!tpu.dma_semaphore, #tpu.memory_space<semaphore_mem>>) {add = true}
        %dma_wait3A_478 = arith.constant 0 : i32
        %dma_wait3A_479 = tpu.memref_slice %arg5[%add3A_466, %dma_wait3A_478] : memref<80x128xi32, #tpu.memory_space<vmem>> -> memref<1x128xi32, #tpu.memory_space<vmem>>
        %dma_wait3A_480 = tpu.memref_squeeze %dma_wait3A_479 : memref<1x128xi32, #tpu.memory_space<vmem>> -> memref<128xi32, #tpu.memory_space<vmem>>
        %dma_wait3A_481 = arith.constant 0 : i32
        %dma_wait3A_482 = arith.constant 0 : i32
        %dma_wait3A_483 = tpu.memref_slice %arg9[%dma_wait3A_481, %dma_wait3A_482] : memref<10240x128xf32, #tpu.memory_space<vmem_shared>> -> memref<10240x128xf32, #tpu.memory_space<vmem_shared>>
        tpu.wait_indirect_dma semaphore(%run_scoped3A : memref<!tpu.dma_semaphore, #tpu.memory_space<semaphore_mem>>) src(%arg7 : memref<128x128xf32, #tpu.memory_space<vmem>>) dst(%dma_wait3A_483 : memref<10240x128xf32, #tpu.memory_space<vmem_shared>>)
        tpu.yield
      }) : () -> ()
      %lt3A_467 = arith.constant 19 : i32
      %lt3A_468 = arith.cmpi slt, %scan3A_437, %lt3A_467 : i32
      %convert_element_type3A_469 = arith.extui %lt3A_468 : i1 to i32
      %cond3A_470 = arith.constant 0 : i32
      %cond3A_471 = arith.cmpi ne, %convert_element_type3A_469, %cond3A_470 : i32
      scf.if %cond3A_471 {
        %mul3A_472 = arith.constant 2 : i32
        %mul3A_473 = arith.muli %mul3A_472, %mul3A_439 : i32
        %add3A_474 = arith.constant 6 : i32
        %add3A_475 = arith.addi %mul3A_473, %add3A_474 : i32
        %dma_start3A_476 = arith.constant 0 : i32
        %dma_start3A_477 = tpu.memref_slice %arg5[%add3A_475, %dma_start3A_476] : memref<80x128xi32, #tpu.memory_space<vmem>> -> memref<1x128xi32, #tpu.memory_space<vmem>>
        %dma_start3A_478 = tpu.memref_squeeze %dma_start3A_477 : memref<1x128xi32, #tpu.memory_space<vmem>> -> memref<128xi32, #tpu.memory_space<vmem>>
        %dma_start3A_479 = arith.constant 0 : i32
        %dma_start3A_480 = arith.constant 0 : i32
        %dma_start3A_481 = tpu.memref_slice %arg2[%dma_start3A_479, %dma_start3A_480] : memref<10000x128xf32, #tpu.memory_space<hbm>> -> memref<10000x128xf32, #tpu.memory_space<hbm>>
        tpu.enqueue_indirect_dma source(%dma_start3A_481 : memref<10000x128xf32, #tpu.memory_space<hbm>>) target(%arg7 : memref<128x128xf32, #tpu.memory_space<vmem>>) offsets(%dma_start3A_478 : memref<128xi32, #tpu.memory_space<vmem>>) semaphore(%arg11 : memref<!tpu.dma_semaphore, #tpu.memory_space<semaphore_mem>>)
      } else {
      }
    }
    %scan3A_435 = arith.constant 20 : i32
    %barrier3A_436 = arith.constant 0 : index
    tpu.barrier barrier_id(%barrier3A_436)
    "tpu.region"() ({
      %run_scoped3A = tpu.sem_alloc : memref<!tpu.dma_semaphore, #tpu.memory_space<semaphore_mem>>
      %dma_start3A_437 = arith.constant 0 : i32
      %dma_start3A_438 = tpu.memref_slice %arg4[%arg0, %mul3A_386, %dma_start3A_437] : memref<2x10240x128xf32, #tpu.memory_space<hbm>> -> memref<1x640x128xf32, #tpu.memory_space<hbm>>
      %dma_start3A_439 = tpu.memref_squeeze %dma_start3A_438 : memref<1x640x128xf32, #tpu.memory_space<hbm>> -> memref<640x128xf32, #tpu.memory_space<hbm>>
      %dma_start3A_440 = arith.constant 0 : i32
      %dma_start3A_441 = tpu.memref_slice %arg9[%mul3A_386, %dma_start3A_440] : memref<10240x128xf32, #tpu.memory_space<vmem_shared>> -> memref<640x128xf32, #tpu.memory_space<vmem_shared>>
      tpu.enqueue_dma source(%dma_start3A_441 : memref<640x128xf32, #tpu.memory_space<vmem_shared>>) target(%dma_start3A_439 : memref<640x128xf32, #tpu.memory_space<hbm>>) target_semaphore(%run_scoped3A : memref<!tpu.dma_semaphore, #tpu.memory_space<semaphore_mem>>)
      %dma_wait3A = arith.constant 0 : i32
      %dma_wait3A_442 = tpu.memref_slice %arg4[%arg0, %mul3A_386, %dma_wait3A] : memref<2x10240x128xf32, #tpu.memory_space<hbm>> -> memref<1x640x128xf32, #tpu.memory_space<hbm>>
      %dma_wait3A_443 = tpu.memref_squeeze %dma_wait3A_442 : memref<1x640x128xf32, #tpu.memory_space<hbm>> -> memref<640x128xf32, #tpu.memory_space<hbm>>
      %dma_wait3A_444 = arith.constant 0 : i32
      %dma_wait3A_445 = tpu.memref_slice %arg9[%mul3A_386, %dma_wait3A_444] : memref<10240x128xf32, #tpu.memory_space<vmem_shared>> -> memref<640x128xf32, #tpu.memory_space<vmem_shared>>
      tpu.wait_dma2 semaphore(%run_scoped3A : memref<!tpu.dma_semaphore, #tpu.memory_space<semaphore_mem>>) src(%dma_wait3A_445 : memref<640x128xf32, #tpu.memory_space<vmem_shared>>) dst(%dma_wait3A_443 : memref<640x128xf32, #tpu.memory_space<hbm>>)
      tpu.yield
    }) : () -> ()
    return
  }
}

#map = affine_map<(d0, d1) -> (0, 0)>
#map1 = affine_map<(d0, d1) -> (0, 0, 0)>
module attributes {stable_mosaic.version = 14 : i64} {
  func.func @_sc_body(%arg0: i32, %arg1: i32, %arg2: memref<10000x128xf32, #tpu.memory_space<hbm>>, %arg3: memref<5120x128xi32, #tpu.memory_space<hbm>>, %arg4: memref<2x10240x128xf32, #tpu.memory_space<hbm>>, %arg5: memref<80x128xi32, #tpu.memory_space<vmem>>, %arg6: memref<128x128xf32, #tpu.memory_space<vmem>>, %arg7: memref<128x128xf32, #tpu.memory_space<vmem>>, %arg8: memref<8x128xf32, #tpu.memory_space<vmem>>, %arg9: memref<10240x128xf32, #tpu.memory_space<vmem_shared>>, %arg10: memref<!tpu.dma_semaphore, #tpu.memory_space<semaphore_mem>>, %arg11: memref<!tpu.dma_semaphore, #tpu.memory_space<semaphore_mem>>) attributes {dimension_semantics = [#tpu.dimension_semantics<core_parallel>, #tpu.dimension_semantics<subcore_parallel>], iteration_bounds = array<i64: 2, 16>, scalar_prefetch = 0 : i64, scratch_operands = 7 : i64, tpu.core_type = #tpu.core_type<sc_vector_subcore>, window_params = [{transform_indices = #map}, {transform_indices = #map}, {transform_indices = #map1}]} {
    %mul3A = arith.constant 16 : i32
    %mul3A_0 = arith.muli %arg0, %mul3A : i32
    %add3A = arith.addi %mul3A_0, %arg1 : i32
    %broadcast_in_dim3A = arith.constant 0.000000e+00 : f32
    %broadcast_in_dim3A_1 = vector.broadcast %broadcast_in_dim3A : f32 to vector<16xf32>
    %swap3A = arith.constant 0 : i32
    %swap3A_2 = arith.index_cast %swap3A : i32 to index
    %swap3A_3 = arith.constant 0 : index
    %swap3A_4 = tpu.vector_load %arg8[%swap3A_2, %swap3A_3] {strides = array<i32>} : memref<8x128xf32, #tpu.memory_space<vmem>>, vector<1x16xf32>,
    %swap3A_5 = vector.shape_cast %swap3A_4 : vector<1x16xf32> to vector<16xf32>
    %swap3A_6 = vector.shape_cast %broadcast_in_dim3A_1 : vector<16xf32> to vector<1x16xf32>
    tpu.vector_store %arg8[%swap3A_2, %swap3A_3], %swap3A_6 {strides = array<i32>} : memref<8x128xf32, #tpu.memory_space<vmem>>, vector<1x16xf32>,
    %swap3A_7 = arith.constant 0 : i32
    %swap3A_8 = arith.index_cast %swap3A_7 : i32 to index
    %swap3A_9 = arith.constant 16 : index
    %swap3A_10 = tpu.vector_load %arg8[%swap3A_8, %swap3A_9] {strides = array<i32>} : memref<8x128xf32, #tpu.memory_space<vmem>>, vector<1x16xf32>,
    %swap3A_11 = vector.shape_cast %swap3A_10 : vector<1x16xf32> to vector<16xf32>
    %swap3A_12 = vector.shape_cast %broadcast_in_dim3A_1 : vector<16xf32> to vector<1x16xf32>
    tpu.vector_store %arg8[%swap3A_8, %swap3A_9], %swap3A_12 {strides = array<i32>} : memref<8x128xf32, #tpu.memory_space<vmem>>, vector<1x16xf32>,
    %swap3A_13 = arith.constant 0 : i32
    %swap3A_14 = arith.index_cast %swap3A_13 : i32 to index
    %swap3A_15 = arith.constant 32 : index
    %swap3A_16 = tpu.vector_load %arg8[%swap3A_14, %swap3A_15] {strides = array<i32>} : memref<8x128xf32, #tpu.memory_space<vmem>>, vector<1x16xf32>,
    %swap3A_17 = vector.shape_cast %swap3A_16 : vector<1x16xf32> to vector<16xf32>
    %swap3A_18 = vector.shape_cast %broadcast_in_dim3A_1 : vector<16xf32> to vector<1x16xf32>
    tpu.vector_store %arg8[%swap3A_14, %swap3A_15], %swap3A_18 {strides = array<i32>} : memref<8x128xf32, #tpu.memory_space<vmem>>, vector<1x16xf32>,
    %swap3A_19 = arith.constant 0 : i32
    %swap3A_20 = arith.index_cast %swap3A_19 : i32 to index
    %swap3A_21 = arith.constant 48 : index
    %swap3A_22 = tpu.vector_load %arg8[%swap3A_20, %swap3A_21] {strides = array<i32>} : memref<8x128xf32, #tpu.memory_space<vmem>>, vector<1x16xf32>,
    %swap3A_23 = vector.shape_cast %swap3A_22 : vector<1x16xf32> to vector<16xf32>
    %swap3A_24 = vector.shape_cast %broadcast_in_dim3A_1 : vector<16xf32> to vector<1x16xf32>
    tpu.vector_store %arg8[%swap3A_20, %swap3A_21], %swap3A_24 {strides = array<i32>} : memref<8x128xf32, #tpu.memory_space<vmem>>, vector<1x16xf32>,
    %swap3A_25 = arith.constant 0 : i32
    %swap3A_26 = arith.index_cast %swap3A_25 : i32 to index
    %swap3A_27 = arith.constant 64 : index
    %swap3A_28 = tpu.vector_load %arg8[%swap3A_26, %swap3A_27] {strides = array<i32>} : memref<8x128xf32, #tpu.memory_space<vmem>>, vector<1x16xf32>,
    %swap3A_29 = vector.shape_cast %swap3A_28 : vector<1x16xf32> to vector<16xf32>
    %swap3A_30 = vector.shape_cast %broadcast_in_dim3A_1 : vector<16xf32> to vector<1x16xf32>
    tpu.vector_store %arg8[%swap3A_26, %swap3A_27], %swap3A_30 {strides = array<i32>} : memref<8x128xf32, #tpu.memory_space<vmem>>, vector<1x16xf32>,
    %swap3A_31 = arith.constant 0 : i32
    %swap3A_32 = arith.index_cast %swap3A_31 : i32 to index
    %swap3A_33 = arith.constant 80 : index
    %swap3A_34 = tpu.vector_load %arg8[%swap3A_32, %swap3A_33] {strides = array<i32>} : memref<8x128xf32, #tpu.memory_space<vmem>>, vector<1x16xf32>,
    %swap3A_35 = vector.shape_cast %swap3A_34 : vector<1x16xf32> to vector<16xf32>
    %swap3A_36 = vector.shape_cast %broadcast_in_dim3A_1 : vector<16xf32> to vector<1x16xf32>
    tpu.vector_store %arg8[%swap3A_32, %swap3A_33], %swap3A_36 {strides = array<i32>} : memref<8x128xf32, #tpu.memory_space<vmem>>, vector<1x16xf32>,
    %swap3A_37 = arith.constant 0 : i32
    %swap3A_38 = arith.index_cast %swap3A_37 : i32 to index
    %swap3A_39 = arith.constant 96 : index
    %swap3A_40 = tpu.vector_load %arg8[%swap3A_38, %swap3A_39] {strides = array<i32>} : memref<8x128xf32, #tpu.memory_space<vmem>>, vector<1x16xf32>,
    %swap3A_41 = vector.shape_cast %swap3A_40 : vector<1x16xf32> to vector<16xf32>
    %swap3A_42 = vector.shape_cast %broadcast_in_dim3A_1 : vector<16xf32> to vector<1x16xf32>
    tpu.vector_store %arg8[%swap3A_38, %swap3A_39], %swap3A_42 {strides = array<i32>} : memref<8x128xf32, #tpu.memory_space<vmem>>, vector<1x16xf32>,
    %swap3A_43 = arith.constant 0 : i32
    %swap3A_44 = arith.index_cast %swap3A_43 : i32 to index
    %swap3A_45 = arith.constant 112 : index
    %swap3A_46 = tpu.vector_load %arg8[%swap3A_44, %swap3A_45] {strides = array<i32>} : memref<8x128xf32, #tpu.memory_space<vmem>>, vector<1x16xf32>,
    %swap3A_47 = vector.shape_cast %swap3A_46 : vector<1x16xf32> to vector<16xf32>
    %swap3A_48 = vector.shape_cast %broadcast_in_dim3A_1 : vector<16xf32> to vector<1x16xf32>
    tpu.vector_store %arg8[%swap3A_44, %swap3A_45], %swap3A_48 {strides = array<i32>} : memref<8x128xf32, #tpu.memory_space<vmem>>, vector<1x16xf32>,
    %swap3A_49 = arith.constant 1 : i32
    %swap3A_50 = arith.index_cast %swap3A_49 : i32 to index
    %swap3A_51 = arith.constant 0 : index
    %swap3A_52 = tpu.vector_load %arg8[%swap3A_50, %swap3A_51] {strides = array<i32>} : memref<8x128xf32, #tpu.memory_space<vmem>>, vector<1x16xf32>,
    %swap3A_53 = vector.shape_cast %swap3A_52 : vector<1x16xf32> to vector<16xf32>
    %swap3A_54 = vector.shape_cast %broadcast_in_dim3A_1 : vector<16xf32> to vector<1x16xf32>
    tpu.vector_store %arg8[%swap3A_50, %swap3A_51], %swap3A_54 {strides = array<i32>} : memref<8x128xf32, #tpu.memory_space<vmem>>, vector<1x16xf32>,
    %swap3A_55 = arith.constant 1 : i32
    %swap3A_56 = arith.index_cast %swap3A_55 : i32 to index
    %swap3A_57 = arith.constant 16 : index
    %swap3A_58 = tpu.vector_load %arg8[%swap3A_56, %swap3A_57] {strides = array<i32>} : memref<8x128xf32, #tpu.memory_space<vmem>>, vector<1x16xf32>,
    %swap3A_59 = vector.shape_cast %swap3A_58 : vector<1x16xf32> to vector<16xf32>
    %swap3A_60 = vector.shape_cast %broadcast_in_dim3A_1 : vector<16xf32> to vector<1x16xf32>
    tpu.vector_store %arg8[%swap3A_56, %swap3A_57], %swap3A_60 {strides = array<i32>} : memref<8x128xf32, #tpu.memory_space<vmem>>, vector<1x16xf32>,
    %swap3A_61 = arith.constant 1 : i32
    %swap3A_62 = arith.index_cast %swap3A_61 : i32 to index
    %swap3A_63 = arith.constant 32 : index
    %swap3A_64 = tpu.vector_load %arg8[%swap3A_62, %swap3A_63] {strides = array<i32>} : memref<8x128xf32, #tpu.memory_space<vmem>>, vector<1x16xf32>,
    %swap3A_65 = vector.shape_cast %swap3A_64 : vector<1x16xf32> to vector<16xf32>
    %swap3A_66 = vector.shape_cast %broadcast_in_dim3A_1 : vector<16xf32> to vector<1x16xf32>
    tpu.vector_store %arg8[%swap3A_62, %swap3A_63], %swap3A_66 {strides = array<i32>} : memref<8x128xf32, #tpu.memory_space<vmem>>, vector<1x16xf32>,
    %swap3A_67 = arith.constant 1 : i32
    %swap3A_68 = arith.index_cast %swap3A_67 : i32 to index
    %swap3A_69 = arith.constant 48 : index
    %swap3A_70 = tpu.vector_load %arg8[%swap3A_68, %swap3A_69] {strides = array<i32>} : memref<8x128xf32, #tpu.memory_space<vmem>>, vector<1x16xf32>,
    %swap3A_71 = vector.shape_cast %swap3A_70 : vector<1x16xf32> to vector<16xf32>
    %swap3A_72 = vector.shape_cast %broadcast_in_dim3A_1 : vector<16xf32> to vector<1x16xf32>
    tpu.vector_store %arg8[%swap3A_68, %swap3A_69], %swap3A_72 {strides = array<i32>} : memref<8x128xf32, #tpu.memory_space<vmem>>, vector<1x16xf32>,
    %swap3A_73 = arith.constant 1 : i32
    %swap3A_74 = arith.index_cast %swap3A_73 : i32 to index
    %swap3A_75 = arith.constant 64 : index
    %swap3A_76 = tpu.vector_load %arg8[%swap3A_74, %swap3A_75] {strides = array<i32>} : memref<8x128xf32, #tpu.memory_space<vmem>>, vector<1x16xf32>,
    %swap3A_77 = vector.shape_cast %swap3A_76 : vector<1x16xf32> to vector<16xf32>
    %swap3A_78 = vector.shape_cast %broadcast_in_dim3A_1 : vector<16xf32> to vector<1x16xf32>
    tpu.vector_store %arg8[%swap3A_74, %swap3A_75], %swap3A_78 {strides = array<i32>} : memref<8x128xf32, #tpu.memory_space<vmem>>, vector<1x16xf32>,
    %swap3A_79 = arith.constant 1 : i32
    %swap3A_80 = arith.index_cast %swap3A_79 : i32 to index
    %swap3A_81 = arith.constant 80 : index
    %swap3A_82 = tpu.vector_load %arg8[%swap3A_80, %swap3A_81] {strides = array<i32>} : memref<8x128xf32, #tpu.memory_space<vmem>>, vector<1x16xf32>,
    %swap3A_83 = vector.shape_cast %swap3A_82 : vector<1x16xf32> to vector<16xf32>
    %swap3A_84 = vector.shape_cast %broadcast_in_dim3A_1 : vector<16xf32> to vector<1x16xf32>
    tpu.vector_store %arg8[%swap3A_80, %swap3A_81], %swap3A_84 {strides = array<i32>} : memref<8x128xf32, #tpu.memory_space<vmem>>, vector<1x16xf32>,
    %swap3A_85 = arith.constant 1 : i32
    %swap3A_86 = arith.index_cast %swap3A_85 : i32 to index
    %swap3A_87 = arith.constant 96 : index
    %swap3A_88 = tpu.vector_load %arg8[%swap3A_86, %swap3A_87] {strides = array<i32>} : memref<8x128xf32, #tpu.memory_space<vmem>>, vector<1x16xf32>,
    %swap3A_89 = vector.shape_cast %swap3A_88 : vector<1x16xf32> to vector<16xf32>
    %swap3A_90 = vector.shape_cast %broadcast_in_dim3A_1 : vector<16xf32> to vector<1x16xf32>
    tpu.vector_store %arg8[%swap3A_86, %swap3A_87], %swap3A_90 {strides = array<i32>} : memref<8x128xf32, #tpu.memory_space<vmem>>, vector<1x16xf32>,
    %swap3A_91 = arith.constant 1 : i32
    %swap3A_92 = arith.index_cast %swap3A_91 : i32 to index
    %swap3A_93 = arith.constant 112 : index
    %swap3A_94 = tpu.vector_load %arg8[%swap3A_92, %swap3A_93] {strides = array<i32>} : memref<8x128xf32, #tpu.memory_space<vmem>>, vector<1x16xf32>,
    %swap3A_95 = vector.shape_cast %swap3A_94 : vector<1x16xf32> to vector<16xf32>
    %swap3A_96 = vector.shape_cast %broadcast_in_dim3A_1 : vector<16xf32> to vector<1x16xf32>
    tpu.vector_store %arg8[%swap3A_92, %swap3A_93], %swap3A_96 {strides = array<i32>} : memref<8x128xf32, #tpu.memory_space<vmem>>, vector<1x16xf32>,
    %swap3A_97 = arith.constant 2 : i32
    %swap3A_98 = arith.index_cast %swap3A_97 : i32 to index
    %swap3A_99 = arith.constant 0 : index
    %swap3A_100 = tpu.vector_load %arg8[%swap3A_98, %swap3A_99] {strides = array<i32>} : memref<8x128xf32, #tpu.memory_space<vmem>>, vector<1x16xf32>,
    %swap3A_101 = vector.shape_cast %swap3A_100 : vector<1x16xf32> to vector<16xf32>
    %swap3A_102 = vector.shape_cast %broadcast_in_dim3A_1 : vector<16xf32> to vector<1x16xf32>
    tpu.vector_store %arg8[%swap3A_98, %swap3A_99], %swap3A_102 {strides = array<i32>} : memref<8x128xf32, #tpu.memory_space<vmem>>, vector<1x16xf32>,
    %swap3A_103 = arith.constant 2 : i32
    %swap3A_104 = arith.index_cast %swap3A_103 : i32 to index
    %swap3A_105 = arith.constant 16 : index
    %swap3A_106 = tpu.vector_load %arg8[%swap3A_104, %swap3A_105] {strides = array<i32>} : memref<8x128xf32, #tpu.memory_space<vmem>>, vector<1x16xf32>,
    %swap3A_107 = vector.shape_cast %swap3A_106 : vector<1x16xf32> to vector<16xf32>
    %swap3A_108 = vector.shape_cast %broadcast_in_dim3A_1 : vector<16xf32> to vector<1x16xf32>
    tpu.vector_store %arg8[%swap3A_104, %swap3A_105], %swap3A_108 {strides = array<i32>} : memref<8x128xf32, #tpu.memory_space<vmem>>, vector<1x16xf32>,
    %swap3A_109 = arith.constant 2 : i32
    %swap3A_110 = arith.index_cast %swap3A_109 : i32 to index
    %swap3A_111 = arith.constant 32 : index
    %swap3A_112 = tpu.vector_load %arg8[%swap3A_110, %swap3A_111] {strides = array<i32>} : memref<8x128xf32, #tpu.memory_space<vmem>>, vector<1x16xf32>,
    %swap3A_113 = vector.shape_cast %swap3A_112 : vector<1x16xf32> to vector<16xf32>
    %swap3A_114 = vector.shape_cast %broadcast_in_dim3A_1 : vector<16xf32> to vector<1x16xf32>
    tpu.vector_store %arg8[%swap3A_110, %swap3A_111], %swap3A_114 {strides = array<i32>} : memref<8x128xf32, #tpu.memory_space<vmem>>, vector<1x16xf32>,
    %swap3A_115 = arith.constant 2 : i32
    %swap3A_116 = arith.index_cast %swap3A_115 : i32 to index
    %swap3A_117 = arith.constant 48 : index
    %swap3A_118 = tpu.vector_load %arg8[%swap3A_116, %swap3A_117] {strides = array<i32>} : memref<8x128xf32, #tpu.memory_space<vmem>>, vector<1x16xf32>,
    %swap3A_119 = vector.shape_cast %swap3A_118 : vector<1x16xf32> to vector<16xf32>
    %swap3A_120 = vector.shape_cast %broadcast_in_dim3A_1 : vector<16xf32> to vector<1x16xf32>
    tpu.vector_store %arg8[%swap3A_116, %swap3A_117], %swap3A_120 {strides = array<i32>} : memref<8x128xf32, #tpu.memory_space<vmem>>, vector<1x16xf32>,
    %swap3A_121 = arith.constant 2 : i32
    %swap3A_122 = arith.index_cast %swap3A_121 : i32 to index
    %swap3A_123 = arith.constant 64 : index
    %swap3A_124 = tpu.vector_load %arg8[%swap3A_122, %swap3A_123] {strides = array<i32>} : memref<8x128xf32, #tpu.memory_space<vmem>>, vector<1x16xf32>,
    %swap3A_125 = vector.shape_cast %swap3A_124 : vector<1x16xf32> to vector<16xf32>
    %swap3A_126 = vector.shape_cast %broadcast_in_dim3A_1 : vector<16xf32> to vector<1x16xf32>
    tpu.vector_store %arg8[%swap3A_122, %swap3A_123], %swap3A_126 {strides = array<i32>} : memref<8x128xf32, #tpu.memory_space<vmem>>, vector<1x16xf32>,
    %swap3A_127 = arith.constant 2 : i32
    %swap3A_128 = arith.index_cast %swap3A_127 : i32 to index
    %swap3A_129 = arith.constant 80 : index
    %swap3A_130 = tpu.vector_load %arg8[%swap3A_128, %swap3A_129] {strides = array<i32>} : memref<8x128xf32, #tpu.memory_space<vmem>>, vector<1x16xf32>,
    %swap3A_131 = vector.shape_cast %swap3A_130 : vector<1x16xf32> to vector<16xf32>
    %swap3A_132 = vector.shape_cast %broadcast_in_dim3A_1 : vector<16xf32> to vector<1x16xf32>
    tpu.vector_store %arg8[%swap3A_128, %swap3A_129], %swap3A_132 {strides = array<i32>} : memref<8x128xf32, #tpu.memory_space<vmem>>, vector<1x16xf32>,
    %swap3A_133 = arith.constant 2 : i32
    %swap3A_134 = arith.index_cast %swap3A_133 : i32 to index
    %swap3A_135 = arith.constant 96 : index
    %swap3A_136 = tpu.vector_load %arg8[%swap3A_134, %swap3A_135] {strides = array<i32>} : memref<8x128xf32, #tpu.memory_space<vmem>>, vector<1x16xf32>,
    %swap3A_137 = vector.shape_cast %swap3A_136 : vector<1x16xf32> to vector<16xf32>
    %swap3A_138 = vector.shape_cast %broadcast_in_dim3A_1 : vector<16xf32> to vector<1x16xf32>
    tpu.vector_store %arg8[%swap3A_134, %swap3A_135], %swap3A_138 {strides = array<i32>} : memref<8x128xf32, #tpu.memory_space<vmem>>, vector<1x16xf32>,
    %swap3A_139 = arith.constant 2 : i32
    %swap3A_140 = arith.index_cast %swap3A_139 : i32 to index
    %swap3A_141 = arith.constant 112 : index
    %swap3A_142 = tpu.vector_load %arg8[%swap3A_140, %swap3A_141] {strides = array<i32>} : memref<8x128xf32, #tpu.memory_space<vmem>>, vector<1x16xf32>,
    %swap3A_143 = vector.shape_cast %swap3A_142 : vector<1x16xf32> to vector<16xf32>
    %swap3A_144 = vector.shape_cast %broadcast_in_dim3A_1 : vector<16xf32> to vector<1x16xf32>
    tpu.vector_store %arg8[%swap3A_140, %swap3A_141], %swap3A_144 {strides = array<i32>} : memref<8x128xf32, #tpu.memory_space<vmem>>, vector<1x16xf32>,
    %swap3A_145 = arith.constant 3 : i32
    %swap3A_146 = arith.index_cast %swap3A_145 : i32 to index
    %swap3A_147 = arith.constant 0 : index
    %swap3A_148 = tpu.vector_load %arg8[%swap3A_146, %swap3A_147] {strides = array<i32>} : memref<8x128xf32, #tpu.memory_space<vmem>>, vector<1x16xf32>,
    %swap3A_149 = vector.shape_cast %swap3A_148 : vector<1x16xf32> to vector<16xf32>
    %swap3A_150 = vector.shape_cast %broadcast_in_dim3A_1 : vector<16xf32> to vector<1x16xf32>
    tpu.vector_store %arg8[%swap3A_146, %swap3A_147], %swap3A_150 {strides = array<i32>} : memref<8x128xf32, #tpu.memory_space<vmem>>, vector<1x16xf32>,
    %swap3A_151 = arith.constant 3 : i32
    %swap3A_152 = arith.index_cast %swap3A_151 : i32 to index
    %swap3A_153 = arith.constant 16 : index
    %swap3A_154 = tpu.vector_load %arg8[%swap3A_152, %swap3A_153] {strides = array<i32>} : memref<8x128xf32, #tpu.memory_space<vmem>>, vector<1x16xf32>,
    %swap3A_155 = vector.shape_cast %swap3A_154 : vector<1x16xf32> to vector<16xf32>
    %swap3A_156 = vector.shape_cast %broadcast_in_dim3A_1 : vector<16xf32> to vector<1x16xf32>
    tpu.vector_store %arg8[%swap3A_152, %swap3A_153], %swap3A_156 {strides = array<i32>} : memref<8x128xf32, #tpu.memory_space<vmem>>, vector<1x16xf32>,
    %swap3A_157 = arith.constant 3 : i32
    %swap3A_158 = arith.index_cast %swap3A_157 : i32 to index
    %swap3A_159 = arith.constant 32 : index
    %swap3A_160 = tpu.vector_load %arg8[%swap3A_158, %swap3A_159] {strides = array<i32>} : memref<8x128xf32, #tpu.memory_space<vmem>>, vector<1x16xf32>,
    %swap3A_161 = vector.shape_cast %swap3A_160 : vector<1x16xf32> to vector<16xf32>
    %swap3A_162 = vector.shape_cast %broadcast_in_dim3A_1 : vector<16xf32> to vector<1x16xf32>
    tpu.vector_store %arg8[%swap3A_158, %swap3A_159], %swap3A_162 {strides = array<i32>} : memref<8x128xf32, #tpu.memory_space<vmem>>, vector<1x16xf32>,
    %swap3A_163 = arith.constant 3 : i32
    %swap3A_164 = arith.index_cast %swap3A_163 : i32 to index
    %swap3A_165 = arith.constant 48 : index
    %swap3A_166 = tpu.vector_load %arg8[%swap3A_164, %swap3A_165] {strides = array<i32>} : memref<8x128xf32, #tpu.memory_space<vmem>>, vector<1x16xf32>,
    %swap3A_167 = vector.shape_cast %swap3A_166 : vector<1x16xf32> to vector<16xf32>
    %swap3A_168 = vector.shape_cast %broadcast_in_dim3A_1 : vector<16xf32> to vector<1x16xf32>
    tpu.vector_store %arg8[%swap3A_164, %swap3A_165], %swap3A_168 {strides = array<i32>} : memref<8x128xf32, #tpu.memory_space<vmem>>, vector<1x16xf32>,
    %swap3A_169 = arith.constant 3 : i32
    %swap3A_170 = arith.index_cast %swap3A_169 : i32 to index
    %swap3A_171 = arith.constant 64 : index
    %swap3A_172 = tpu.vector_load %arg8[%swap3A_170, %swap3A_171] {strides = array<i32>} : memref<8x128xf32, #tpu.memory_space<vmem>>, vector<1x16xf32>,
    %swap3A_173 = vector.shape_cast %swap3A_172 : vector<1x16xf32> to vector<16xf32>
    %swap3A_174 = vector.shape_cast %broadcast_in_dim3A_1 : vector<16xf32> to vector<1x16xf32>
    tpu.vector_store %arg8[%swap3A_170, %swap3A_171], %swap3A_174 {strides = array<i32>} : memref<8x128xf32, #tpu.memory_space<vmem>>, vector<1x16xf32>,
    %swap3A_175 = arith.constant 3 : i32
    %swap3A_176 = arith.index_cast %swap3A_175 : i32 to index
    %swap3A_177 = arith.constant 80 : index
    %swap3A_178 = tpu.vector_load %arg8[%swap3A_176, %swap3A_177] {strides = array<i32>} : memref<8x128xf32, #tpu.memory_space<vmem>>, vector<1x16xf32>,
    %swap3A_179 = vector.shape_cast %swap3A_178 : vector<1x16xf32> to vector<16xf32>
    %swap3A_180 = vector.shape_cast %broadcast_in_dim3A_1 : vector<16xf32> to vector<1x16xf32>
    tpu.vector_store %arg8[%swap3A_176, %swap3A_177], %swap3A_180 {strides = array<i32>} : memref<8x128xf32, #tpu.memory_space<vmem>>, vector<1x16xf32>,
    %swap3A_181 = arith.constant 3 : i32
    %swap3A_182 = arith.index_cast %swap3A_181 : i32 to index
    %swap3A_183 = arith.constant 96 : index
    %swap3A_184 = tpu.vector_load %arg8[%swap3A_182, %swap3A_183] {strides = array<i32>} : memref<8x128xf32, #tpu.memory_space<vmem>>, vector<1x16xf32>,
    %swap3A_185 = vector.shape_cast %swap3A_184 : vector<1x16xf32> to vector<16xf32>
    %swap3A_186 = vector.shape_cast %broadcast_in_dim3A_1 : vector<16xf32> to vector<1x16xf32>
    tpu.vector_store %arg8[%swap3A_182, %swap3A_183], %swap3A_186 {strides = array<i32>} : memref<8x128xf32, #tpu.memory_space<vmem>>, vector<1x16xf32>,
    %swap3A_187 = arith.constant 3 : i32
    %swap3A_188 = arith.index_cast %swap3A_187 : i32 to index
    %swap3A_189 = arith.constant 112 : index
    %swap3A_190 = tpu.vector_load %arg8[%swap3A_188, %swap3A_189] {strides = array<i32>} : memref<8x128xf32, #tpu.memory_space<vmem>>, vector<1x16xf32>,
    %swap3A_191 = vector.shape_cast %swap3A_190 : vector<1x16xf32> to vector<16xf32>
    %swap3A_192 = vector.shape_cast %broadcast_in_dim3A_1 : vector<16xf32> to vector<1x16xf32>
    tpu.vector_store %arg8[%swap3A_188, %swap3A_189], %swap3A_192 {strides = array<i32>} : memref<8x128xf32, #tpu.memory_space<vmem>>, vector<1x16xf32>,
    %swap3A_193 = arith.constant 4 : i32
    %swap3A_194 = arith.index_cast %swap3A_193 : i32 to index
    %swap3A_195 = arith.constant 0 : index
    %swap3A_196 = tpu.vector_load %arg8[%swap3A_194, %swap3A_195] {strides = array<i32>} : memref<8x128xf32, #tpu.memory_space<vmem>>, vector<1x16xf32>,
    %swap3A_197 = vector.shape_cast %swap3A_196 : vector<1x16xf32> to vector<16xf32>
    %swap3A_198 = vector.shape_cast %broadcast_in_dim3A_1 : vector<16xf32> to vector<1x16xf32>
    tpu.vector_store %arg8[%swap3A_194, %swap3A_195], %swap3A_198 {strides = array<i32>} : memref<8x128xf32, #tpu.memory_space<vmem>>, vector<1x16xf32>,
    %swap3A_199 = arith.constant 4 : i32
    %swap3A_200 = arith.index_cast %swap3A_199 : i32 to index
    %swap3A_201 = arith.constant 16 : index
    %swap3A_202 = tpu.vector_load %arg8[%swap3A_200, %swap3A_201] {strides = array<i32>} : memref<8x128xf32, #tpu.memory_space<vmem>>, vector<1x16xf32>,
    %swap3A_203 = vector.shape_cast %swap3A_202 : vector<1x16xf32> to vector<16xf32>
    %swap3A_204 = vector.shape_cast %broadcast_in_dim3A_1 : vector<16xf32> to vector<1x16xf32>
    tpu.vector_store %arg8[%swap3A_200, %swap3A_201], %swap3A_204 {strides = array<i32>} : memref<8x128xf32, #tpu.memory_space<vmem>>, vector<1x16xf32>,
    %swap3A_205 = arith.constant 4 : i32
    %swap3A_206 = arith.index_cast %swap3A_205 : i32 to index
    %swap3A_207 = arith.constant 32 : index
    %swap3A_208 = tpu.vector_load %arg8[%swap3A_206, %swap3A_207] {strides = array<i32>} : memref<8x128xf32, #tpu.memory_space<vmem>>, vector<1x16xf32>,
    %swap3A_209 = vector.shape_cast %swap3A_208 : vector<1x16xf32> to vector<16xf32>
    %swap3A_210 = vector.shape_cast %broadcast_in_dim3A_1 : vector<16xf32> to vector<1x16xf32>
    tpu.vector_store %arg8[%swap3A_206, %swap3A_207], %swap3A_210 {strides = array<i32>} : memref<8x128xf32, #tpu.memory_space<vmem>>, vector<1x16xf32>,
    %swap3A_211 = arith.constant 4 : i32
    %swap3A_212 = arith.index_cast %swap3A_211 : i32 to index
    %swap3A_213 = arith.constant 48 : index
    %swap3A_214 = tpu.vector_load %arg8[%swap3A_212, %swap3A_213] {strides = array<i32>} : memref<8x128xf32, #tpu.memory_space<vmem>>, vector<1x16xf32>,
    %swap3A_215 = vector.shape_cast %swap3A_214 : vector<1x16xf32> to vector<16xf32>
    %swap3A_216 = vector.shape_cast %broadcast_in_dim3A_1 : vector<16xf32> to vector<1x16xf32>
    tpu.vector_store %arg8[%swap3A_212, %swap3A_213], %swap3A_216 {strides = array<i32>} : memref<8x128xf32, #tpu.memory_space<vmem>>, vector<1x16xf32>,
    %swap3A_217 = arith.constant 4 : i32
    %swap3A_218 = arith.index_cast %swap3A_217 : i32 to index
    %swap3A_219 = arith.constant 64 : index
    %swap3A_220 = tpu.vector_load %arg8[%swap3A_218, %swap3A_219] {strides = array<i32>} : memref<8x128xf32, #tpu.memory_space<vmem>>, vector<1x16xf32>,
    %swap3A_221 = vector.shape_cast %swap3A_220 : vector<1x16xf32> to vector<16xf32>
    %swap3A_222 = vector.shape_cast %broadcast_in_dim3A_1 : vector<16xf32> to vector<1x16xf32>
    tpu.vector_store %arg8[%swap3A_218, %swap3A_219], %swap3A_222 {strides = array<i32>} : memref<8x128xf32, #tpu.memory_space<vmem>>, vector<1x16xf32>,
    %swap3A_223 = arith.constant 4 : i32
    %swap3A_224 = arith.index_cast %swap3A_223 : i32 to index
    %swap3A_225 = arith.constant 80 : index
    %swap3A_226 = tpu.vector_load %arg8[%swap3A_224, %swap3A_225] {strides = array<i32>} : memref<8x128xf32, #tpu.memory_space<vmem>>, vector<1x16xf32>,
    %swap3A_227 = vector.shape_cast %swap3A_226 : vector<1x16xf32> to vector<16xf32>
    %swap3A_228 = vector.shape_cast %broadcast_in_dim3A_1 : vector<16xf32> to vector<1x16xf32>
    tpu.vector_store %arg8[%swap3A_224, %swap3A_225], %swap3A_228 {strides = array<i32>} : memref<8x128xf32, #tpu.memory_space<vmem>>, vector<1x16xf32>,
    %swap3A_229 = arith.constant 4 : i32
    %swap3A_230 = arith.index_cast %swap3A_229 : i32 to index
    %swap3A_231 = arith.constant 96 : index
    %swap3A_232 = tpu.vector_load %arg8[%swap3A_230, %swap3A_231] {strides = array<i32>} : memref<8x128xf32, #tpu.memory_space<vmem>>, vector<1x16xf32>,
    %swap3A_233 = vector.shape_cast %swap3A_232 : vector<1x16xf32> to vector<16xf32>
    %swap3A_234 = vector.shape_cast %broadcast_in_dim3A_1 : vector<16xf32> to vector<1x16xf32>
    tpu.vector_store %arg8[%swap3A_230, %swap3A_231], %swap3A_234 {strides = array<i32>} : memref<8x128xf32, #tpu.memory_space<vmem>>, vector<1x16xf32>,
    %swap3A_235 = arith.constant 4 : i32
    %swap3A_236 = arith.index_cast %swap3A_235 : i32 to index
    %swap3A_237 = arith.constant 112 : index
    %swap3A_238 = tpu.vector_load %arg8[%swap3A_236, %swap3A_237] {strides = array<i32>} : memref<8x128xf32, #tpu.memory_space<vmem>>, vector<1x16xf32>,
    %swap3A_239 = vector.shape_cast %swap3A_238 : vector<1x16xf32> to vector<16xf32>
    %swap3A_240 = vector.shape_cast %broadcast_in_dim3A_1 : vector<16xf32> to vector<1x16xf32>
    tpu.vector_store %arg8[%swap3A_236, %swap3A_237], %swap3A_240 {strides = array<i32>} : memref<8x128xf32, #tpu.memory_space<vmem>>, vector<1x16xf32>,
    %swap3A_241 = arith.constant 5 : i32
    %swap3A_242 = arith.index_cast %swap3A_241 : i32 to index
    %swap3A_243 = arith.constant 0 : index
    %swap3A_244 = tpu.vector_load %arg8[%swap3A_242, %swap3A_243] {strides = array<i32>} : memref<8x128xf32, #tpu.memory_space<vmem>>, vector<1x16xf32>,
    %swap3A_245 = vector.shape_cast %swap3A_244 : vector<1x16xf32> to vector<16xf32>
    %swap3A_246 = vector.shape_cast %broadcast_in_dim3A_1 : vector<16xf32> to vector<1x16xf32>
    tpu.vector_store %arg8[%swap3A_242, %swap3A_243], %swap3A_246 {strides = array<i32>} : memref<8x128xf32, #tpu.memory_space<vmem>>, vector<1x16xf32>,
    %swap3A_247 = arith.constant 5 : i32
    %swap3A_248 = arith.index_cast %swap3A_247 : i32 to index
    %swap3A_249 = arith.constant 16 : index
    %swap3A_250 = tpu.vector_load %arg8[%swap3A_248, %swap3A_249] {strides = array<i32>} : memref<8x128xf32, #tpu.memory_space<vmem>>, vector<1x16xf32>,
    %swap3A_251 = vector.shape_cast %swap3A_250 : vector<1x16xf32> to vector<16xf32>
    %swap3A_252 = vector.shape_cast %broadcast_in_dim3A_1 : vector<16xf32> to vector<1x16xf32>
    tpu.vector_store %arg8[%swap3A_248, %swap3A_249], %swap3A_252 {strides = array<i32>} : memref<8x128xf32, #tpu.memory_space<vmem>>, vector<1x16xf32>,
    %swap3A_253 = arith.constant 5 : i32
    %swap3A_254 = arith.index_cast %swap3A_253 : i32 to index
    %swap3A_255 = arith.constant 32 : index
    %swap3A_256 = tpu.vector_load %arg8[%swap3A_254, %swap3A_255] {strides = array<i32>} : memref<8x128xf32, #tpu.memory_space<vmem>>, vector<1x16xf32>,
    %swap3A_257 = vector.shape_cast %swap3A_256 : vector<1x16xf32> to vector<16xf32>
    %swap3A_258 = vector.shape_cast %broadcast_in_dim3A_1 : vector<16xf32> to vector<1x16xf32>
    tpu.vector_store %arg8[%swap3A_254, %swap3A_255], %swap3A_258 {strides = array<i32>} : memref<8x128xf32, #tpu.memory_space<vmem>>, vector<1x16xf32>,
    %swap3A_259 = arith.constant 5 : i32
    %swap3A_260 = arith.index_cast %swap3A_259 : i32 to index
    %swap3A_261 = arith.constant 48 : index
    %swap3A_262 = tpu.vector_load %arg8[%swap3A_260, %swap3A_261] {strides = array<i32>} : memref<8x128xf32, #tpu.memory_space<vmem>>, vector<1x16xf32>,
    %swap3A_263 = vector.shape_cast %swap3A_262 : vector<1x16xf32> to vector<16xf32>
    %swap3A_264 = vector.shape_cast %broadcast_in_dim3A_1 : vector<16xf32> to vector<1x16xf32>
    tpu.vector_store %arg8[%swap3A_260, %swap3A_261], %swap3A_264 {strides = array<i32>} : memref<8x128xf32, #tpu.memory_space<vmem>>, vector<1x16xf32>,
    %swap3A_265 = arith.constant 5 : i32
    %swap3A_266 = arith.index_cast %swap3A_265 : i32 to index
    %swap3A_267 = arith.constant 64 : index
    %swap3A_268 = tpu.vector_load %arg8[%swap3A_266, %swap3A_267] {strides = array<i32>} : memref<8x128xf32, #tpu.memory_space<vmem>>, vector<1x16xf32>,
    %swap3A_269 = vector.shape_cast %swap3A_268 : vector<1x16xf32> to vector<16xf32>
    %swap3A_270 = vector.shape_cast %broadcast_in_dim3A_1 : vector<16xf32> to vector<1x16xf32>
    tpu.vector_store %arg8[%swap3A_266, %swap3A_267], %swap3A_270 {strides = array<i32>} : memref<8x128xf32, #tpu.memory_space<vmem>>, vector<1x16xf32>,
    %swap3A_271 = arith.constant 5 : i32
    %swap3A_272 = arith.index_cast %swap3A_271 : i32 to index
    %swap3A_273 = arith.constant 80 : index
    %swap3A_274 = tpu.vector_load %arg8[%swap3A_272, %swap3A_273] {strides = array<i32>} : memref<8x128xf32, #tpu.memory_space<vmem>>, vector<1x16xf32>,
    %swap3A_275 = vector.shape_cast %swap3A_274 : vector<1x16xf32> to vector<16xf32>
    %swap3A_276 = vector.shape_cast %broadcast_in_dim3A_1 : vector<16xf32> to vector<1x16xf32>
    tpu.vector_store %arg8[%swap3A_272, %swap3A_273], %swap3A_276 {strides = array<i32>} : memref<8x128xf32, #tpu.memory_space<vmem>>, vector<1x16xf32>,
    %swap3A_277 = arith.constant 5 : i32
    %swap3A_278 = arith.index_cast %swap3A_277 : i32 to index
    %swap3A_279 = arith.constant 96 : index
    %swap3A_280 = tpu.vector_load %arg8[%swap3A_278, %swap3A_279] {strides = array<i32>} : memref<8x128xf32, #tpu.memory_space<vmem>>, vector<1x16xf32>,
    %swap3A_281 = vector.shape_cast %swap3A_280 : vector<1x16xf32> to vector<16xf32>
    %swap3A_282 = vector.shape_cast %broadcast_in_dim3A_1 : vector<16xf32> to vector<1x16xf32>
    tpu.vector_store %arg8[%swap3A_278, %swap3A_279], %swap3A_282 {strides = array<i32>} : memref<8x128xf32, #tpu.memory_space<vmem>>, vector<1x16xf32>,
    %swap3A_283 = arith.constant 5 : i32
    %swap3A_284 = arith.index_cast %swap3A_283 : i32 to index
    %swap3A_285 = arith.constant 112 : index
    %swap3A_286 = tpu.vector_load %arg8[%swap3A_284, %swap3A_285] {strides = array<i32>} : memref<8x128xf32, #tpu.memory_space<vmem>>, vector<1x16xf32>,
    %swap3A_287 = vector.shape_cast %swap3A_286 : vector<1x16xf32> to vector<16xf32>
    %swap3A_288 = vector.shape_cast %broadcast_in_dim3A_1 : vector<16xf32> to vector<1x16xf32>
    tpu.vector_store %arg8[%swap3A_284, %swap3A_285], %swap3A_288 {strides = array<i32>} : memref<8x128xf32, #tpu.memory_space<vmem>>, vector<1x16xf32>,
    %swap3A_289 = arith.constant 6 : i32
    %swap3A_290 = arith.index_cast %swap3A_289 : i32 to index
    %swap3A_291 = arith.constant 0 : index
    %swap3A_292 = tpu.vector_load %arg8[%swap3A_290, %swap3A_291] {strides = array<i32>} : memref<8x128xf32, #tpu.memory_space<vmem>>, vector<1x16xf32>,
    %swap3A_293 = vector.shape_cast %swap3A_292 : vector<1x16xf32> to vector<16xf32>
    %swap3A_294 = vector.shape_cast %broadcast_in_dim3A_1 : vector<16xf32> to vector<1x16xf32>
    tpu.vector_store %arg8[%swap3A_290, %swap3A_291], %swap3A_294 {strides = array<i32>} : memref<8x128xf32, #tpu.memory_space<vmem>>, vector<1x16xf32>,
    %swap3A_295 = arith.constant 6 : i32
    %swap3A_296 = arith.index_cast %swap3A_295 : i32 to index
    %swap3A_297 = arith.constant 16 : index
    %swap3A_298 = tpu.vector_load %arg8[%swap3A_296, %swap3A_297] {strides = array<i32>} : memref<8x128xf32, #tpu.memory_space<vmem>>, vector<1x16xf32>,
    %swap3A_299 = vector.shape_cast %swap3A_298 : vector<1x16xf32> to vector<16xf32>
    %swap3A_300 = vector.shape_cast %broadcast_in_dim3A_1 : vector<16xf32> to vector<1x16xf32>
    tpu.vector_store %arg8[%swap3A_296, %swap3A_297], %swap3A_300 {strides = array<i32>} : memref<8x128xf32, #tpu.memory_space<vmem>>, vector<1x16xf32>,
    %swap3A_301 = arith.constant 6 : i32
    %swap3A_302 = arith.index_cast %swap3A_301 : i32 to index
    %swap3A_303 = arith.constant 32 : index
    %swap3A_304 = tpu.vector_load %arg8[%swap3A_302, %swap3A_303] {strides = array<i32>} : memref<8x128xf32, #tpu.memory_space<vmem>>, vector<1x16xf32>,
    %swap3A_305 = vector.shape_cast %swap3A_304 : vector<1x16xf32> to vector<16xf32>
    %swap3A_306 = vector.shape_cast %broadcast_in_dim3A_1 : vector<16xf32> to vector<1x16xf32>
    tpu.vector_store %arg8[%swap3A_302, %swap3A_303], %swap3A_306 {strides = array<i32>} : memref<8x128xf32, #tpu.memory_space<vmem>>, vector<1x16xf32>,
    %swap3A_307 = arith.constant 6 : i32
    %swap3A_308 = arith.index_cast %swap3A_307 : i32 to index
    %swap3A_309 = arith.constant 48 : index
    %swap3A_310 = tpu.vector_load %arg8[%swap3A_308, %swap3A_309] {strides = array<i32>} : memref<8x128xf32, #tpu.memory_space<vmem>>, vector<1x16xf32>,
    %swap3A_311 = vector.shape_cast %swap3A_310 : vector<1x16xf32> to vector<16xf32>
    %swap3A_312 = vector.shape_cast %broadcast_in_dim3A_1 : vector<16xf32> to vector<1x16xf32>
    tpu.vector_store %arg8[%swap3A_308, %swap3A_309], %swap3A_312 {strides = array<i32>} : memref<8x128xf32, #tpu.memory_space<vmem>>, vector<1x16xf32>,
    %swap3A_313 = arith.constant 6 : i32
    %swap3A_314 = arith.index_cast %swap3A_313 : i32 to index
    %swap3A_315 = arith.constant 64 : index
    %swap3A_316 = tpu.vector_load %arg8[%swap3A_314, %swap3A_315] {strides = array<i32>} : memref<8x128xf32, #tpu.memory_space<vmem>>, vector<1x16xf32>,
    %swap3A_317 = vector.shape_cast %swap3A_316 : vector<1x16xf32> to vector<16xf32>
    %swap3A_318 = vector.shape_cast %broadcast_in_dim3A_1 : vector<16xf32> to vector<1x16xf32>
    tpu.vector_store %arg8[%swap3A_314, %swap3A_315], %swap3A_318 {strides = array<i32>} : memref<8x128xf32, #tpu.memory_space<vmem>>, vector<1x16xf32>,
    %swap3A_319 = arith.constant 6 : i32
    %swap3A_320 = arith.index_cast %swap3A_319 : i32 to index
    %swap3A_321 = arith.constant 80 : index
    %swap3A_322 = tpu.vector_load %arg8[%swap3A_320, %swap3A_321] {strides = array<i32>} : memref<8x128xf32, #tpu.memory_space<vmem>>, vector<1x16xf32>,
    %swap3A_323 = vector.shape_cast %swap3A_322 : vector<1x16xf32> to vector<16xf32>
    %swap3A_324 = vector.shape_cast %broadcast_in_dim3A_1 : vector<16xf32> to vector<1x16xf32>
    tpu.vector_store %arg8[%swap3A_320, %swap3A_321], %swap3A_324 {strides = array<i32>} : memref<8x128xf32, #tpu.memory_space<vmem>>, vector<1x16xf32>,
    %swap3A_325 = arith.constant 6 : i32
    %swap3A_326 = arith.index_cast %swap3A_325 : i32 to index
    %swap3A_327 = arith.constant 96 : index
    %swap3A_328 = tpu.vector_load %arg8[%swap3A_326, %swap3A_327] {strides = array<i32>} : memref<8x128xf32, #tpu.memory_space<vmem>>, vector<1x16xf32>,
    %swap3A_329 = vector.shape_cast %swap3A_328 : vector<1x16xf32> to vector<16xf32>
    %swap3A_330 = vector.shape_cast %broadcast_in_dim3A_1 : vector<16xf32> to vector<1x16xf32>
    tpu.vector_store %arg8[%swap3A_326, %swap3A_327], %swap3A_330 {strides = array<i32>} : memref<8x128xf32, #tpu.memory_space<vmem>>, vector<1x16xf32>,
    %swap3A_331 = arith.constant 6 : i32
    %swap3A_332 = arith.index_cast %swap3A_331 : i32 to index
    %swap3A_333 = arith.constant 112 : index
    %swap3A_334 = tpu.vector_load %arg8[%swap3A_332, %swap3A_333] {strides = array<i32>} : memref<8x128xf32, #tpu.memory_space<vmem>>, vector<1x16xf32>,
    %swap3A_335 = vector.shape_cast %swap3A_334 : vector<1x16xf32> to vector<16xf32>
    %swap3A_336 = vector.shape_cast %broadcast_in_dim3A_1 : vector<16xf32> to vector<1x16xf32>
    tpu.vector_store %arg8[%swap3A_332, %swap3A_333], %swap3A_336 {strides = array<i32>} : memref<8x128xf32, #tpu.memory_space<vmem>>, vector<1x16xf32>,
    %swap3A_337 = arith.constant 7 : i32
    %swap3A_338 = arith.index_cast %swap3A_337 : i32 to index
    %swap3A_339 = arith.constant 0 : index
    %swap3A_340 = tpu.vector_load %arg8[%swap3A_338, %swap3A_339] {strides = array<i32>} : memref<8x128xf32, #tpu.memory_space<vmem>>, vector<1x16xf32>,
    %swap3A_341 = vector.shape_cast %swap3A_340 : vector<1x16xf32> to vector<16xf32>
    %swap3A_342 = vector.shape_cast %broadcast_in_dim3A_1 : vector<16xf32> to vector<1x16xf32>
    tpu.vector_store %arg8[%swap3A_338, %swap3A_339], %swap3A_342 {strides = array<i32>} : memref<8x128xf32, #tpu.memory_space<vmem>>, vector<1x16xf32>,
    %swap3A_343 = arith.constant 7 : i32
    %swap3A_344 = arith.index_cast %swap3A_343 : i32 to index
    %swap3A_345 = arith.constant 16 : index
    %swap3A_346 = tpu.vector_load %arg8[%swap3A_344, %swap3A_345] {strides = array<i32>} : memref<8x128xf32, #tpu.memory_space<vmem>>, vector<1x16xf32>,
    %swap3A_347 = vector.shape_cast %swap3A_346 : vector<1x16xf32> to vector<16xf32>
    %swap3A_348 = vector.shape_cast %broadcast_in_dim3A_1 : vector<16xf32> to vector<1x16xf32>
    tpu.vector_store %arg8[%swap3A_344, %swap3A_345], %swap3A_348 {strides = array<i32>} : memref<8x128xf32, #tpu.memory_space<vmem>>, vector<1x16xf32>,
    %swap3A_349 = arith.constant 7 : i32
    %swap3A_350 = arith.index_cast %swap3A_349 : i32 to index
    %swap3A_351 = arith.constant 32 : index
    %swap3A_352 = tpu.vector_load %arg8[%swap3A_350, %swap3A_351] {strides = array<i32>} : memref<8x128xf32, #tpu.memory_space<vmem>>, vector<1x16xf32>,
    %swap3A_353 = vector.shape_cast %swap3A_352 : vector<1x16xf32> to vector<16xf32>
    %swap3A_354 = vector.shape_cast %broadcast_in_dim3A_1 : vector<16xf32> to vector<1x16xf32>
    tpu.vector_store %arg8[%swap3A_350, %swap3A_351], %swap3A_354 {strides = array<i32>} : memref<8x128xf32, #tpu.memory_space<vmem>>, vector<1x16xf32>,
    %swap3A_355 = arith.constant 7 : i32
    %swap3A_356 = arith.index_cast %swap3A_355 : i32 to index
    %swap3A_357 = arith.constant 48 : index
    %swap3A_358 = tpu.vector_load %arg8[%swap3A_356, %swap3A_357] {strides = array<i32>} : memref<8x128xf32, #tpu.memory_space<vmem>>, vector<1x16xf32>,
    %swap3A_359 = vector.shape_cast %swap3A_358 : vector<1x16xf32> to vector<16xf32>
    %swap3A_360 = vector.shape_cast %broadcast_in_dim3A_1 : vector<16xf32> to vector<1x16xf32>
    tpu.vector_store %arg8[%swap3A_356, %swap3A_357], %swap3A_360 {strides = array<i32>} : memref<8x128xf32, #tpu.memory_space<vmem>>, vector<1x16xf32>,
    %swap3A_361 = arith.constant 7 : i32
    %swap3A_362 = arith.index_cast %swap3A_361 : i32 to index
    %swap3A_363 = arith.constant 64 : index
    %swap3A_364 = tpu.vector_load %arg8[%swap3A_362, %swap3A_363] {strides = array<i32>} : memref<8x128xf32, #tpu.memory_space<vmem>>, vector<1x16xf32>,
    %swap3A_365 = vector.shape_cast %swap3A_364 : vector<1x16xf32> to vector<16xf32>
    %swap3A_366 = vector.shape_cast %broadcast_in_dim3A_1 : vector<16xf32> to vector<1x16xf32>
    tpu.vector_store %arg8[%swap3A_362, %swap3A_363], %swap3A_366 {strides = array<i32>} : memref<8x128xf32, #tpu.memory_space<vmem>>, vector<1x16xf32>,
    %swap3A_367 = arith.constant 7 : i32
    %swap3A_368 = arith.index_cast %swap3A_367 : i32 to index
    %swap3A_369 = arith.constant 80 : index
    %swap3A_370 = tpu.vector_load %arg8[%swap3A_368, %swap3A_369] {strides = array<i32>} : memref<8x128xf32, #tpu.memory_space<vmem>>, vector<1x16xf32>,
    %swap3A_371 = vector.shape_cast %swap3A_370 : vector<1x16xf32> to vector<16xf32>
    %swap3A_372 = vector.shape_cast %broadcast_in_dim3A_1 : vector<16xf32> to vector<1x16xf32>
    tpu.vector_store %arg8[%swap3A_368, %swap3A_369], %swap3A_372 {strides = array<i32>} : memref<8x128xf32, #tpu.memory_space<vmem>>, vector<1x16xf32>,
    %swap3A_373 = arith.constant 7 : i32
    %swap3A_374 = arith.index_cast %swap3A_373 : i32 to index
    %swap3A_375 = arith.constant 96 : index
    %swap3A_376 = tpu.vector_load %arg8[%swap3A_374, %swap3A_375] {strides = array<i32>} : memref<8x128xf32, #tpu.memory_space<vmem>>, vector<1x16xf32>,
    %swap3A_377 = vector.shape_cast %swap3A_376 : vector<1x16xf32> to vector<16xf32>
    %swap3A_378 = vector.shape_cast %broadcast_in_dim3A_1 : vector<16xf32> to vector<1x16xf32>
    tpu.vector_store %arg8[%swap3A_374, %swap3A_375], %swap3A_378 {strides = array<i32>} : memref<8x128xf32, #tpu.memory_space<vmem>>, vector<1x16xf32>,
    %swap3A_379 = arith.constant 7 : i32
    %swap3A_380 = arith.index_cast %swap3A_379 : i32 to index
    %swap3A_381 = arith.constant 112 : index
    %swap3A_382 = tpu.vector_load %arg8[%swap3A_380, %swap3A_381] {strides = array<i32>} : memref<8x128xf32, #tpu.memory_space<vmem>>, vector<1x16xf32>,
    %swap3A_383 = vector.shape_cast %swap3A_382 : vector<1x16xf32> to vector<16xf32>
    %swap3A_384 = vector.shape_cast %broadcast_in_dim3A_1 : vector<16xf32> to vector<1x16xf32>
    tpu.vector_store %arg8[%swap3A_380, %swap3A_381], %swap3A_384 {strides = array<i32>} : memref<8x128xf32, #tpu.memory_space<vmem>>, vector<1x16xf32>,
    %mul3A_385 = arith.constant 640 : i32
    %mul3A_386 = arith.muli %arg1, %mul3A_385 : i32
    %scan3A = arith.constant 0 : i32
    %scan3A_387 = arith.constant 80 : i32
    %scan3A_388 = arith.addi %scan3A, %scan3A_387 : i32
    %scan3A_389 = arith.constant 1 : i32
    scf.for %scan3A_437 = %scan3A to %scan3A_388 step %scan3A_389  : i32 {
      %mul3A_438 = arith.constant 8 : i32
      %mul3A_439 = arith.muli %scan3A_437, %mul3A_438 : i32
      %add3A_440 = arith.addi %mul3A_386, %mul3A_439 : i32
      "tpu.region"() ({
        %run_scoped3A = tpu.sem_alloc : memref<!tpu.dma_semaphore, #tpu.memory_space<semaphore_mem>>
        %dma_start3A_441 = arith.constant 0 : i32
        %dma_start3A_442 = tpu.memref_slice %arg9[%add3A_440, %dma_start3A_441] : memref<10240x128xf32, #tpu.memory_space<vmem_shared>> -> memref<8x128xf32, #tpu.memory_space<vmem_shared>>
        %dma_start3A_443 = arith.constant 0 : i32
        %dma_start3A_444 = tpu.memref_slice %arg9[%add3A_440, %dma_start3A_443] : memref<10240x128xf32, #tpu.memory_space<vmem_shared>> -> memref<8x128xf32, #tpu.memory_space<vmem_shared>>
        tpu.enqueue_dma source(%arg8 : memref<8x128xf32, #tpu.memory_space<vmem>>) target(%dma_start3A_444 : memref<8x128xf32, #tpu.memory_space<vmem_shared>>) target_semaphore(%run_scoped3A : memref<!tpu.dma_semaphore, #tpu.memory_space<semaphore_mem>>)
        %dma_wait3A = arith.constant 0 : i32
        %dma_wait3A_445 = tpu.memref_slice %arg9[%add3A_440, %dma_wait3A] : memref<10240x128xf32, #tpu.memory_space<vmem_shared>> -> memref<8x128xf32, #tpu.memory_space<vmem_shared>>
        %dma_wait3A_446 = arith.constant 0 : i32
        %dma_wait3A_447 = tpu.memref_slice %arg9[%add3A_440, %dma_wait3A_446] : memref<10240x128xf32, #tpu.memory_space<vmem_shared>> -> memref<8x128xf32, #tpu.memory_space<vmem_shared>>
        tpu.wait_dma2 semaphore(%run_scoped3A : memref<!tpu.dma_semaphore, #tpu.memory_space<semaphore_mem>>) src(%arg8 : memref<8x128xf32, #tpu.memory_space<vmem>>) dst(%dma_wait3A_447 : memref<8x128xf32, #tpu.memory_space<vmem_shared>>)
        tpu.yield
      }) : () -> ()
    }
    %scan3A_390 = arith.constant 80 : i32
    %barrier3A = arith.constant 0 : index
    tpu.barrier barrier_id(%barrier3A)
    %mul3A_391 = arith.constant 2 : i32
    %mul3A_392 = arith.muli %add3A, %mul3A_391 : i32
    %mul3A_393 = arith.constant 80 : i32
    %mul3A_394 = arith.muli %mul3A_392, %mul3A_393 : i32
    %add3A_395 = arith.constant 0 : i32
    %add3A_396 = arith.addi %mul3A_394, %add3A_395 : i32
    "tpu.region"() ({
      %run_scoped3A = tpu.sem_alloc : memref<!tpu.dma_semaphore, #tpu.memory_space<semaphore_mem>>
      %dma_start3A_437 = arith.constant 0 : i32
      %dma_start3A_438 = tpu.memref_slice %arg3[%add3A_396, %dma_start3A_437] : memref<5120x128xi32, #tpu.memory_space<hbm>> -> memref<80x128xi32, #tpu.memory_space<hbm>>
      %dma_start3A_439 = arith.constant 0 : i32
      %dma_start3A_440 = tpu.memref_slice %arg3[%add3A_396, %dma_start3A_439] : memref<5120x128xi32, #tpu.memory_space<hbm>> -> memref<80x128xi32, #tpu.memory_space<hbm>>
      tpu.enqueue_dma source(%dma_start3A_440 : memref<80x128xi32, #tpu.memory_space<hbm>>) target(%arg5 : memref<80x128xi32, #tpu.memory_space<vmem>>) target_semaphore(%run_scoped3A : memref<!tpu.dma_semaphore, #tpu.memory_space<semaphore_mem>>)
      %dma_wait3A = arith.constant 0 : i32
      %dma_wait3A_441 = tpu.memref_slice %arg3[%add3A_396, %dma_wait3A] : memref<5120x128xi32, #tpu.memory_space<hbm>> -> memref<80x128xi32, #tpu.memory_space<hbm>>
      %dma_wait3A_442 = arith.constant 0 : i32
      %dma_wait3A_443 = tpu.memref_slice %arg3[%add3A_396, %dma_wait3A_442] : memref<5120x128xi32, #tpu.memory_space<hbm>> -> memref<80x128xi32, #tpu.memory_space<hbm>>
      tpu.wait_dma2 semaphore(%run_scoped3A : memref<!tpu.dma_semaphore, #tpu.memory_space<semaphore_mem>>) src(%dma_wait3A_443 : memref<80x128xi32, #tpu.memory_space<hbm>>) dst(%arg5 : memref<80x128xi32, #tpu.memory_space<vmem>>)
      tpu.yield
    }) : () -> ()
    %dma_start3A = arith.constant 0 : i32
    %dma_start3A_397 = arith.constant 0 : i32
    %dma_start3A_398 = tpu.memref_slice %arg5[%dma_start3A, %dma_start3A_397] : memref<80x128xi32, #tpu.memory_space<vmem>> -> memref<1x128xi32, #tpu.memory_space<vmem>>
    %dma_start3A_399 = tpu.memref_squeeze %dma_start3A_398 : memref<1x128xi32, #tpu.memory_space<vmem>> -> memref<128xi32, #tpu.memory_space<vmem>>
    %dma_start3A_400 = arith.constant 0 : i32
    %dma_start3A_401 = arith.constant 0 : i32
    %dma_start3A_402 = tpu.memref_slice %arg2[%dma_start3A_400, %dma_start3A_401] : memref<10000x128xf32, #tpu.memory_space<hbm>> -> memref<10000x128xf32, #tpu.memory_space<hbm>>
    tpu.enqueue_indirect_dma source(%dma_start3A_402 : memref<10000x128xf32, #tpu.memory_space<hbm>>) target(%arg6 : memref<128x128xf32, #tpu.memory_space<vmem>>) offsets(%dma_start3A_399 : memref<128xi32, #tpu.memory_space<vmem>>) semaphore(%arg10 : memref<!tpu.dma_semaphore, #tpu.memory_space<semaphore_mem>>)
    %dma_start3A_403 = arith.constant 2 : i32
    %dma_start3A_404 = arith.constant 0 : i32
    %dma_start3A_405 = tpu.memref_slice %arg5[%dma_start3A_403, %dma_start3A_404] : memref<80x128xi32, #tpu.memory_space<vmem>> -> memref<1x128xi32, #tpu.memory_space<vmem>>
    %dma_start3A_406 = tpu.memref_squeeze %dma_start3A_405 : memref<1x128xi32, #tpu.memory_space<vmem>> -> memref<128xi32, #tpu.memory_space<vmem>>
    %dma_start3A_407 = arith.constant 0 : i32
    %dma_start3A_408 = arith.constant 0 : i32
    %dma_start3A_409 = tpu.memref_slice %arg2[%dma_start3A_407, %dma_start3A_408] : memref<10000x128xf32, #tpu.memory_space<hbm>> -> memref<10000x128xf32, #tpu.memory_space<hbm>>
    tpu.enqueue_indirect_dma source(%dma_start3A_409 : memref<10000x128xf32, #tpu.memory_space<hbm>>) target(%arg7 : memref<128x128xf32, #tpu.memory_space<vmem>>) offsets(%dma_start3A_406 : memref<128xi32, #tpu.memory_space<vmem>>) semaphore(%arg11 : memref<!tpu.dma_semaphore, #tpu.memory_space<semaphore_mem>>)
    %scan3A_410 = arith.constant 0 : i32
    %scan3A_411 = arith.constant 20 : i32
    %scan3A_412 = arith.addi %scan3A_410, %scan3A_411 : i32
    %scan3A_413 = arith.constant 1 : i32
    scf.for %scan3A_437 = %scan3A_410 to %scan3A_412 step %scan3A_413  : i32 {
      %mul3A_438 = arith.constant 2 : i32
      %mul3A_439 = arith.muli %mul3A_438, %scan3A_437 : i32
      %mul3A_440 = arith.constant 2 : i32
      %mul3A_441 = arith.muli %mul3A_440, %mul3A_439 : i32
      %dma_wait3A = arith.constant 0 : i32
      %dma_wait3A_442 = tpu.memref_slice %arg5[%mul3A_441, %dma_wait3A] : memref<80x128xi32, #tpu.memory_space<vmem>> -> memref<1x128xi32, #tpu.memory_space<vmem>>
      %dma_wait3A_443 = tpu.memref_squeeze %dma_wait3A_442 : memref<1x128xi32, #tpu.memory_space<vmem>> -> memref<128xi32, #tpu.memory_space<vmem>>
      %dma_wait3A_444 = arith.constant 0 : i32
      %dma_wait3A_445 = arith.constant 0 : i32
      %dma_wait3A_446 = tpu.memref_slice %arg2[%dma_wait3A_444, %dma_wait3A_445] : memref<10000x128xf32, #tpu.memory_space<hbm>> -> memref<10000x128xf32, #tpu.memory_space<hbm>>
      tpu.wait_indirect_dma semaphore(%arg10 : memref<!tpu.dma_semaphore, #tpu.memory_space<semaphore_mem>>) src(%dma_wait3A_446 : memref<10000x128xf32, #tpu.memory_space<hbm>>) dst(%arg6 : memref<128x128xf32, #tpu.memory_space<vmem>>)
      %mul3A_447 = arith.constant 2 : i32
      %mul3A_448 = arith.muli %mul3A_447, %mul3A_439 : i32
      %add3A_449 = arith.constant 1 : i32
      %add3A_450 = arith.addi %mul3A_448, %add3A_449 : i32
      "tpu.region"() ({
        %run_scoped3A = tpu.sem_alloc : memref<!tpu.dma_semaphore, #tpu.memory_space<semaphore_mem>>
        %dma_start3A_472 = arith.constant 0 : i32
        %dma_start3A_473 = tpu.memref_slice %arg5[%add3A_450, %dma_start3A_472] : memref<80x128xi32, #tpu.memory_space<vmem>> -> memref<1x128xi32, #tpu.memory_space<vmem>>
        %dma_start3A_474 = tpu.memref_squeeze %dma_start3A_473 : memref<1x128xi32, #tpu.memory_space<vmem>> -> memref<128xi32, #tpu.memory_space<vmem>>
        %dma_start3A_475 = arith.constant 0 : i32
        %dma_start3A_476 = arith.constant 0 : i32
        %dma_start3A_477 = tpu.memref_slice %arg9[%dma_start3A_475, %dma_start3A_476] : memref<10240x128xf32, #tpu.memory_space<vmem_shared>> -> memref<10240x128xf32, #tpu.memory_space<vmem_shared>>
        tpu.enqueue_indirect_dma source(%arg6 : memref<128x128xf32, #tpu.memory_space<vmem>>) target(%dma_start3A_477 : memref<10240x128xf32, #tpu.memory_space<vmem_shared>>) offsets(%dma_start3A_474 : memref<128xi32, #tpu.memory_space<vmem>>) semaphore(%run_scoped3A : memref<!tpu.dma_semaphore, #tpu.memory_space<semaphore_mem>>) {add = true}
        %dma_wait3A_478 = arith.constant 0 : i32
        %dma_wait3A_479 = tpu.memref_slice %arg5[%add3A_450, %dma_wait3A_478] : memref<80x128xi32, #tpu.memory_space<vmem>> -> memref<1x128xi32, #tpu.memory_space<vmem>>
        %dma_wait3A_480 = tpu.memref_squeeze %dma_wait3A_479 : memref<1x128xi32, #tpu.memory_space<vmem>> -> memref<128xi32, #tpu.memory_space<vmem>>
        %dma_wait3A_481 = arith.constant 0 : i32
        %dma_wait3A_482 = arith.constant 0 : i32
        %dma_wait3A_483 = tpu.memref_slice %arg9[%dma_wait3A_481, %dma_wait3A_482] : memref<10240x128xf32, #tpu.memory_space<vmem_shared>> -> memref<10240x128xf32, #tpu.memory_space<vmem_shared>>
        tpu.wait_indirect_dma semaphore(%run_scoped3A : memref<!tpu.dma_semaphore, #tpu.memory_space<semaphore_mem>>) src(%arg6 : memref<128x128xf32, #tpu.memory_space<vmem>>) dst(%dma_wait3A_483 : memref<10240x128xf32, #tpu.memory_space<vmem_shared>>)
        tpu.yield
      }) : () -> ()
      %lt3A = arith.constant 19 : i32
      %lt3A_451 = arith.cmpi slt, %scan3A_437, %lt3A : i32
      %convert_element_type3A = arith.extui %lt3A_451 : i1 to i32
      %cond3A = arith.constant 0 : i32
      %cond3A_452 = arith.cmpi ne, %convert_element_type3A, %cond3A : i32
      scf.if %cond3A_452 {
        %mul3A_472 = arith.constant 2 : i32
        %mul3A_473 = arith.muli %mul3A_472, %mul3A_439 : i32
        %add3A_474 = arith.constant 4 : i32
        %add3A_475 = arith.addi %mul3A_473, %add3A_474 : i32
        %dma_start3A_476 = arith.constant 0 : i32
        %dma_start3A_477 = tpu.memref_slice %arg5[%add3A_475, %dma_start3A_476] : memref<80x128xi32, #tpu.memory_space<vmem>> -> memref<1x128xi32, #tpu.memory_space<vmem>>
        %dma_start3A_478 = tpu.memref_squeeze %dma_start3A_477 : memref<1x128xi32, #tpu.memory_space<vmem>> -> memref<128xi32, #tpu.memory_space<vmem>>
        %dma_start3A_479 = arith.constant 0 : i32
        %dma_start3A_480 = arith.constant 0 : i32
        %dma_start3A_481 = tpu.memref_slice %arg2[%dma_start3A_479, %dma_start3A_480] : memref<10000x128xf32, #tpu.memory_space<hbm>> -> memref<10000x128xf32, #tpu.memory_space<hbm>>
        tpu.enqueue_indirect_dma source(%dma_start3A_481 : memref<10000x128xf32, #tpu.memory_space<hbm>>) target(%arg6 : memref<128x128xf32, #tpu.memory_space<vmem>>) offsets(%dma_start3A_478 : memref<128xi32, #tpu.memory_space<vmem>>) semaphore(%arg10 : memref<!tpu.dma_semaphore, #tpu.memory_space<semaphore_mem>>)
      } else {
      }
      %mul3A_453 = arith.constant 2 : i32
      %mul3A_454 = arith.muli %mul3A_453, %mul3A_439 : i32
      %add3A_455 = arith.constant 2 : i32
      %add3A_456 = arith.addi %mul3A_454, %add3A_455 : i32
      %dma_wait3A_457 = arith.constant 0 : i32
      %dma_wait3A_458 = tpu.memref_slice %arg5[%add3A_456, %dma_wait3A_457] : memref<80x128xi32, #tpu.memory_space<vmem>> -> memref<1x128xi32, #tpu.memory_space<vmem>>
      %dma_wait3A_459 = tpu.memref_squeeze %dma_wait3A_458 : memref<1x128xi32, #tpu.memory_space<vmem>> -> memref<128xi32, #tpu.memory_space<vmem>>
      %dma_wait3A_460 = arith.constant 0 : i32
      %dma_wait3A_461 = arith.constant 0 : i32
      %dma_wait3A_462 = tpu.memref_slice %arg2[%dma_wait3A_460, %dma_wait3A_461] : memref<10000x128xf32, #tpu.memory_space<hbm>> -> memref<10000x128xf32, #tpu.memory_space<hbm>>
      tpu.wait_indirect_dma semaphore(%arg11 : memref<!tpu.dma_semaphore, #tpu.memory_space<semaphore_mem>>) src(%dma_wait3A_462 : memref<10000x128xf32, #tpu.memory_space<hbm>>) dst(%arg7 : memref<128x128xf32, #tpu.memory_space<vmem>>)
      %mul3A_463 = arith.constant 2 : i32
      %mul3A_464 = arith.muli %mul3A_463, %mul3A_439 : i32
      %add3A_465 = arith.constant 3 : i32
      %add3A_466 = arith.addi %mul3A_464, %add3A_465 : i32
      "tpu.region"() ({
        %run_scoped3A = tpu.sem_alloc : memref<!tpu.dma_semaphore, #tpu.memory_space<semaphore_mem>>
        %dma_start3A_472 = arith.constant 0 : i32
        %dma_start3A_473 = tpu.memref_slice %arg5[%add3A_466, %dma_start3A_472] : memref<80x128xi32, #tpu.memory_space<vmem>> -> memref<1x128xi32, #tpu.memory_space<vmem>>
        %dma_start3A_474 = tpu.memref_squeeze %dma_start3A_473 : memref<1x128xi32, #tpu.memory_space<vmem>> -> memref<128xi32, #tpu.memory_space<vmem>>
        %dma_start3A_475 = arith.constant 0 : i32
        %dma_start3A_476 = arith.constant 0 : i32
        %dma_start3A_477 = tpu.memref_slice %arg9[%dma_start3A_475, %dma_start3A_476] : memref<10240x128xf32, #tpu.memory_space<vmem_shared>> -> memref<10240x128xf32, #tpu.memory_space<vmem_shared>>
        tpu.enqueue_indirect_dma source(%arg7 : memref<128x128xf32, #tpu.memory_space<vmem>>) target(%dma_start3A_477 : memref<10240x128xf32, #tpu.memory_space<vmem_shared>>) offsets(%dma_start3A_474 : memref<128xi32, #tpu.memory_space<vmem>>) semaphore(%run_scoped3A : memref<!tpu.dma_semaphore, #tpu.memory_space<semaphore_mem>>) {add = true}
        %dma_wait3A_478 = arith.constant 0 : i32
        %dma_wait3A_479 = tpu.memref_slice %arg5[%add3A_466, %dma_wait3A_478] : memref<80x128xi32, #tpu.memory_space<vmem>> -> memref<1x128xi32, #tpu.memory_space<vmem>>
        %dma_wait3A_480 = tpu.memref_squeeze %dma_wait3A_479 : memref<1x128xi32, #tpu.memory_space<vmem>> -> memref<128xi32, #tpu.memory_space<vmem>>
        %dma_wait3A_481 = arith.constant 0 : i32
        %dma_wait3A_482 = arith.constant 0 : i32
        %dma_wait3A_483 = tpu.memref_slice %arg9[%dma_wait3A_481, %dma_wait3A_482] : memref<10240x128xf32, #tpu.memory_space<vmem_shared>> -> memref<10240x128xf32, #tpu.memory_space<vmem_shared>>
        tpu.wait_indirect_dma semaphore(%run_scoped3A : memref<!tpu.dma_semaphore, #tpu.memory_space<semaphore_mem>>) src(%arg7 : memref<128x128xf32, #tpu.memory_space<vmem>>) dst(%dma_wait3A_483 : memref<10240x128xf32, #tpu.memory_space<vmem_shared>>)
        tpu.yield
      }) : () -> ()
      %lt3A_467 = arith.constant 19 : i32
      %lt3A_468 = arith.cmpi slt, %scan3A_437, %lt3A_467 : i32
      %convert_element_type3A_469 = arith.extui %lt3A_468 : i1 to i32
      %cond3A_470 = arith.constant 0 : i32
      %cond3A_471 = arith.cmpi ne, %convert_element_type3A_469, %cond3A_470 : i32
      scf.if %cond3A_471 {
        %mul3A_472 = arith.constant 2 : i32
        %mul3A_473 = arith.muli %mul3A_472, %mul3A_439 : i32
        %add3A_474 = arith.constant 6 : i32
        %add3A_475 = arith.addi %mul3A_473, %add3A_474 : i32
        %dma_start3A_476 = arith.constant 0 : i32
        %dma_start3A_477 = tpu.memref_slice %arg5[%add3A_475, %dma_start3A_476] : memref<80x128xi32, #tpu.memory_space<vmem>> -> memref<1x128xi32, #tpu.memory_space<vmem>>
        %dma_start3A_478 = tpu.memref_squeeze %dma_start3A_477 : memref<1x128xi32, #tpu.memory_space<vmem>> -> memref<128xi32, #tpu.memory_space<vmem>>
        %dma_start3A_479 = arith.constant 0 : i32
        %dma_start3A_480 = arith.constant 0 : i32
        %dma_start3A_481 = tpu.memref_slice %arg2[%dma_start3A_479, %dma_start3A_480] : memref<10000x128xf32, #tpu.memory_space<hbm>> -> memref<10000x128xf32, #tpu.memory_space<hbm>>
        tpu.enqueue_indirect_dma source(%dma_start3A_481 : memref<10000x128xf32, #tpu.memory_space<hbm>>) target(%arg7 : memref<128x128xf32, #tpu.memory_space<vmem>>) offsets(%dma_start3A_478 : memref<128xi32, #tpu.memory_space<vmem>>) semaphore(%arg11 : memref<!tpu.dma_semaphore, #tpu.memory_space<semaphore_mem>>)
      } else {
      }
    }
    %scan3A_414 = arith.constant 20 : i32
    %add3A_415 = arith.constant 80 : i32
    %add3A_416 = arith.addi %mul3A_394, %add3A_415 : i32
    "tpu.region"() ({
      %run_scoped3A = tpu.sem_alloc : memref<!tpu.dma_semaphore, #tpu.memory_space<semaphore_mem>>
      %dma_start3A_437 = arith.constant 0 : i32
      %dma_start3A_438 = tpu.memref_slice %arg3[%add3A_416, %dma_start3A_437] : memref<5120x128xi32, #tpu.memory_space<hbm>> -> memref<80x128xi32, #tpu.memory_space<hbm>>
      %dma_start3A_439 = arith.constant 0 : i32
      %dma_start3A_440 = tpu.memref_slice %arg3[%add3A_416, %dma_start3A_439] : memref<5120x128xi32, #tpu.memory_space<hbm>> -> memref<80x128xi32, #tpu.memory_space<hbm>>
      tpu.enqueue_dma source(%dma_start3A_440 : memref<80x128xi32, #tpu.memory_space<hbm>>) target(%arg5 : memref<80x128xi32, #tpu.memory_space<vmem>>) target_semaphore(%run_scoped3A : memref<!tpu.dma_semaphore, #tpu.memory_space<semaphore_mem>>)
      %dma_wait3A = arith.constant 0 : i32
      %dma_wait3A_441 = tpu.memref_slice %arg3[%add3A_416, %dma_wait3A] : memref<5120x128xi32, #tpu.memory_space<hbm>> -> memref<80x128xi32, #tpu.memory_space<hbm>>
      %dma_wait3A_442 = arith.constant 0 : i32
      %dma_wait3A_443 = tpu.memref_slice %arg3[%add3A_416, %dma_wait3A_442] : memref<5120x128xi32, #tpu.memory_space<hbm>> -> memref<80x128xi32, #tpu.memory_space<hbm>>
      tpu.wait_dma2 semaphore(%run_scoped3A : memref<!tpu.dma_semaphore, #tpu.memory_space<semaphore_mem>>) src(%dma_wait3A_443 : memref<80x128xi32, #tpu.memory_space<hbm>>) dst(%arg5 : memref<80x128xi32, #tpu.memory_space<vmem>>)
      tpu.yield
    }) : () -> ()
    %dma_start3A_417 = arith.constant 0 : i32
    %dma_start3A_418 = arith.constant 0 : i32
    %dma_start3A_419 = tpu.memref_slice %arg5[%dma_start3A_417, %dma_start3A_418] : memref<80x128xi32, #tpu.memory_space<vmem>> -> memref<1x128xi32, #tpu.memory_space<vmem>>
    %dma_start3A_420 = tpu.memref_squeeze %dma_start3A_419 : memref<1x128xi32, #tpu.memory_space<vmem>> -> memref<128xi32, #tpu.memory_space<vmem>>
    %dma_start3A_421 = arith.constant 0 : i32
    %dma_start3A_422 = arith.constant 0 : i32
    %dma_start3A_423 = tpu.memref_slice %arg2[%dma_start3A_421, %dma_start3A_422] : memref<10000x128xf32, #tpu.memory_space<hbm>> -> memref<10000x128xf32, #tpu.memory_space<hbm>>
    tpu.enqueue_indirect_dma source(%dma_start3A_423 : memref<10000x128xf32, #tpu.memory_space<hbm>>) target(%arg6 : memref<128x128xf32, #tpu.memory_space<vmem>>) offsets(%dma_start3A_420 : memref<128xi32, #tpu.memory_space<vmem>>) semaphore(%arg10 : memref<!tpu.dma_semaphore, #tpu.memory_space<semaphore_mem>>)
    %dma_start3A_424 = arith.constant 2 : i32
    %dma_start3A_425 = arith.constant 0 : i32
    %dma_start3A_426 = tpu.memref_slice %arg5[%dma_start3A_424, %dma_start3A_425] : memref<80x128xi32, #tpu.memory_space<vmem>> -> memref<1x128xi32, #tpu.memory_space<vmem>>
    %dma_start3A_427 = tpu.memref_squeeze %dma_start3A_426 : memref<1x128xi32, #tpu.memory_space<vmem>> -> memref<128xi32, #tpu.memory_space<vmem>>
    %dma_start3A_428 = arith.constant 0 : i32
    %dma_start3A_429 = arith.constant 0 : i32
    %dma_start3A_430 = tpu.memref_slice %arg2[%dma_start3A_428, %dma_start3A_429] : memref<10000x128xf32, #tpu.memory_space<hbm>> -> memref<10000x128xf32, #tpu.memory_space<hbm>>
    tpu.enqueue_indirect_dma source(%dma_start3A_430 : memref<10000x128xf32, #tpu.memory_space<hbm>>) target(%arg7 : memref<128x128xf32, #tpu.memory_space<vmem>>) offsets(%dma_start3A_427 : memref<128xi32, #tpu.memory_space<vmem>>) semaphore(%arg11 : memref<!tpu.dma_semaphore, #tpu.memory_space<semaphore_mem>>)
    %scan3A_431 = arith.constant 0 : i32
    %scan3A_432 = arith.constant 20 : i32
    %scan3A_433 = arith.addi %scan3A_431, %scan3A_432 : i32
    %scan3A_434 = arith.constant 1 : i32
    scf.for %scan3A_437 = %scan3A_431 to %scan3A_433 step %scan3A_434  : i32 {
      %mul3A_438 = arith.constant 2 : i32
      %mul3A_439 = arith.muli %mul3A_438, %scan3A_437 : i32
      %mul3A_440 = arith.constant 2 : i32
      %mul3A_441 = arith.muli %mul3A_440, %mul3A_439 : i32
      %dma_wait3A = arith.constant 0 : i32
      %dma_wait3A_442 = tpu.memref_slice %arg5[%mul3A_441, %dma_wait3A] : memref<80x128xi32, #tpu.memory_space<vmem>> -> memref<1x128xi32, #tpu.memory_space<vmem>>
      %dma_wait3A_443 = tpu.memref_squeeze %dma_wait3A_442 : memref<1x128xi32, #tpu.memory_space<vmem>> -> memref<128xi32, #tpu.memory_space<vmem>>
      %dma_wait3A_444 = arith.constant 0 : i32
      %dma_wait3A_445 = arith.constant 0 : i32
      %dma_wait3A_446 = tpu.memref_slice %arg2[%dma_wait3A_444, %dma_wait3A_445] : memref<10000x128xf32, #tpu.memory_space<hbm>> -> memref<10000x128xf32, #tpu.memory_space<hbm>>
      tpu.wait_indirect_dma semaphore(%arg10 : memref<!tpu.dma_semaphore, #tpu.memory_space<semaphore_mem>>) src(%dma_wait3A_446 : memref<10000x128xf32, #tpu.memory_space<hbm>>) dst(%arg6 : memref<128x128xf32, #tpu.memory_space<vmem>>)
      %mul3A_447 = arith.constant 2 : i32
      %mul3A_448 = arith.muli %mul3A_447, %mul3A_439 : i32
      %add3A_449 = arith.constant 1 : i32
      %add3A_450 = arith.addi %mul3A_448, %add3A_449 : i32
      "tpu.region"() ({
        %run_scoped3A = tpu.sem_alloc : memref<!tpu.dma_semaphore, #tpu.memory_space<semaphore_mem>>
        %dma_start3A_472 = arith.constant 0 : i32
        %dma_start3A_473 = tpu.memref_slice %arg5[%add3A_450, %dma_start3A_472] : memref<80x128xi32, #tpu.memory_space<vmem>> -> memref<1x128xi32, #tpu.memory_space<vmem>>
        %dma_start3A_474 = tpu.memref_squeeze %dma_start3A_473 : memref<1x128xi32, #tpu.memory_space<vmem>> -> memref<128xi32, #tpu.memory_space<vmem>>
        %dma_start3A_475 = arith.constant 0 : i32
        %dma_start3A_476 = arith.constant 0 : i32
        %dma_start3A_477 = tpu.memref_slice %arg9[%dma_start3A_475, %dma_start3A_476] : memref<10240x128xf32, #tpu.memory_space<vmem_shared>> -> memref<10240x128xf32, #tpu.memory_space<vmem_shared>>
        tpu.enqueue_indirect_dma source(%arg6 : memref<128x128xf32, #tpu.memory_space<vmem>>) target(%dma_start3A_477 : memref<10240x128xf32, #tpu.memory_space<vmem_shared>>) offsets(%dma_start3A_474 : memref<128xi32, #tpu.memory_space<vmem>>) semaphore(%run_scoped3A : memref<!tpu.dma_semaphore, #tpu.memory_space<semaphore_mem>>) {add = true}
        %dma_wait3A_478 = arith.constant 0 : i32
        %dma_wait3A_479 = tpu.memref_slice %arg5[%add3A_450, %dma_wait3A_478] : memref<80x128xi32, #tpu.memory_space<vmem>> -> memref<1x128xi32, #tpu.memory_space<vmem>>
        %dma_wait3A_480 = tpu.memref_squeeze %dma_wait3A_479 : memref<1x128xi32, #tpu.memory_space<vmem>> -> memref<128xi32, #tpu.memory_space<vmem>>
        %dma_wait3A_481 = arith.constant 0 : i32
        %dma_wait3A_482 = arith.constant 0 : i32
        %dma_wait3A_483 = tpu.memref_slice %arg9[%dma_wait3A_481, %dma_wait3A_482] : memref<10240x128xf32, #tpu.memory_space<vmem_shared>> -> memref<10240x128xf32, #tpu.memory_space<vmem_shared>>
        tpu.wait_indirect_dma semaphore(%run_scoped3A : memref<!tpu.dma_semaphore, #tpu.memory_space<semaphore_mem>>) src(%arg6 : memref<128x128xf32, #tpu.memory_space<vmem>>) dst(%dma_wait3A_483 : memref<10240x128xf32, #tpu.memory_space<vmem_shared>>)
        tpu.yield
      }) : () -> ()
      %lt3A = arith.constant 19 : i32
      %lt3A_451 = arith.cmpi slt, %scan3A_437, %lt3A : i32
      %convert_element_type3A = arith.extui %lt3A_451 : i1 to i32
      %cond3A = arith.constant 0 : i32
      %cond3A_452 = arith.cmpi ne, %convert_element_type3A, %cond3A : i32
      scf.if %cond3A_452 {
        %mul3A_472 = arith.constant 2 : i32
        %mul3A_473 = arith.muli %mul3A_472, %mul3A_439 : i32
        %add3A_474 = arith.constant 4 : i32
        %add3A_475 = arith.addi %mul3A_473, %add3A_474 : i32
        %dma_start3A_476 = arith.constant 0 : i32
        %dma_start3A_477 = tpu.memref_slice %arg5[%add3A_475, %dma_start3A_476] : memref<80x128xi32, #tpu.memory_space<vmem>> -> memref<1x128xi32, #tpu.memory_space<vmem>>
        %dma_start3A_478 = tpu.memref_squeeze %dma_start3A_477 : memref<1x128xi32, #tpu.memory_space<vmem>> -> memref<128xi32, #tpu.memory_space<vmem>>
        %dma_start3A_479 = arith.constant 0 : i32
        %dma_start3A_480 = arith.constant 0 : i32
        %dma_start3A_481 = tpu.memref_slice %arg2[%dma_start3A_479, %dma_start3A_480] : memref<10000x128xf32, #tpu.memory_space<hbm>> -> memref<10000x128xf32, #tpu.memory_space<hbm>>
        tpu.enqueue_indirect_dma source(%dma_start3A_481 : memref<10000x128xf32, #tpu.memory_space<hbm>>) target(%arg6 : memref<128x128xf32, #tpu.memory_space<vmem>>) offsets(%dma_start3A_478 : memref<128xi32, #tpu.memory_space<vmem>>) semaphore(%arg10 : memref<!tpu.dma_semaphore, #tpu.memory_space<semaphore_mem>>)
      } else {
      }
      %mul3A_453 = arith.constant 2 : i32
      %mul3A_454 = arith.muli %mul3A_453, %mul3A_439 : i32
      %add3A_455 = arith.constant 2 : i32
      %add3A_456 = arith.addi %mul3A_454, %add3A_455 : i32
      %dma_wait3A_457 = arith.constant 0 : i32
      %dma_wait3A_458 = tpu.memref_slice %arg5[%add3A_456, %dma_wait3A_457] : memref<80x128xi32, #tpu.memory_space<vmem>> -> memref<1x128xi32, #tpu.memory_space<vmem>>
      %dma_wait3A_459 = tpu.memref_squeeze %dma_wait3A_458 : memref<1x128xi32, #tpu.memory_space<vmem>> -> memref<128xi32, #tpu.memory_space<vmem>>
      %dma_wait3A_460 = arith.constant 0 : i32
      %dma_wait3A_461 = arith.constant 0 : i32
      %dma_wait3A_462 = tpu.memref_slice %arg2[%dma_wait3A_460, %dma_wait3A_461] : memref<10000x128xf32, #tpu.memory_space<hbm>> -> memref<10000x128xf32, #tpu.memory_space<hbm>>
      tpu.wait_indirect_dma semaphore(%arg11 : memref<!tpu.dma_semaphore, #tpu.memory_space<semaphore_mem>>) src(%dma_wait3A_462 : memref<10000x128xf32, #tpu.memory_space<hbm>>) dst(%arg7 : memref<128x128xf32, #tpu.memory_space<vmem>>)
      %mul3A_463 = arith.constant 2 : i32
      %mul3A_464 = arith.muli %mul3A_463, %mul3A_439 : i32
      %add3A_465 = arith.constant 3 : i32
      %add3A_466 = arith.addi %mul3A_464, %add3A_465 : i32
      "tpu.region"() ({
        %run_scoped3A = tpu.sem_alloc : memref<!tpu.dma_semaphore, #tpu.memory_space<semaphore_mem>>
        %dma_start3A_472 = arith.constant 0 : i32
        %dma_start3A_473 = tpu.memref_slice %arg5[%add3A_466, %dma_start3A_472] : memref<80x128xi32, #tpu.memory_space<vmem>> -> memref<1x128xi32, #tpu.memory_space<vmem>>
        %dma_start3A_474 = tpu.memref_squeeze %dma_start3A_473 : memref<1x128xi32, #tpu.memory_space<vmem>> -> memref<128xi32, #tpu.memory_space<vmem>>
        %dma_start3A_475 = arith.constant 0 : i32
        %dma_start3A_476 = arith.constant 0 : i32
        %dma_start3A_477 = tpu.memref_slice %arg9[%dma_start3A_475, %dma_start3A_476] : memref<10240x128xf32, #tpu.memory_space<vmem_shared>> -> memref<10240x128xf32, #tpu.memory_space<vmem_shared>>
        tpu.enqueue_indirect_dma source(%arg7 : memref<128x128xf32, #tpu.memory_space<vmem>>) target(%dma_start3A_477 : memref<10240x128xf32, #tpu.memory_space<vmem_shared>>) offsets(%dma_start3A_474 : memref<128xi32, #tpu.memory_space<vmem>>) semaphore(%run_scoped3A : memref<!tpu.dma_semaphore, #tpu.memory_space<semaphore_mem>>) {add = true}
        %dma_wait3A_478 = arith.constant 0 : i32
        %dma_wait3A_479 = tpu.memref_slice %arg5[%add3A_466, %dma_wait3A_478] : memref<80x128xi32, #tpu.memory_space<vmem>> -> memref<1x128xi32, #tpu.memory_space<vmem>>
        %dma_wait3A_480 = tpu.memref_squeeze %dma_wait3A_479 : memref<1x128xi32, #tpu.memory_space<vmem>> -> memref<128xi32, #tpu.memory_space<vmem>>
        %dma_wait3A_481 = arith.constant 0 : i32
        %dma_wait3A_482 = arith.constant 0 : i32
        %dma_wait3A_483 = tpu.memref_slice %arg9[%dma_wait3A_481, %dma_wait3A_482] : memref<10240x128xf32, #tpu.memory_space<vmem_shared>> -> memref<10240x128xf32, #tpu.memory_space<vmem_shared>>
        tpu.wait_indirect_dma semaphore(%run_scoped3A : memref<!tpu.dma_semaphore, #tpu.memory_space<semaphore_mem>>) src(%arg7 : memref<128x128xf32, #tpu.memory_space<vmem>>) dst(%dma_wait3A_483 : memref<10240x128xf32, #tpu.memory_space<vmem_shared>>)
        tpu.yield
      }) : () -> ()
      %lt3A_467 = arith.constant 19 : i32
      %lt3A_468 = arith.cmpi slt, %scan3A_437, %lt3A_467 : i32
      %convert_element_type3A_469 = arith.extui %lt3A_468 : i1 to i32
      %cond3A_470 = arith.constant 0 : i32
      %cond3A_471 = arith.cmpi ne, %convert_element_type3A_469, %cond3A_470 : i32
      scf.if %cond3A_471 {
        %mul3A_472 = arith.constant 2 : i32
        %mul3A_473 = arith.muli %mul3A_472, %mul3A_439 : i32
        %add3A_474 = arith.constant 6 : i32
        %add3A_475 = arith.addi %mul3A_473, %add3A_474 : i32
        %dma_start3A_476 = arith.constant 0 : i32
        %dma_start3A_477 = tpu.memref_slice %arg5[%add3A_475, %dma_start3A_476] : memref<80x128xi32, #tpu.memory_space<vmem>> -> memref<1x128xi32, #tpu.memory_space<vmem>>
        %dma_start3A_478 = tpu.memref_squeeze %dma_start3A_477 : memref<1x128xi32, #tpu.memory_space<vmem>> -> memref<128xi32, #tpu.memory_space<vmem>>
        %dma_start3A_479 = arith.constant 0 : i32
        %dma_start3A_480 = arith.constant 0 : i32
        %dma_start3A_481 = tpu.memref_slice %arg2[%dma_start3A_479, %dma_start3A_480] : memref<10000x128xf32, #tpu.memory_space<hbm>> -> memref<10000x128xf32, #tpu.memory_space<hbm>>
        tpu.enqueue_indirect_dma source(%dma_start3A_481 : memref<10000x128xf32, #tpu.memory_space<hbm>>) target(%arg7 : memref<128x128xf32, #tpu.memory_space<vmem>>) offsets(%dma_start3A_478 : memref<128xi32, #tpu.memory_space<vmem>>) semaphore(%arg11 : memref<!tpu.dma_semaphore, #tpu.memory_space<semaphore_mem>>)
      } else {
      }
    }
    %scan3A_435 = arith.constant 20 : i32
    %barrier3A_436 = arith.constant 0 : index
    tpu.barrier barrier_id(%barrier3A_436)
    "tpu.region"() ({
      %run_scoped3A = tpu.sem_alloc : memref<!tpu.dma_semaphore, #tpu.memory_space<semaphore_mem>>
      %dma_start3A_437 = arith.constant 0 : i32
      %dma_start3A_438 = tpu.memref_slice %arg4[%arg0, %mul3A_386, %dma_start3A_437] : memref<2x10240x128xf32, #tpu.memory_space<hbm>> -> memref<1x640x128xf32, #tpu.memory_space<hbm>>
      %dma_start3A_439 = tpu.memref_squeeze %dma_start3A_438 : memref<1x640x128xf32, #tpu.memory_space<hbm>> -> memref<640x128xf32, #tpu.memory_space<hbm>>
      %dma_start3A_440 = arith.constant 0 : i32
      %dma_start3A_441 = tpu.memref_slice %arg9[%mul3A_386, %dma_start3A_440] : memref<10240x128xf32, #tpu.memory_space<vmem_shared>> -> memref<640x128xf32, #tpu.memory_space<vmem_shared>>
      tpu.enqueue_dma source(%dma_start3A_441 : memref<640x128xf32, #tpu.memory_space<vmem_shared>>) target(%dma_start3A_439 : memref<640x128xf32, #tpu.memory_space<hbm>>) target_semaphore(%run_scoped3A : memref<!tpu.dma_semaphore, #tpu.memory_space<semaphore_mem>>)
      %dma_wait3A = arith.constant 0 : i32
      %dma_wait3A_442 = tpu.memref_slice %arg4[%arg0, %mul3A_386, %dma_wait3A] : memref<2x10240x128xf32, #tpu.memory_space<hbm>> -> memref<1x640x128xf32, #tpu.memory_space<hbm>>
      %dma_wait3A_443 = tpu.memref_squeeze %dma_wait3A_442 : memref<1x640x128xf32, #tpu.memory_space<hbm>> -> memref<640x128xf32, #tpu.memory_space<hbm>>
      %dma_wait3A_444 = arith.constant 0 : i32
      %dma_wait3A_445 = tpu.memref_slice %arg9[%mul3A_386, %dma_wait3A_444] : memref<10240x128xf32, #tpu.memory_space<vmem_shared>> -> memref<640x128xf32, #tpu.memory_space<vmem_shared>>
      tpu.wait_dma2 semaphore(%run_scoped3A : memref<!tpu.dma_semaphore, #tpu.memory_space<semaphore_mem>>) src(%dma_wait3A_445 : memref<640x128xf32, #tpu.memory_space<vmem_shared>>) dst(%dma_wait3A_443 : memref<640x128xf32, #tpu.memory_space<hbm>>)
      tpu.yield
    }) : () -> ()
    return
  }
}

module attributes {stable_mosaic.version = 14 : i64} {
  func.func @_dense1_body(%arg0: i32, %arg1: memref<2000x128xf32, #tpu.memory_space<vmem>>, %arg2: memref<2000x128xf32, #tpu.memory_space<vmem>>, %arg3: memref<2000x128xf32, #tpu.memory_space<vmem>>, %arg4: memref<128x128xf32, #tpu.memory_space<vmem>>, %arg5: memref<128x128xf32, #tpu.memory_space<vmem>>, %arg6: memref<2000x128xf32, #tpu.memory_space<vmem>>) attributes {dimension_semantics = [#tpu.dimension_semantics<arbitrary>], iteration_bounds = array<i64: 5>, scalar_prefetch = 0 : i64, scratch_operands = 0 : i64, tpu.core_type = #tpu.core_type<tc>, window_params = [{transform_indices = @transform_0, window_bounds = array<i64: 2000, 128>}, {transform_indices = @transform_1, window_bounds = array<i64: 2000, 128>}, {transform_indices = @transform_2, window_bounds = array<i64: 2000, 128>}, {pipeline_mode = #tpu.pipeline_mode<synchronous>, transform_indices = @transform_3, window_bounds = array<i64: 128, 128>}, {pipeline_mode = #tpu.pipeline_mode<synchronous>, transform_indices = @transform_4, window_bounds = array<i64: 128, 128>}, {transform_indices = @transform_5, window_bounds = array<i64: 2000, 128>}]} {
    %get3A = arith.constant 0 : index
    %get3A_0 = arith.constant 0 : index
    %get3A_1 = vector.load %arg1[%get3A, %get3A_0] : memref<2000x128xf32, #tpu.memory_space<vmem>>, vector<2000x128xf32>
    %get3A_2 = arith.constant 0 : index
    %get3A_3 = arith.constant 0 : index
    %get3A_4 = vector.load %arg2[%get3A_2, %get3A_3] : memref<2000x128xf32, #tpu.memory_space<vmem>>, vector<2000x128xf32>
    %add3A = arith.addf %get3A_1, %get3A_4 : vector<2000x128xf32>
    %get3A_5 = arith.constant 0 : index
    %get3A_6 = arith.constant 0 : index
    %get3A_7 = vector.load %arg4[%get3A_5, %get3A_6] : memref<128x128xf32, #tpu.memory_space<vmem>>, vector<128x128xf32>
    %dot_general3A = arith.constant dense<0.000000e+00> : vector<2000x128xf32>
    %dot_general3A_8 = tpu.matmul %add3A, %get3A_7, %dot_general3A {dimension_numbers = #tpu.dot_dimension_numbers<[1], [0], [0], [1], [0, 0, 1, 1], [], []>, transpose_lhs_hint = false} : vector<2000x128xf32>, vector<128x128xf32>, vector<2000x128xf32> -> vector<2000x128xf32>
    %get3A_9 = arith.constant 0 : index
    %get3A_10 = arith.constant 0 : index
    %get3A_11 = vector.load %arg3[%get3A_9, %get3A_10] : memref<2000x128xf32, #tpu.memory_space<vmem>>, vector<2000x128xf32>
    %get3A_12 = arith.constant 0 : index
    %get3A_13 = arith.constant 0 : index
    %get3A_14 = vector.load %arg5[%get3A_12, %get3A_13] : memref<128x128xf32, #tpu.memory_space<vmem>>, vector<128x128xf32>
    %dot_general3A_15 = arith.constant dense<0.000000e+00> : vector<2000x128xf32>
    %dot_general3A_16 = tpu.matmul %get3A_11, %get3A_14, %dot_general3A_15 {dimension_numbers = #tpu.dot_dimension_numbers<[1], [0], [0], [1], [0, 0, 1, 1], [], []>, transpose_lhs_hint = false} : vector<2000x128xf32>, vector<128x128xf32>, vector<2000x128xf32> -> vector<2000x128xf32>
    %add3A_17 = arith.addf %dot_general3A_8, %dot_general3A_16 : vector<2000x128xf32>
    %max3A = arith.constant 0.000000e+00 : f32
    %max3A_18 = vector.broadcast %max3A : f32 to vector<2000x128xf32>
    %max3A_19 = arith.maximumf %add3A_17, %max3A_18 : vector<2000x128xf32>
    %swap3A = arith.constant 0 : index
    %swap3A_20 = arith.constant 0 : index
    %swap3A_21 = vector.load %arg6[%swap3A, %swap3A_20] : memref<2000x128xf32, #tpu.memory_space<vmem>>, vector<2000x128xf32>
    tpu.vector_store %arg6[%swap3A, %swap3A_20], %max3A_19 {strides = array<i32>} : memref<2000x128xf32, #tpu.memory_space<vmem>>, vector<2000x128xf32>,
    return
  }
  func.func @transform_0(%arg0: i32) -> (i32, i32) {
    %c0_i32 = arith.constant 0 : i32
    %c0_i32_0 = arith.constant 0 : i32
    return %arg0, %c0_i32 : i32, i32
  }
  func.func @transform_1(%arg0: i32) -> (i32, i32) {
    %c0_i32 = arith.constant 0 : i32
    %c0_i32_0 = arith.constant 0 : i32
    return %arg0, %c0_i32 : i32, i32
  }
  func.func @transform_2(%arg0: i32) -> (i32, i32) {
    %c0_i32 = arith.constant 0 : i32
    %c0_i32_0 = arith.constant 0 : i32
    return %arg0, %c0_i32 : i32, i32
  }
  func.func @transform_3(%arg0: i32) -> (i32, i32) {
    %c0_i32 = arith.constant 0 : i32
    %c0_i32_0 = arith.constant 0 : i32
    %c0_i32_1 = arith.constant 0 : i32
    return %c0_i32, %c0_i32_0 : i32, i32
  }
  func.func @transform_4(%arg0: i32) -> (i32, i32) {
    %c0_i32 = arith.constant 0 : i32
    %c0_i32_0 = arith.constant 0 : i32
    %c0_i32_1 = arith.constant 0 : i32
    return %c0_i32, %c0_i32_0 : i32, i32
  }
  func.func @transform_5(%arg0: i32) -> (i32, i32) {
    %c0_i32 = arith.constant 0 : i32
    %c0_i32_0 = arith.constant 0 : i32
    return %arg0, %c0_i32 : i32, i32
  }
}

module attributes {stable_mosaic.version = 14 : i64} {
  func.func @_dense2_body(%arg0: i32, %arg1: memref<2000x128xf32, #tpu.memory_space<vmem>>, %arg2: memref<2000x128xf32, #tpu.memory_space<vmem>>, %arg3: memref<2000x128xf32, #tpu.memory_space<vmem>>, %arg4: memref<128x128xf32, #tpu.memory_space<vmem>>, %arg5: memref<128x128xf32, #tpu.memory_space<vmem>>, %arg6: memref<128x1xf32, #tpu.memory_space<vmem>>, %arg7: memref<2000x1xf32, #tpu.memory_space<vmem>>) attributes {dimension_semantics = [#tpu.dimension_semantics<arbitrary>], iteration_bounds = array<i64: 5>, scalar_prefetch = 0 : i64, scratch_operands = 0 : i64, tpu.core_type = #tpu.core_type<tc>, window_params = [{transform_indices = @transform_0, window_bounds = array<i64: 2000, 128>}, {transform_indices = @transform_1, window_bounds = array<i64: 2000, 128>}, {transform_indices = @transform_2, window_bounds = array<i64: 2000, 128>}, {pipeline_mode = #tpu.pipeline_mode<synchronous>, transform_indices = @transform_3, window_bounds = array<i64: 128, 128>}, {pipeline_mode = #tpu.pipeline_mode<synchronous>, transform_indices = @transform_4, window_bounds = array<i64: 128, 128>}, {pipeline_mode = #tpu.pipeline_mode<synchronous>, transform_indices = @transform_5, window_bounds = array<i64: 128, 1>}, {transform_indices = @transform_6, window_bounds = array<i64: 2000, 1>}]} {
    %get3A = arith.constant 0 : index
    %get3A_0 = arith.constant 0 : index
    %get3A_1 = vector.load %arg1[%get3A, %get3A_0] : memref<2000x128xf32, #tpu.memory_space<vmem>>, vector<2000x128xf32>
    %get3A_2 = arith.constant 0 : index
    %get3A_3 = arith.constant 0 : index
    %get3A_4 = vector.load %arg2[%get3A_2, %get3A_3] : memref<2000x128xf32, #tpu.memory_space<vmem>>, vector<2000x128xf32>
    %add3A = arith.addf %get3A_1, %get3A_4 : vector<2000x128xf32>
    %get3A_5 = arith.constant 0 : index
    %get3A_6 = arith.constant 0 : index
    %get3A_7 = vector.load %arg4[%get3A_5, %get3A_6] : memref<128x128xf32, #tpu.memory_space<vmem>>, vector<128x128xf32>
    %dot_general3A = arith.constant dense<0.000000e+00> : vector<2000x128xf32>
    %dot_general3A_8 = tpu.matmul %add3A, %get3A_7, %dot_general3A {dimension_numbers = #tpu.dot_dimension_numbers<[1], [0], [0], [1], [0, 0, 1, 1], [], []>, transpose_lhs_hint = false} : vector<2000x128xf32>, vector<128x128xf32>, vector<2000x128xf32> -> vector<2000x128xf32>
    %get3A_9 = arith.constant 0 : index
    %get3A_10 = arith.constant 0 : index
    %get3A_11 = vector.load %arg3[%get3A_9, %get3A_10] : memref<2000x128xf32, #tpu.memory_space<vmem>>, vector<2000x128xf32>
    %get3A_12 = arith.constant 0 : index
    %get3A_13 = arith.constant 0 : index
    %get3A_14 = vector.load %arg5[%get3A_12, %get3A_13] : memref<128x128xf32, #tpu.memory_space<vmem>>, vector<128x128xf32>
    %dot_general3A_15 = arith.constant dense<0.000000e+00> : vector<2000x128xf32>
    %dot_general3A_16 = tpu.matmul %get3A_11, %get3A_14, %dot_general3A_15 {dimension_numbers = #tpu.dot_dimension_numbers<[1], [0], [0], [1], [0, 0, 1, 1], [], []>, transpose_lhs_hint = false} : vector<2000x128xf32>, vector<128x128xf32>, vector<2000x128xf32> -> vector<2000x128xf32>
    %add3A_17 = arith.addf %dot_general3A_8, %dot_general3A_16 : vector<2000x128xf32>
    %max3A = arith.constant 0.000000e+00 : f32
    %max3A_18 = vector.broadcast %max3A : f32 to vector<2000x128xf32>
    %max3A_19 = arith.maximumf %add3A_17, %max3A_18 : vector<2000x128xf32>
    %get3A_20 = arith.constant 0 : index
    %get3A_21 = arith.constant 0 : index
    %get3A_22 = vector.load %arg6[%get3A_20, %get3A_21] : memref<128x1xf32, #tpu.memory_space<vmem>>, vector<128x1xf32>
    %dot_general3A_23 = arith.constant dense<0.000000e+00> : vector<2000x1xf32>
    %dot_general3A_24 = tpu.matmul %max3A_19, %get3A_22, %dot_general3A_23 {dimension_numbers = #tpu.dot_dimension_numbers<[1], [0], [0], [1], [0, 0, 1, 1], [], []>, transpose_lhs_hint = false} : vector<2000x128xf32>, vector<128x1xf32>, vector<2000x1xf32> -> vector<2000x1xf32>
    %swap3A = arith.constant 0 : index
    %swap3A_25 = arith.constant 0 : index
    %swap3A_26 = vector.load %arg7[%swap3A, %swap3A_25] : memref<2000x1xf32, #tpu.memory_space<vmem>>, vector<2000x1xf32>
    tpu.vector_store %arg7[%swap3A, %swap3A_25], %dot_general3A_24 {strides = array<i32>} : memref<2000x1xf32, #tpu.memory_space<vmem>>, vector<2000x1xf32>,
    return
  }
  func.func @transform_0(%arg0: i32) -> (i32, i32) {
    %c0_i32 = arith.constant 0 : i32
    %c0_i32_0 = arith.constant 0 : i32
    return %arg0, %c0_i32 : i32, i32
  }
  func.func @transform_1(%arg0: i32) -> (i32, i32) {
    %c0_i32 = arith.constant 0 : i32
    %c0_i32_0 = arith.constant 0 : i32
    return %arg0, %c0_i32 : i32, i32
  }
  func.func @transform_2(%arg0: i32) -> (i32, i32) {
    %c0_i32 = arith.constant 0 : i32
    %c0_i32_0 = arith.constant 0 : i32
    return %arg0, %c0_i32 : i32, i32
  }
  func.func @transform_3(%arg0: i32) -> (i32, i32) {
    %c0_i32 = arith.constant 0 : i32
    %c0_i32_0 = arith.constant 0 : i32
    %c0_i32_1 = arith.constant 0 : i32
    return %c0_i32, %c0_i32_0 : i32, i32
  }
  func.func @transform_4(%arg0: i32) -> (i32, i32) {
    %c0_i32 = arith.constant 0 : i32
    %c0_i32_0 = arith.constant 0 : i32
    %c0_i32_1 = arith.constant 0 : i32
    return %c0_i32, %c0_i32_0 : i32, i32
  }
  func.func @transform_5(%arg0: i32) -> (i32, i32) {
    %c0_i32 = arith.constant 0 : i32
    %c0_i32_0 = arith.constant 0 : i32
    %c0_i32_1 = arith.constant 0 : i32
    return %c0_i32, %c0_i32_0 : i32, i32
  }
  func.func @transform_6(%arg0: i32) -> (i32, i32) {
    %c0_i32 = arith.constant 0 : i32
    %c0_i32_0 = arith.constant 0 : i32
    return %arg0, %c0_i32 : i32, i32
  }
}

</mosaic_0001>

<sc_bundles>
// kernel: kernel.6.cloned.1.call-start
scs
__scs_entry_jumppad:
0x0: {  	(pc) =	sbr.rel $0x88, $3  }
0x1: {  	(tag) =	ssettag $0x0;
	lr =	simm.s32 $0x1  }
0x2: {  	[smem:$0x3F9C] =	sst lr;
	_ =	strace $0xD0000000  }
0x3: {  	_ = 	snop  }
0x4: {  	_ = 	snop  }
0x5: {  	_ = 	snop  }
0x6: {  	_ = 	snop  }
0x7: {  	_ = 	snop  }
__scs_overlays_trampoline_lowered:
0x8: {  	[smem:$0x3FAB] =	sst s0  }
0x9: {  	[smem:$0x3FAC] =	sst s1  }
0xa: {  	[smem:$0x3FAD] =	sst s2  }
0xb: {  	[smem:$0x3FAE] =	sst s3  }
0xc: {  	[smem:$0x3FAF] =	sst s4  }
0xd: {  	[smem:$0x3FB0] =	sst s5  }
0xe: {  	[smem:$0x3FB1] =	sst s6  }
0xf: {  	[smem:$0x3FB2] =	sst s7  }
0x10: {  	[smem:$0x3FB3] =	sst s8  }
0x11: {  	[smem:$0x3FB4] =	sst s9;
	s0 =	simm.s32 @!p0 $0x0  }
0x12: {  	s1 =	sld [smem:$0x3F9A];
	s0 =	simm.s32 @p0 $0x1  }
0x13: {  	[smem:$0x3FB5] =	sst s0;
	s0 =	simm.s32 @!p1 $0x0  }
0x14: {  	s2 =	sld [smem:$0x3F99];
	s0 =	simm.s32 @p1 $0x1  }
0x15: {  	[smem:$0x3FB6] =	sst s0;
	s0 =	simm.s32 @!p2 $0x0  }
0x16: {  	s3 =	sld [smem:$0x3FDB];
	s0 =	simm.s32 @p2 $0x1  }
0x17: {  	s4 =	simm.s32 $0x1BF5;
	[smem:$0x3FB8] =	sst s0  }
0x18: {  	s0 =	sld [smem:$0x3F9B];
	_ =	swait.ge [sflag:s4], $0x0  }
0x19: {  	s7 =	sld [smem:$0x3F9C]  }
0x1a: {  	s8 =	sadd.s32 $0xFFFFE003, lr  }
0x1b: {  	s9 =	sadd.s32 $0xFFFFFEF7, lr;
	s5 =	simm.s32 $0xFFFFFFFF;
	p2 =	slt.u32 s8, $0xFFFFF086  }
0x1c: {  	p1 =	slt.u32 s9, $0xF7A;
	s5 =	simm.s32 @!p2 $0x0  }
0x1d: {  	s5 =	simm.s32 @p1 $0x1;
	p0 =	seq.s32 s7, s2  }
0x1e: {  	s7 =	smul.u32 @!p0 $0xF7A, s2;
	p2 =	seq.s32 @!p0 s5, $0x0  }
0x1f: {  	s9 =	smul.u32 $0xF7A, s1;
	s8 =	simm.s32 @!p0 $0x1BF5;
	p2 =	por !p2, p0  }
0x20: {  	[sflag:s8] =	ssyncset.s32 @!p0 $0xFFFFF086;
	s6 =	sadd.s32 @!p0 s3, s7;
	s7 =	simm.s32 @!p0 $0x108  }
0x21: {  	s3 =	sadd.s32 s3, s9;
	s6 =	sadd.s32 @!p0 $0x88, s6;
	s7 =	simm.s32 @p2 $0x1082  }
0x22: {  	[simem:s7], [sflag:s8] =	dma.local @!p0 [hbm:s6], $0xF7A  }
0x23: {  	s9 =	sor.u32 $0xD0000000, s2;
	s6 =	simm.s32 $0x108;
	_ =	swait.ge @!p0 [sflag:s8], $0x0  }
0x24: {  	s3 =	sadd.s32 $0x88, s3;
	s6 =	simm.s32 @!p1 $0x1082;
	[sflag:s4] =	ssyncset.s32 $0xFFFFF086  }
0x25: {  	[simem:s6], [sflag:s4] =	dma.local [hbm:s3], $0xF7A  }
0x26: {  	[smem:$0x3F9C] =	sst s1;
	(tag) =	ssettag s2;
	_ =	strace s9  }
0x27: {  	s1 =	sld [smem:$0x3FAC]  }
0x28: {  	s2 =	sld [smem:$0x3FAD]  }
0x29: {  	s4 =	sld [smem:$0x3FAF]  }
0x2a: {  	p0 =	seq.s32 s5, $0x0;
	s5 =	sld [smem:$0x3FB0]  }
0x2b: {  	s6 =	sld [smem:$0x3FB1]  }
0x2c: {  	s7 =	sld [smem:$0x3FB2]  }
0x2d: {  	s3 =	simm.s32 $0x108;
	s8 =	sld [smem:$0x3FB3]  }
0x2e: {  	s3 =	simm.s32 @!p0 $0x1082;
	s9 =	sld [smem:$0x3FB4]  }
0x2f: {  	lr =	sadd.s32 s0, s3;
	s0 =	sld [smem:$0x3FAB]  }
0x30: {  	s3 =	sld [smem:$0x3FAE]  }
0x31: {  	[smem:$0x3FB7] =	sst s10  }
0x32: {  	s10 =	sld [smem:$0x3FB5];
	_ =	sdelay $0x3  }
0x33: {  	p0 =	seq.s32 s10, $0x1;
	s10 =	sld [smem:$0x3FB7];
	_ =	sdelay $0x3  }
0x34: {  	[smem:$0x3FB7] =	sst s10  }
0x35: {  	s10 =	sld [smem:$0x3FB6];
	_ =	sdelay $0x3  }
0x36: {  	p1 =	seq.s32 s10, $0x1;
	s10 =	sld [smem:$0x3FB7];
	_ =	sdelay $0x3  }
0x37: {  	[smem:$0x3FB7] =	sst s10  }
0x38: {  	s10 =	sld [smem:$0x3FB8]  }
0x39: {  	_ = 	snop;
	(pc) =	sbr.ind lr, $3  }
0x3a: {  	_ = 	snop  }
0x3b: {  	_ = 	snop  }
0x3c: {  	p2 =	seq.s32 s10, $0x1;
	s10 =	sld [smem:$0x3FB7]  }
0x3d: {  	_ =	shalt  }
0x3e: {  	_ =	shalt  }
0x3f: {  	_ =	shalt  }
0x40: {  	_ =	shalt  }
0x41: {  	_ =	shalt  }
0x42: {  	_ =	shalt  }
0x43: {  	_ =	shalt  }
0x44: {  	_ =	shalt  }
0x45: {  	_ =	shalt  }
0x46: {  	_ =	shalt  }
0x47: {  	_ =	shalt  }
0x48: {  	_ =	shalt  }
0x49: {  	_ =	shalt  }
0x4a: {  	_ =	shalt  }
0x4b: {  	_ =	shalt  }
0x4c: {  	_ =	shalt  }
0x4d: {  	_ =	shalt  }
0x4e: {  	_ =	shalt  }
0x4f: {  	_ =	shalt  }
0x50: {  	_ =	shalt  }
0x51: {  	_ =	shalt  }
0x52: {  	_ =	shalt  }
0x53: {  	_ =	shalt  }
0x54: {  	_ =	shalt  }
0x55: {  	_ =	shalt  }
0x56: {  	_ =	shalt  }
0x57: {  	_ =	shalt  }
0x58: {  	_ =	shalt  }
0x59: {  	_ =	shalt  }
0x5a: {  	_ =	shalt  }
0x5b: {  	_ =	shalt  }
0x5c: {  	_ =	shalt  }
0x5d: {  	_ =	shalt  }
0x5e: {  	_ =	shalt  }
0x5f: {  	_ =	shalt  }
0x60: {  	_ =	shalt  }
0x61: {  	_ =	shalt  }
0x62: {  	_ =	shalt  }
0x63: {  	_ =	shalt  }
0x64: {  	_ =	shalt  }
0x65: {  	_ =	shalt  }
0x66: {  	_ =	shalt  }
0x67: {  	_ =	shalt  }
0x68: {  	_ =	shalt  }
0x69: {  	_ =	shalt  }
0x6a: {  	_ =	shalt  }
0x6b: {  	_ =	shalt  }
0x6c: {  	_ =	shalt  }
0x6d: {  	_ =	shalt  }
0x6e: {  	_ =	shalt  }
0x6f: {  	_ =	shalt  }
0x70: {  	_ =	shalt  }
0x71: {  	_ =	shalt  }
0x72: {  	_ =	shalt  }
0x73: {  	_ =	shalt  }
0x74: {  	_ =	shalt  }
0x75: {  	_ =	shalt  }
0x76: {  	_ =	shalt  }
0x77: {  	_ =	shalt  }
0x78: {  	_ =	shalt  }
0x79: {  	_ =	shalt  }
0x7a: {  	_ =	shalt  }
0x7b: {  	_ =	shalt  }
0x7c: {  	_ =	shalt  }
0x7d: {  	_ =	shalt  }
0x7e: {  	_ =	shalt  }
0x7f: {  	_ =	shalt  }
0x80: {  	_ =	shalt  }
0x81: {  	_ =	shalt  }
0x82: {  	_ =	shalt  }
0x83: {  	_ =	shalt  }
0x84: {  	_ =	shalt  }
0x85: {  	_ =	shalt  }
0x86: {  	_ =	shalt  }
0x87: {  	_ =	shalt  }
.Lfunc_end0:
.L_simem_size_0:
called_computation_lowered:
.L_overlay_start_0:
0x88: {  	s2 =	sld [smem:$0x3FD9]  }
0x89: {  	s3 =	sld [smem:$0x3FFE];
	_ =	sdelay $0x1  }
0x8a: {  	s1 =	srdreg.scid  }
0x8b: {  	s0 =	sand.u32 $0x1, s1  }
0x8c: {  	s17 =	sshll.u32 s0, $0xA;
	s2 =	sadd.s32 s3, s2  }
0x8d: {  	s2 =	sadd.s32 s2, s17  }
0x8e: {  	[smem:$0x3FC3] =	sst s2  }
0x8f: {  	_ = 	snop  }
0x90: {  	s2 =	sld [smem:$0x3FC9];
	(tm) =	ssettm $0x1  }
0x91: {  	s18 =	sld [smem:$0x3FFB];
	_ =	sdelay $0x3  }
0x92: {  	_ =	strace s18  }
0x93: {  	s3 =	sld [smem:$0x3FFC];
	_ =	sdelay $0x3  }
0x94: {  	_ =	strace s3  }
0x95: {  	s3 =	sld [smem:$0x3FFD];
	_ =	sdelay $0x3  }
0x96: {  	_ =	strace s3  }
0x97: {  	_ =	strace $0x8FFFFFFF  }
0x98: {  	s19 =	sld [smem:$0x3FDB];
	_ =	sdelay $0x1  }
0x99: {  	s4 =	simm.s32 $_scs_section_size  }
0x9a: {  	s5 =	simm.s32 $_size__tile_overlayer_lowered;
	s6 =	simm.s32 $_tile_overlayer_lowered  }
0x9b: {  	s22 =	simm.s32 $0x1BFF;
	s21 =	sshll.u32 s6, $0x1;
	s3 =	sadd.s32 s4, s19  }
0x9c: {  	s7 =	simm.s32 $0x0;
	s20 =	sshll.u32 s5, $0x1;
	s5 =	sadd.s32 s21, s3  }
0x9d: {  	[timem:s7], [sflag:s22] =	dma.local [hbm:s5], s20  }
0x9e: {  	_ =	swait.ge [sflag:s22], s20  }
0x9f: {  	s4 =	ssub.s32 $0x0, s20;
	[sflag:s22] =	ssyncset.done $0x0  }
0xa0: {  	[sflag:s22] =	ssyncadd.s32 s4;
	_ =	sdelay $0x1  }
0xa1: {  	s23 =	simm.s32 $0x1B8B  }
0xa2: {  	_ =	swait.ge [sflag:s23], $0x1  }
0xa3: {  	[sflag:s23] =	ssyncset.done $0x0  }
0xa4: {  	s25 =	simm.s32 $0x1B8E;
	s24 =	sld [smem:$0x3FFE];
	[sflag:s23] =	ssyncadd.s32 $0xFFFFFFFF  }
0xa5: {  	s26 =	simm.s32 $execute0_lowered;
	[smem:$0x3FD2] =	sst s25  }
0xa6: {  	s5 =	sshll.u32 s26, $0x1;
	_ =	strace $0x80000046;
	[dreg:$0x1] =	wrdreg $0xFFFFFFFF  }
0xa7: {  	s28 =	simm.s32 $_size_execute0_lowered;
	s3 =	sadd.s32 s3, s5;
	[dreg:$0x0] =	wrdreg $0x0  }
0xa8: {  	s5 =	sshll.u32 s28, $0x1;
	[dreg:$0x2] =	wrdreg s3  }
0xa9: {  	[dreg:$0x3] =	wrdreg s5  }
0xaa: {  	[dreg:$0x4] =	wrdreg $0xC0  }
0xab: {  	_ =	task [dreg:s7], $0x5FFFF  }
0xac: {  	[dreg:$0x1] =	wrdreg $0xFFFFFFFF  }
0xad: {  	[dreg:$0x0] =	wrdreg $0x60  }
0xae: {  	[dreg:$0x2] =	wrdreg s2  }
0xaf: {  	[dreg:$0x3] =	wrdreg s24  }
0xb0: {  	[dreg:$0x4] =	wrdreg $0xAC000  }
0xb1: {  	[dreg:$0x5] =	wrdreg $0x9  }
0xb2: {  	_ =	task.clear_ibuf [dreg:s7], $0x6FFFF;
	_ =	strace $0x90000046  }
0xb3: {  	s29 =	simm.s32 $0x9;
	_ =	strace $0x80000048  }
0xb4: {  	_ =	swait.ge [sflag:s29], $0x1  }
0xb5: {  	[sflag:s29] =	ssyncadd.s32 $0xFFFFFFFF  }
0xb6: {  	_ =	strace $0x90000048  }
0xb7: {  	_ =	sfence  }
0xb8: {  	s30 =	sld [smem:$0x0];
	_ =	sdelay $0x2  }
0xb9: {  	s31 =	sshll.u32 s1, $0xD;
	s1 =	sshrl.u32 s1, $0x2  }
0xba: {  	s3 =	sand.u32 $0x4000, s31;
	s1 =	sadd.s32 s1, s30  }
0xbb: {  	s0 =	sor.u32 s3, s0;
	s1 =	sshll.u32 s1, $0x11  }
0xbc: {  	s0 =	sor.u32 s1, s0  }
0xbd: {  	s0 =	sadd.s32 $0x8F2B, s0  }
0xbe: {  	[sflag:s0] =	ssyncadd.remote.s32 $0x1  }
0xbf: {  	_ =	sfence.sel $0xFFFF  }
0xc0: {  	[dreg:$0x0] =	wrdreg $0xFFFFFFFF;
	(pc) =	sbr.abs _section_cstart, $3  }
0xc1: {  	[dreg:$0x1] =	wrdreg $0xFFFFFFFF  }
0xc2: {  	_ =	task.clear_ibuf [dreg:s7], $0x2FFFF;
	_ =	strace $0x9FFFFFFF  }
0xc3: {  	(tm) =	ssettm $0x7FFFFFFF  }
tec
execute0_lowered:
.L_overlay_start_1:
0x0: {  	(tag) =	ssettag $0x1  }
0x1: {  	s1 =	rddreg [dreg:$0x0]  }
0x2: {  	s5 =	rddreg [dreg:$0x1]  }
0x3: {  	s2 =	rddreg [dreg:$0x2];
	s3 =	srdreg.scid  }
0x4: {  	s0 =	rddreg [dreg:$0x3];
	s4 =	simm.s32 $0x0;
	s13 =	simm.s32 $0x2800  }
0x5: {  	s14 =	simm.s32 $0x100;
	s15 =	simm.s32 $0x6800;
	s16 =	simm.s32 $0x1  }
0x6: {  	s17 =	simm.s32 $0x2;
	s18 =	simm.s32 $0x2680;
	s19 =	simm.s32 $0x2780  }
0x7: {  	s22 =	simm.s32 $0x0;
	s6 =	sand.u32 $0x1, s3;
	s3 =	stileid.u32  }
0x8: {  	[smem:$0x7FF] =	sst s4;
	s11 =	sadd.s32 $0x1600, s5;
	s7 =	smul.u32 $0x140000, s6  }
0x9: {  	s8 =	smul.u32 $0x14000, s3;
	_ =	strace $0x80000047;
	s9 =	sshll.u32 s6, $0x4  }
0xa: {  	s25 =	smul.u32 $0x50000, s3;
	s6 =	ssub.s32 $0x2, s6;
	s20 =	sshll.u32 s3, $0x6  }
0xb: {  	s24 =	sor.u32 s3, s9;
	s26 =	sshrl.u32 s6, $0x1;
	s20 =	sor.u32 $0x1C03, s20  }
0xc: {  	s7 =	sadd.s32 s8, s7;
	s10 =	smul.u32 $0x5000, s24;
	s28 =	sshrl.u32 s25, $0x2  }
0xd: {  	s8 =	smul.u32 $0xA00, s24;
	s30 =	ssub.s32 s6, s26;
	s7 =	sshrl.u32 s7, $0x3  }
0xe: {  	s9 =	smax.u32 s30, $0x1;
	s12 =	sadd.s32 s7, s5;
	s29 =	sshrl.u32 s10, $0x3  }
0xf: {  	s5 =	sadd.s32 s28, s2;
	s6 =	sadd.s32 s11, s8;
	s10 =	simm.s32 $0xA800  }
0x10: {  	s31 =	sadd.s32 s11, s29;
	s8 =	sadd.s32 $0x15600, s12;
	s11 =	simm.s32 $0x3  }
0x11: {  	v0 =	vimm.f32 $0.0e+00;
	s12 =	simm.s32 $0x80;
	s21 =	sshrl.u32 s5, $0x3;
	s7 =	sadd.s32 $0x500, s31  }
.LBB2_1:
0x12: {  	[tilespmem:$0xA800] =	vst v0  }
0x13: {  	[tilespmem:$0xA810] =	vst v0  }
0x14: {  	[tilespmem:$0xA820] =	vst v0  }
0x15: {  	[tilespmem:$0xA830] =	vst v0  }
0x16: {  	[tilespmem:$0xA840] =	vst v0  }
0x17: {  	[tilespmem:$0xA850] =	vst v0  }
0x18: {  	[tilespmem:$0xA860] =	vst v0  }
0x19: {  	[tilespmem:$0xA870] =	vst v0  }
0x1a: {  	[tilespmem:$0xA880] =	vst v0  }
0x1b: {  	[tilespmem:$0xA890] =	vst v0  }
0x1c: {  	[tilespmem:$0xA8A0] =	vst v0  }
0x1d: {  	[tilespmem:$0xA8B0] =	vst v0  }
0x1e: {  	[tilespmem:$0xA8C0] =	vst v0  }
0x1f: {  	[tilespmem:$0xA8D0] =	vst v0  }
0x20: {  	[tilespmem:$0xA8E0] =	vst v0  }
0x21: {  	[tilespmem:$0xA8F0] =	vst v0  }
0x22: {  	[tilespmem:$0xA900] =	vst v0  }
0x23: {  	[tilespmem:$0xA910] =	vst v0  }
0x24: {  	[tilespmem:$0xA920] =	vst v0  }
0x25: {  	[tilespmem:$0xA930] =	vst v0  }
0x26: {  	[tilespmem:$0xA940] =	vst v0  }
0x27: {  	[tilespmem:$0xA950] =	vst v0  }
0x28: {  	[tilespmem:$0xA960] =	vst v0  }
0x29: {  	[tilespmem:$0xA970] =	vst v0  }
0x2a: {  	[tilespmem:$0xA980] =	vst v0  }
0x2b: {  	[tilespmem:$0xA990] =	vst v0  }
0x2c: {  	[tilespmem:$0xA9A0] =	vst v0  }
0x2d: {  	[tilespmem:$0xA9B0] =	vst v0  }
0x2e: {  	[tilespmem:$0xA9C0] =	vst v0  }
0x2f: {  	[tilespmem:$0xA9D0] =	vst v0  }
0x30: {  	[tilespmem:$0xA9E0] =	vst v0  }
0x31: {  	[tilespmem:$0xA9F0] =	vst v0  }
0x32: {  	[tilespmem:$0xAA00] =	vst v0  }
0x33: {  	[tilespmem:$0xAA10] =	vst v0  }
0x34: {  	[tilespmem:$0xAA20] =	vst v0  }
0x35: {  	[tilespmem:$0xAA30] =	vst v0  }
0x36: {  	[tilespmem:$0xAA40] =	vst v0  }
0x37: {  	[tilespmem:$0xAA50] =	vst v0  }
0x38: {  	[tilespmem:$0xAA60] =	vst v0  }
0x39: {  	[tilespmem:$0xAA70] =	vst v0  }
0x3a: {  	[tilespmem:$0xAA80] =	vst v0  }
0x3b: {  	[tilespmem:$0xAA90] =	vst v0  }
0x3c: {  	[tilespmem:$0xAAA0] =	vst v0  }
0x3d: {  	[tilespmem:$0xAAB0] =	vst v0  }
0x3e: {  	[tilespmem:$0xAAC0] =	vst v0  }
0x3f: {  	[tilespmem:$0xAAD0] =	vst v0  }
0x40: {  	[tilespmem:$0xAAE0] =	vst v0  }
0x41: {  	[tilespmem:$0xAAF0] =	vst v0  }
0x42: {  	[tilespmem:$0xAB00] =	vst v0  }
0x43: {  	[tilespmem:$0xAB10] =	vst v0  }
0x44: {  	[tilespmem:$0xAB20] =	vst v0  }
0x45: {  	[tilespmem:$0xAB30] =	vst v0  }
0x46: {  	[tilespmem:$0xAB40] =	vst v0  }
0x47: {  	[tilespmem:$0xAB50] =	vst v0  }
0x48: {  	[tilespmem:$0xAB60] =	vst v0  }
0x49: {  	[tilespmem:$0xAB70] =	vst v0  }
0x4a: {  	[tilespmem:$0xAB80] =	vst v0  }
0x4b: {  	[tilespmem:$0xAB90] =	vst v0  }
0x4c: {  	[tilespmem:$0xABA0] =	vst v0  }
0x4d: {  	[tilespmem:$0xABB0] =	vst v0  }
0x4e: {  	[tilespmem:$0xABC0] =	vst v0  }
0x4f: {  	[tilespmem:$0xABD0] =	vst v0  }
0x50: {  	[tilespmem:$0xABE0] =	vst v0  }
0x51: {  	[tilespmem:$0xABF0] =	vst v0;
	s23 =	sadd.s32 $0x0, s5  }
0x52: {  	[spmem:s23] =	stream.linear.scatter [tilespmem:s10], [sflag:$0x3], $0x400, $0x38;
	[tilespmem:$0x1EC00] =	vst v63  }
0x53: {  	s23 =	simm.s32 $0x1000;
	_ =	swait.ge [sflag:s11], $0x400  }
.LBB2_2:
0x54: {  	s24 =	sshra.s32 s23, $0x2;
	[sflag:s11] =	ssyncset.done $0x0;
	p0 =	sne.s32 s23, $0x4F000  }
.Ltmp0:
0x55: {  	s24 =	sadd.s32 s24, s5;
	[sflag:s11] =	ssyncadd.s32 $0xFFFFFC00;
	(pc) =	sbr.rel @p0 .LBB2_2-.Ltmp0, $3  }
0x56: {  	[spmem:s24] =	stream.linear.scatter [tilespmem:s10], [sflag:$0x3], $0x400, $0x38;
	[tilespmem:$0x1EC00] =	vst v63  }
0x57: {  	s23 =	sadd.s32 $0x1000, s23;
	_ =	sdelay $0x1  }
0x58: {  	_ =	swait.ge [sflag:s11], $0x400  }
0x59: {  	[sflag:s11] =	ssyncset.done $0x0  }
0x5a: {  	[sflag:s11] =	ssyncadd.s32 $0xFFFFFC00  }
0x5b: {  	[bflag:$0x0] =	sbarrier.arrive $0xFFFF  }
0x5c: {  	[tilespmem:s4], [sflag:$0x3] =	stream.linear.gather [hbm4b:s6+s4], $0x2800, $0x38;
	[tilespmem:$0x1EC00] =	vst v63  }
0x5d: {  	_ =	swait.ge [sflag:s11], $0x2800  }
0x5e: {  	[sflag:s11] =	ssyncset.done $0x0  }
0x5f: {  	[sflag:s11] =	ssyncadd.s32 $0xFFFFD800  }
0x60: {  	[tilespmem:s13], [sflag:$0x1] =	stream.indirect.gather [hbm4b:s1+s12], $0x80, s4, s12, $0xb8;
	[tilespmem:$0x1EC00] =	vst v63  }
0x61: {  	_ = 	snop  }
0x62: {  	[tilespmem:s15], [sflag:$0x2] =	stream.indirect.gather [hbm4b:s1+s12], $0x80, s14, s12, $0xb8;
	[tilespmem:$0x1EC00] =	vst v63  }
0x63: {  	_ =	swait.ge [sflag:s16], $0x4000  }
0x64: {  	[sflag:s16] =	ssyncset.done $0x0  }
0x65: {  	s23 =	simm.s32 $0x80;
	[sflag:s16] =	ssyncadd.s32 $0xFFFFC000  }
0x66: {  	[spmem:s2] =	stream.indirect.scatter.add.f32 [tilespmem:s13], [sflag:$0x3], $0x80, s23, s12, $0xb8;
	[tilespmem:$0x1EC00] =	vst v63  }
0x67: {  	_ =	swait.ge [sflag:s11], $0x4000  }
0x68: {  	[sflag:s11] =	ssyncset.done $0x0  }
0x69: {  	s30 =	simm.s32 $0x200;
	[sflag:s11] =	ssyncadd.s32 $0xFFFFC000  }
0x6a: {  	[tilespmem:s13], [sflag:$0x1] =	stream.indirect.gather [hbm4b:s1+s12], $0x80, s30, s12, $0xb8;
	[tilespmem:$0x1EC00] =	vst v63  }
0x6b: {  	_ =	swait.ge [sflag:s17], $0x4000  }
0x6c: {  	[sflag:s17] =	ssyncset.done $0x0  }
0x6d: {  	s31 =	simm.s32 $0x180;
	[sflag:s17] =	ssyncadd.s32 $0xFFFFC000  }
0x6e: {  	[spmem:s2] =	stream.indirect.scatter.add.f32 [tilespmem:s15], [sflag:$0x3], $0x80, s31, s12, $0xb8;
	[tilespmem:$0x1EC00] =	vst v63  }
0x6f: {  	_ =	swait.ge [sflag:s11], $0x4000  }
0x70: {  	[sflag:s11] =	ssyncset.done $0x0  }
0x71: {  	s24 =	simm.s32 $0x300;
	s23 =	simm.s32 $0xFFFF7000;
	[sflag:s11] =	ssyncadd.s32 $0xFFFFC000  }
.LBB2_4:
0x72: {  	[tilespmem:s15], [sflag:$0x2] =	stream.indirect.gather [hbm4b:s1+s12], $0x80, s24, s12, $0xb8;
	[tilespmem:$0x1EC00] =	vst v63  }
0x73: {  	s24 =	smov.u32 s23  }
0x74: {  	p0 =	sne.s32 s23, $0xFFFFF800;
	s23 =	sadd.s32 $0x800, s23;
	_ =	swait.ge [sflag:s16], $0x4000  }
0x75: {  	s24 =	sshra.s32 s24, $0x2;
	[sflag:s16] =	ssyncset.done $0x0  }
0x76: {  	s25 =	sadd.s32 $0x2680, s24;
	[sflag:s16] =	ssyncadd.s32 $0xFFFFC000  }
0x77: {  	[spmem:s2] =	stream.indirect.scatter.add.f32 [tilespmem:s13], [sflag:$0x3], $0x80, s25, s12, $0xb8;
	[tilespmem:$0x1EC00] =	vst v63  }
0x78: {  	_ =	swait.ge [sflag:s11], $0x4000  }
0x79: {  	[sflag:s11] =	ssyncset.done $0x0  }
0x7a: {  	s25 =	sadd.s32 $0x2800, s24;
	[sflag:s11] =	ssyncadd.s32 $0xFFFFC000  }
0x7b: {  	[tilespmem:s13], [sflag:$0x1] =	stream.indirect.gather [hbm4b:s1+s12], $0x80, s25, s12, $0xb8;
	[tilespmem:$0x1EC00] =	vst v63  }
0x7c: {  	_ =	swait.ge [sflag:s17], $0x4000  }
0x7d: {  	[sflag:s17] =	ssyncset.done $0x0  }
.Ltmp1:
0x7e: {  	s25 =	sadd.s32 $0x2780, s24;
	[sflag:s17] =	ssyncadd.s32 $0xFFFFC000;
	(pc) =	sbr.rel @p0 .LBB2_4-.Ltmp1, $4  }
0x7f: {  	[spmem:s2] =	stream.indirect.scatter.add.f32 [tilespmem:s15], [sflag:$0x3], $0x80, s25, s12, $0xb8;
	[tilespmem:$0x1EC00] =	vst v63  }
0x80: {  	_ =	swait.ge [sflag:s11], $0x4000  }
0x81: {  	[sflag:s11] =	ssyncset.done $0x0  }
0x82: {  	s24 =	sadd.s32 $0x2900, s24;
	[sflag:s11] =	ssyncadd.s32 $0xFFFFC000  }
0x83: {  	[tilespmem:s15], [sflag:$0x2] =	stream.indirect.gather [hbm4b:s1+s12], $0x80, s24, s12, $0xb8;
	[tilespmem:$0x1EC00] =	vst v63  }
0x84: {  	_ =	swait.ge [sflag:s16], $0x4000  }
0x85: {  	[sflag:s16] =	ssyncset.done $0x0  }
0x86: {  	[sflag:s16] =	ssyncadd.s32 $0xFFFFC000  }
0x87: {  	[spmem:s2] =	stream.indirect.scatter.add.f32 [tilespmem:s13], [sflag:$0x3], $0x80, s18, s12, $0xb8;
	[tilespmem:$0x1EC00] =	vst v63  }
0x88: {  	_ =	swait.ge [sflag:s11], $0x4000  }
0x89: {  	[sflag:s11] =	ssyncset.done $0x0  }
0x8a: {  	[sflag:s11] =	ssyncadd.s32 $0xFFFFC000  }
0x8b: {  	_ =	swait.ge [sflag:s17], $0x4000  }
0x8c: {  	[sflag:s17] =	ssyncset.done $0x0  }
0x8d: {  	[sflag:s17] =	ssyncadd.s32 $0xFFFFC000  }
0x8e: {  	[spmem:s2] =	stream.indirect.scatter.add.f32 [tilespmem:s15], [sflag:$0x3], $0x80, s19, s12, $0xb8;
	[tilespmem:$0x1EC00] =	vst v63  }
0x8f: {  	_ =	swait.ge [sflag:s11], $0x4000  }
0x90: {  	[sflag:s11] =	ssyncset.done $0x0  }
0x91: {  	[sflag:s11] =	ssyncadd.s32 $0xFFFFC000  }
0x92: {  	[tilespmem:s4], [sflag:$0x3] =	stream.linear.gather [hbm4b:s7+s4], $0x2800, $0x38;
	[tilespmem:$0x1EC00] =	vst v63  }
0x93: {  	_ =	swait.ge [sflag:s11], $0x2800  }
0x94: {  	[sflag:s11] =	ssyncset.done $0x0  }
0x95: {  	[sflag:s11] =	ssyncadd.s32 $0xFFFFD800  }
0x96: {  	[tilespmem:s13], [sflag:$0x1] =	stream.indirect.gather [hbm4b:s1+s12], $0x80, s4, s12, $0xb8;
	[tilespmem:$0x1EC00] =	vst v63  }
0x97: {  	_ = 	snop  }
0x98: {  	[tilespmem:s15], [sflag:$0x2] =	stream.indirect.gather [hbm4b:s1+s12], $0x80, s14, s12, $0xb8;
	[tilespmem:$0x1EC00] =	vst v63  }
0x99: {  	_ =	swait.ge [sflag:s16], $0x4000  }
0x9a: {  	[sflag:s16] =	ssyncset.done $0x0  }
0x9b: {  	s23 =	simm.s32 $0x80;
	[sflag:s16] =	ssyncadd.s32 $0xFFFFC000  }
0x9c: {  	[spmem:s2] =	stream.indirect.scatter.add.f32 [tilespmem:s13], [sflag:$0x3], $0x80, s23, s12, $0xb8;
	[tilespmem:$0x1EC00] =	vst v63  }
0x9d: {  	_ =	swait.ge [sflag:s11], $0x4000  }
0x9e: {  	[sflag:s11] =	ssyncset.done $0x0  }
0x9f: {  	s30 =	simm.s32 $0x200;
	[sflag:s11] =	ssyncadd.s32 $0xFFFFC000  }
0xa0: {  	[tilespmem:s13], [sflag:$0x1] =	stream.indirect.gather [hbm4b:s1+s12], $0x80, s30, s12, $0xb8;
	[tilespmem:$0x1EC00] =	vst v63  }
0xa1: {  	_ =	swait.ge [sflag:s17], $0x4000  }
0xa2: {  	[sflag:s17] =	ssyncset.done $0x0  }
0xa3: {  	s31 =	simm.s32 $0x180;
	[sflag:s17] =	ssyncadd.s32 $0xFFFFC000  }
0xa4: {  	[spmem:s2] =	stream.indirect.scatter.add.f32 [tilespmem:s15], [sflag:$0x3], $0x80, s31, s12, $0xb8;
	[tilespmem:$0x1EC00] =	vst v63  }
0xa5: {  	_ =	swait.ge [sflag:s11], $0x4000  }
0xa6: {  	[sflag:s11] =	ssyncset.done $0x0  }
0xa7: {  	s24 =	simm.s32 $0x300;
	s23 =	simm.s32 $0xFFFF7000;
	[sflag:s11] =	ssyncadd.s32 $0xFFFFC000  }
.LBB2_6:
0xa8: {  	[tilespmem:s15], [sflag:$0x2] =	stream.indirect.gather [hbm4b:s1+s12], $0x80, s24, s12, $0xb8;
	[tilespmem:$0x1EC00] =	vst v63  }
0xa9: {  	s24 =	smov.u32 s23  }
0xaa: {  	p0 =	sne.s32 s23, $0xFFFFF800;
	s23 =	sadd.s32 $0x800, s23;
	_ =	swait.ge [sflag:s16], $0x4000  }
0xab: {  	s24 =	sshra.s32 s24, $0x2;
	[sflag:s16] =	ssyncset.done $0x0  }
0xac: {  	s25 =	sadd.s32 $0x2680, s24;
	[sflag:s16] =	ssyncadd.s32 $0xFFFFC000  }
0xad: {  	[spmem:s2] =	stream.indirect.scatter.add.f32 [tilespmem:s13], [sflag:$0x3], $0x80, s25, s12, $0xb8;
	[tilespmem:$0x1EC00] =	vst v63  }
0xae: {  	_ =	swait.ge [sflag:s11], $0x4000  }
0xaf: {  	[sflag:s11] =	ssyncset.done $0x0  }
0xb0: {  	s25 =	sadd.s32 $0x2800, s24;
	[sflag:s11] =	ssyncadd.s32 $0xFFFFC000  }
0xb1: {  	[tilespmem:s13], [sflag:$0x1] =	stream.indirect.gather [hbm4b:s1+s12], $0x80, s25, s12, $0xb8;
	[tilespmem:$0x1EC00] =	vst v63  }
0xb2: {  	_ =	swait.ge [sflag:s17], $0x4000  }
0xb3: {  	[sflag:s17] =	ssyncset.done $0x0  }
.Ltmp2:
0xb4: {  	s25 =	sadd.s32 $0x2780, s24;
	[sflag:s17] =	ssyncadd.s32 $0xFFFFC000;
	(pc) =	sbr.rel @p0 .LBB2_6-.Ltmp2, $4  }
0xb5: {  	[spmem:s2] =	stream.indirect.scatter.add.f32 [tilespmem:s15], [sflag:$0x3], $0x80, s25, s12, $0xb8;
	[tilespmem:$0x1EC00] =	vst v63  }
0xb6: {  	_ =	swait.ge [sflag:s11], $0x4000  }
0xb7: {  	[sflag:s11] =	ssyncset.done $0x0  }
0xb8: {  	s24 =	sadd.s32 $0x2900, s24;
	[sflag:s11] =	ssyncadd.s32 $0xFFFFC000  }
0xb9: {  	[tilespmem:s15], [sflag:$0x2] =	stream.indirect.gather [hbm4b:s1+s12], $0x80, s24, s12, $0xb8;
	[tilespmem:$0x1EC00] =	vst v63  }
0xba: {  	_ =	swait.ge [sflag:s16], $0x4000  }
0xbb: {  	[sflag:s16] =	ssyncset.done $0x0  }
0xbc: {  	[sflag:s16] =	ssyncadd.s32 $0xFFFFC000  }
0xbd: {  	[spmem:s2] =	stream.indirect.scatter.add.f32 [tilespmem:s13], [sflag:$0x3], $0x80, s18, s12, $0xb8;
	[tilespmem:$0x1EC00] =	vst v63  }
0xbe: {  	_ =	swait.ge [sflag:s11], $0x4000  }
0xbf: {  	[sflag:s11] =	ssyncset.done $0x0  }
0xc0: {  	[sflag:s11] =	ssyncadd.s32 $0xFFFFC000  }
0xc1: {  	_ =	swait.ge [sflag:s17], $0x4000  }
0xc2: {  	[sflag:s17] =	ssyncset.done $0x0  }
0xc3: {  	[sflag:s17] =	ssyncadd.s32 $0xFFFFC000  }
0xc4: {  	[spmem:s2] =	stream.indirect.scatter.add.f32 [tilespmem:s15], [sflag:$0x3], $0x80, s19, s12, $0xb8;
	[tilespmem:$0x1EC00] =	vst v63  }
0xc5: {  	_ =	swait.ge [sflag:s11], $0x4000  }
0xc6: {  	s22 =	sadd.s32 $0x1, s22;
	[sflag:s11] =	ssyncset.done $0x0  }
0xc7: {  	p0 =	sne.s32 s22, s9;
	[sflag:s11] =	ssyncadd.s32 $0xFFFFC000  }
.Ltmp3:
0xc8: {  	[bflag:$0x0] =	sbarrier.arrive $0xFFFF;
	(pc) =	sbr.rel @p0 .LBB2_1-.Ltmp3, $4  }
0xc9: {  	[hbm:s8], [sflag:s20] =	dma.local [spmem:s21], $0x2800  }
0xca: {  	_ =	swait.ge [sflag:s11], $0x2800  }
0xcb: {  	[sflag:s11] =	ssyncset.done $0x0  }
0xcc: {  	[sflag:s11] =	ssyncadd.s32 $0xFFFFD800  }
0xcd: {  	_ =	sfence.sel $0x180000  }
0xce: {  	[bflag:$0x0] =	sbarrier.arrive $0xFFFF  }
0xcf: {  	p0 =	sne.s32 s3, $0x0;
	_ =	strace $0x90000047  }
0xd0: {  	s0 =	sadd.s32 @!p0 $0x100000, s0;
	[bflag:$0x2] =	sbarrier.arrive $0xFFFF  }
0xd1: {  	[sflag:s0] =	ssyncadd.tile.s32 @!p0 $0x1;
	_ =	shalt  }
.Lfunc_end2:
_tile_overlayer_lowered:
.L_overlay_start_2:
0xd2: {  	(tag) =	ssettag $0x2  }
0xd3: {  	s0 =	rddreg [dreg:$0x0];
	s2 =	stileid.u32  }
0xd4: {  	s1 =	rddreg [dreg:$0x1];
	p0 =	sne.s32 s2, $0x0  }
0xd5: {  	s3 =	rddreg [dreg:$0x2];
	[bflag:$0x3] =	sbarrier.arrive $0xFFFF;
	s2 =	simm.s32 @!p0 $0x1C03  }
0xd6: {  	[timem:s3], [sflag:s2] =	dma.local @!p0 [hbm:s0], s1  }
0xd7: {  	s0 =	simm.s32 @!p0 $0x3  }
0xd8: {  	_ =	swait.ge @!p0 [sflag:s0], s1  }
0xd9: {  	s1 =	ssub.s32 @!p0 $0x0, s1;
	[sflag:s0] =	ssyncset.done @!p0 $0x0  }
0xda: {  	[sflag:s0] =	ssyncadd.s32 @!p0 s1  }
0xdb: {  	[bflag:$0x3] =	sbarrier.arrive $0xFFFF  }
0xdc: {  	_ =	shalt  }

// kernel: kernel.9.cloned.1.call-start
scs
__scs_entry_jumppad:
0x0: {  	(pc) =	sbr.rel $0x88, $3  }
0x1: {  	(tag) =	ssettag $0x0;
	lr =	simm.s32 $0x1  }
0x2: {  	[smem:$0x3F9C] =	sst lr;
	_ =	strace $0xD0000000  }
0x3: {  	_ = 	snop  }
0x4: {  	_ = 	snop  }
0x5: {  	_ = 	snop  }
0x6: {  	_ = 	snop  }
0x7: {  	_ = 	snop  }
__scs_overlays_trampoline_lowered:
0x8: {  	[smem:$0x3FAB] =	sst s0  }
0x9: {  	[smem:$0x3FAC] =	sst s1  }
0xa: {  	[smem:$0x3FAD] =	sst s2  }
0xb: {  	[smem:$0x3FAE] =	sst s3  }
0xc: {  	[smem:$0x3FAF] =	sst s4  }
0xd: {  	[smem:$0x3FB0] =	sst s5  }
0xe: {  	[smem:$0x3FB1] =	sst s6  }
0xf: {  	[smem:$0x3FB2] =	sst s7  }
0x10: {  	[smem:$0x3FB3] =	sst s8  }
0x11: {  	[smem:$0x3FB4] =	sst s9;
	s0 =	simm.s32 @!p0 $0x0  }
0x12: {  	s1 =	sld [smem:$0x3F9A];
	s0 =	simm.s32 @p0 $0x1  }
0x13: {  	[smem:$0x3FB5] =	sst s0;
	s0 =	simm.s32 @!p1 $0x0  }
0x14: {  	s2 =	sld [smem:$0x3F99];
	s0 =	simm.s32 @p1 $0x1  }
0x15: {  	[smem:$0x3FB6] =	sst s0;
	s0 =	simm.s32 @!p2 $0x0  }
0x16: {  	s3 =	sld [smem:$0x3FDB];
	s0 =	simm.s32 @p2 $0x1  }
0x17: {  	s4 =	simm.s32 $0x1BF5;
	[smem:$0x3FB8] =	sst s0  }
0x18: {  	s0 =	sld [smem:$0x3F9B];
	_ =	swait.ge [sflag:s4], $0x0  }
0x19: {  	s7 =	sld [smem:$0x3F9C]  }
0x1a: {  	s8 =	sadd.s32 $0xFFFFE003, lr  }
0x1b: {  	s9 =	sadd.s32 $0xFFFFFEF7, lr;
	s5 =	simm.s32 $0xFFFFFFFF;
	p2 =	slt.u32 s8, $0xFFFFF086  }
0x1c: {  	p1 =	slt.u32 s9, $0xF7A;
	s5 =	simm.s32 @!p2 $0x0  }
0x1d: {  	s5 =	simm.s32 @p1 $0x1;
	p0 =	seq.s32 s7, s2  }
0x1e: {  	s7 =	smul.u32 @!p0 $0xF7A, s2;
	p2 =	seq.s32 @!p0 s5, $0x0  }
0x1f: {  	s9 =	smul.u32 $0xF7A, s1;
	s8 =	simm.s32 @!p0 $0x1BF5;
	p2 =	por !p2, p0  }
0x20: {  	[sflag:s8] =	ssyncset.s32 @!p0 $0xFFFFF086;
	s6 =	sadd.s32 @!p0 s3, s7;
	s7 =	simm.s32 @!p0 $0x108  }
0x21: {  	s3 =	sadd.s32 s3, s9;
	s6 =	sadd.s32 @!p0 $0x88, s6;
	s7 =	simm.s32 @p2 $0x1082  }
0x22: {  	[simem:s7], [sflag:s8] =	dma.local @!p0 [hbm:s6], $0xF7A  }
0x23: {  	s9 =	sor.u32 $0xD0000000, s2;
	s6 =	simm.s32 $0x108;
	_ =	swait.ge @!p0 [sflag:s8], $0x0  }
0x24: {  	s3 =	sadd.s32 $0x88, s3;
	s6 =	simm.s32 @!p1 $0x1082;
	[sflag:s4] =	ssyncset.s32 $0xFFFFF086  }
0x25: {  	[simem:s6], [sflag:s4] =	dma.local [hbm:s3], $0xF7A  }
0x26: {  	[smem:$0x3F9C] =	sst s1;
	(tag) =	ssettag s2;
	_ =	strace s9  }
0x27: {  	s1 =	sld [smem:$0x3FAC]  }
0x28: {  	s2 =	sld [smem:$0x3FAD]  }
0x29: {  	s4 =	sld [smem:$0x3FAF]  }
0x2a: {  	p0 =	seq.s32 s5, $0x0;
	s5 =	sld [smem:$0x3FB0]  }
0x2b: {  	s6 =	sld [smem:$0x3FB1]  }
0x2c: {  	s7 =	sld [smem:$0x3FB2]  }
0x2d: {  	s3 =	simm.s32 $0x108;
	s8 =	sld [smem:$0x3FB3]  }
0x2e: {  	s3 =	simm.s32 @!p0 $0x1082;
	s9 =	sld [smem:$0x3FB4]  }
0x2f: {  	lr =	sadd.s32 s0, s3;
	s0 =	sld [smem:$0x3FAB]  }
0x30: {  	s3 =	sld [smem:$0x3FAE]  }
0x31: {  	[smem:$0x3FB7] =	sst s10  }
0x32: {  	s10 =	sld [smem:$0x3FB5];
	_ =	sdelay $0x3  }
0x33: {  	p0 =	seq.s32 s10, $0x1;
	s10 =	sld [smem:$0x3FB7];
	_ =	sdelay $0x3  }
0x34: {  	[smem:$0x3FB7] =	sst s10  }
0x35: {  	s10 =	sld [smem:$0x3FB6];
	_ =	sdelay $0x3  }
0x36: {  	p1 =	seq.s32 s10, $0x1;
	s10 =	sld [smem:$0x3FB7];
	_ =	sdelay $0x3  }
0x37: {  	[smem:$0x3FB7] =	sst s10  }
0x38: {  	s10 =	sld [smem:$0x3FB8]  }
0x39: {  	_ = 	snop;
	(pc) =	sbr.ind lr, $3  }
0x3a: {  	_ = 	snop  }
0x3b: {  	_ = 	snop  }
0x3c: {  	p2 =	seq.s32 s10, $0x1;
	s10 =	sld [smem:$0x3FB7]  }
0x3d: {  	_ =	shalt  }
0x3e: {  	_ =	shalt  }
0x3f: {  	_ =	shalt  }
0x40: {  	_ =	shalt  }
0x41: {  	_ =	shalt  }
0x42: {  	_ =	shalt  }
0x43: {  	_ =	shalt  }
0x44: {  	_ =	shalt  }
0x45: {  	_ =	shalt  }
0x46: {  	_ =	shalt  }
0x47: {  	_ =	shalt  }
0x48: {  	_ =	shalt  }
0x49: {  	_ =	shalt  }
0x4a: {  	_ =	shalt  }
0x4b: {  	_ =	shalt  }
0x4c: {  	_ =	shalt  }
0x4d: {  	_ =	shalt  }
0x4e: {  	_ =	shalt  }
0x4f: {  	_ =	shalt  }
0x50: {  	_ =	shalt  }
0x51: {  	_ =	shalt  }
0x52: {  	_ =	shalt  }
0x53: {  	_ =	shalt  }
0x54: {  	_ =	shalt  }
0x55: {  	_ =	shalt  }
0x56: {  	_ =	shalt  }
0x57: {  	_ =	shalt  }
0x58: {  	_ =	shalt  }
0x59: {  	_ =	shalt  }
0x5a: {  	_ =	shalt  }
0x5b: {  	_ =	shalt  }
0x5c: {  	_ =	shalt  }
0x5d: {  	_ =	shalt  }
0x5e: {  	_ =	shalt  }
0x5f: {  	_ =	shalt  }
0x60: {  	_ =	shalt  }
0x61: {  	_ =	shalt  }
0x62: {  	_ =	shalt  }
0x63: {  	_ =	shalt  }
0x64: {  	_ =	shalt  }
0x65: {  	_ =	shalt  }
0x66: {  	_ =	shalt  }
0x67: {  	_ =	shalt  }
0x68: {  	_ =	shalt  }
0x69: {  	_ =	shalt  }
0x6a: {  	_ =	shalt  }
0x6b: {  	_ =	shalt  }
0x6c: {  	_ =	shalt  }
0x6d: {  	_ =	shalt  }
0x6e: {  	_ =	shalt  }
0x6f: {  	_ =	shalt  }
0x70: {  	_ =	shalt  }
0x71: {  	_ =	shalt  }
0x72: {  	_ =	shalt  }
0x73: {  	_ =	shalt  }
0x74: {  	_ =	shalt  }
0x75: {  	_ =	shalt  }
0x76: {  	_ =	shalt  }
0x77: {  	_ =	shalt  }
0x78: {  	_ =	shalt  }
0x79: {  	_ =	shalt  }
0x7a: {  	_ =	shalt  }
0x7b: {  	_ =	shalt  }
0x7c: {  	_ =	shalt  }
0x7d: {  	_ =	shalt  }
0x7e: {  	_ =	shalt  }
0x7f: {  	_ =	shalt  }
0x80: {  	_ =	shalt  }
0x81: {  	_ =	shalt  }
0x82: {  	_ =	shalt  }
0x83: {  	_ =	shalt  }
0x84: {  	_ =	shalt  }
0x85: {  	_ =	shalt  }
0x86: {  	_ =	shalt  }
0x87: {  	_ =	shalt  }
.Lfunc_end0:
.L_simem_size_0:
called_computation.1_lowered:
.L_overlay_start_0:
0x88: {  	s2 =	sld [smem:$0x3FD9]  }
0x89: {  	s3 =	sld [smem:$0x3FFE];
	_ =	sdelay $0x1  }
0x8a: {  	s1 =	srdreg.scid  }
0x8b: {  	s0 =	sand.u32 $0x1, s1  }
0x8c: {  	s16 =	sshll.u32 s0, $0xA;
	s2 =	sadd.s32 s3, s2  }
0x8d: {  	s2 =	sadd.s32 s2, s16  }
0x8e: {  	[smem:$0x3FC3] =	sst s2  }
0x8f: {  	_ = 	snop  }
0x90: {  	(tm) =	ssettm $0x1  }
0x91: {  	s17 =	sld [smem:$0x3FFB];
	_ =	sdelay $0x3  }
0x92: {  	_ =	strace s17  }
0x93: {  	s2 =	sld [smem:$0x3FFC];
	_ =	sdelay $0x3  }
0x94: {  	_ =	strace s2  }
0x95: {  	s2 =	sld [smem:$0x3FFD];
	_ =	sdelay $0x3  }
0x96: {  	_ =	strace s2  }
0x97: {  	_ =	strace $0x8FFFFFFF  }
0x98: {  	s18 =	sld [smem:$0x3FDB];
	_ =	sdelay $0x1  }
0x99: {  	s19 =	simm.s32 $_scs_section_size  }
0x9a: {  	s4 =	simm.s32 $_size__tile_overlayer_lowered;
	s5 =	simm.s32 $_tile_overlayer_lowered  }
0x9b: {  	s22 =	simm.s32 $0x1BFF;
	s21 =	sshll.u32 s5, $0x1;
	s2 =	sadd.s32 s19, s18  }
0x9c: {  	s6 =	simm.s32 $0x0;
	s20 =	sshll.u32 s4, $0x1;
	s4 =	sadd.s32 s21, s2  }
0x9d: {  	[timem:s6], [sflag:s22] =	dma.local [hbm:s4], s20  }
0x9e: {  	_ =	swait.ge [sflag:s22], s20  }
0x9f: {  	s3 =	ssub.s32 $0x0, s20;
	[sflag:s22] =	ssyncset.done $0x0  }
0xa0: {  	[sflag:s22] =	ssyncadd.s32 s3;
	_ =	sdelay $0x1  }
0xa1: {  	s23 =	simm.s32 $0x1B8B  }
0xa2: {  	_ =	swait.ge [sflag:s23], $0x1  }
0xa3: {  	[sflag:s23] =	ssyncset.done $0x0  }
0xa4: {  	s25 =	simm.s32 $0x1B8E;
	s24 =	sld [smem:$0x3FFE];
	[sflag:s23] =	ssyncadd.s32 $0xFFFFFFFF  }
0xa5: {  	s26 =	simm.s32 $execute0_lowered;
	[smem:$0x3FD2] =	sst s25  }
0xa6: {  	s4 =	sshll.u32 s26, $0x1;
	_ =	strace $0x80000049;
	[dreg:$0x1] =	wrdreg $0xFFFFFFFF  }
0xa7: {  	s28 =	simm.s32 $_size_execute0_lowered;
	s2 =	sadd.s32 s2, s4;
	[dreg:$0x0] =	wrdreg $0x0  }
0xa8: {  	s4 =	sshll.u32 s28, $0x1;
	[dreg:$0x2] =	wrdreg s2  }
0xa9: {  	[dreg:$0x3] =	wrdreg s4  }
0xaa: {  	[dreg:$0x4] =	wrdreg $0xC0  }
0xab: {  	_ =	task [dreg:s6], $0x5FFFF  }
0xac: {  	[dreg:$0x1] =	wrdreg $0xFFFFFFFF  }
0xad: {  	[dreg:$0x0] =	wrdreg $0x60  }
0xae: {  	[dreg:$0x2] =	wrdreg s24  }
0xaf: {  	[dreg:$0x3] =	wrdreg $0xAC000  }
0xb0: {  	[dreg:$0x4] =	wrdreg $0x9  }
0xb1: {  	_ =	task.clear_ibuf [dreg:s6], $0x5FFFF;
	_ =	strace $0x90000049  }
0xb2: {  	s29 =	simm.s32 $0x9;
	_ =	strace $0x8000004B  }
0xb3: {  	_ =	swait.ge [sflag:s29], $0x1  }
0xb4: {  	[sflag:s29] =	ssyncadd.s32 $0xFFFFFFFF  }
0xb5: {  	_ =	strace $0x9000004B  }
0xb6: {  	_ =	sfence  }
0xb7: {  	s30 =	sld [smem:$0x0];
	_ =	sdelay $0x2  }
0xb8: {  	s31 =	sshll.u32 s1, $0xD;
	s1 =	sshrl.u32 s1, $0x2  }
0xb9: {  	s3 =	sand.u32 $0x4000, s31;
	s1 =	sadd.s32 s1, s30  }
0xba: {  	s0 =	sor.u32 s3, s0;
	s1 =	sshll.u32 s1, $0x11  }
0xbb: {  	s0 =	sor.u32 s1, s0  }
0xbc: {  	s0 =	sadd.s32 $0x8F2B, s0  }
0xbd: {  	[sflag:s0] =	ssyncadd.remote.s32 $0x1  }
0xbe: {  	_ =	sfence.sel $0xFFFF  }
0xbf: {  	[dreg:$0x0] =	wrdreg $0xFFFFFFFF;
	(pc) =	sbr.abs _section_cstart, $3  }
0xc0: {  	[dreg:$0x1] =	wrdreg $0xFFFFFFFF  }
0xc1: {  	_ =	task.clear_ibuf [dreg:s6], $0x2FFFF;
	_ =	strace $0x9FFFFFFF  }
0xc2: {  	(tm) =	ssettm $0x7FFFFFFF  }
0xc3: {  	_ =	shalt  }
tec
execute0_lowered:
.L_overlay_start_1:
0x0: {  	(tag) =	ssettag $0x1  }
0x1: {  	s5 =	rddreg [dreg:$0x0]  }
0x2: {  	s1 =	rddreg [dreg:$0x1]  }
0x3: {  	s2 =	srdreg.scid;
	s0 =	rddreg [dreg:$0x2]  }
0x4: {  	s3 =	simm.s32 $0x0;
	s13 =	simm.s32 $0x2800;
	s14 =	simm.s32 $0x100  }
0x5: {  	s15 =	simm.s32 $0x6800;
	s16 =	simm.s32 $0x1;
	s17 =	simm.s32 $0x2  }
0x6: {  	s18 =	simm.s32 $0x2680;
	s19 =	simm.s32 $0x2780;
	s22 =	simm.s32 $0x0  }
0x7: {  	s6 =	sand.u32 $0x1, s2;
	s2 =	stileid.u32;
	[smem:$0x7FF] =	sst s3  }
0x8: {  	s4 =	sadd.s32 $0x15600, s5;
	s11 =	sadd.s32 $0x1600, s5;
	s7 =	smul.u32 $0x140000, s6  }
0x9: {  	s8 =	smul.u32 $0x14000, s2;
	_ =	strace $0x8000004A;
	s9 =	sshll.u32 s6, $0x4  }
0xa: {  	s25 =	smul.u32 $0x50000, s2;
	s6 =	ssub.s32 $0x2, s6;
	s20 =	sshll.u32 s2, $0x6  }
0xb: {  	s24 =	sor.u32 s2, s9;
	s26 =	sshrl.u32 s6, $0x1;
	s20 =	sor.u32 $0x1C03, s20  }
0xc: {  	s7 =	sadd.s32 s8, s7;
	s10 =	smul.u32 $0x5000, s24;
	s28 =	sshrl.u32 s25, $0x2  }
0xd: {  	s8 =	smul.u32 $0xA00, s24;
	s30 =	ssub.s32 s6, s26;
	s7 =	sshrl.u32 s7, $0x3  }
0xe: {  	s9 =	smax.u32 s30, $0x1;
	s12 =	sadd.s32 s7, s5;
	s29 =	sshrl.u32 s10, $0x3  }
0xf: {  	s5 =	sadd.s32 s28, s1;
	s6 =	sadd.s32 s11, s8;
	s10 =	simm.s32 $0xA800  }
0x10: {  	s31 =	sadd.s32 s11, s29;
	s8 =	sadd.s32 $0x3C800, s12;
	s11 =	simm.s32 $0x3  }
0x11: {  	v0 =	vimm.f32 $0.0e+00;
	s12 =	simm.s32 $0x80;
	s21 =	sshrl.u32 s5, $0x3;
	s7 =	sadd.s32 $0x500, s31  }
.LBB2_1:
0x12: {  	[tilespmem:$0xA800] =	vst v0  }
0x13: {  	[tilespmem:$0xA810] =	vst v0  }
0x14: {  	[tilespmem:$0xA820] =	vst v0  }
0x15: {  	[tilespmem:$0xA830] =	vst v0  }
0x16: {  	[tilespmem:$0xA840] =	vst v0  }
0x17: {  	[tilespmem:$0xA850] =	vst v0  }
0x18: {  	[tilespmem:$0xA860] =	vst v0  }
0x19: {  	[tilespmem:$0xA870] =	vst v0  }
0x1a: {  	[tilespmem:$0xA880] =	vst v0  }
0x1b: {  	[tilespmem:$0xA890] =	vst v0  }
0x1c: {  	[tilespmem:$0xA8A0] =	vst v0  }
0x1d: {  	[tilespmem:$0xA8B0] =	vst v0  }
0x1e: {  	[tilespmem:$0xA8C0] =	vst v0  }
0x1f: {  	[tilespmem:$0xA8D0] =	vst v0  }
0x20: {  	[tilespmem:$0xA8E0] =	vst v0  }
0x21: {  	[tilespmem:$0xA8F0] =	vst v0  }
0x22: {  	[tilespmem:$0xA900] =	vst v0  }
0x23: {  	[tilespmem:$0xA910] =	vst v0  }
0x24: {  	[tilespmem:$0xA920] =	vst v0  }
0x25: {  	[tilespmem:$0xA930] =	vst v0  }
0x26: {  	[tilespmem:$0xA940] =	vst v0  }
0x27: {  	[tilespmem:$0xA950] =	vst v0  }
0x28: {  	[tilespmem:$0xA960] =	vst v0  }
0x29: {  	[tilespmem:$0xA970] =	vst v0  }
0x2a: {  	[tilespmem:$0xA980] =	vst v0  }
0x2b: {  	[tilespmem:$0xA990] =	vst v0  }
0x2c: {  	[tilespmem:$0xA9A0] =	vst v0  }
0x2d: {  	[tilespmem:$0xA9B0] =	vst v0  }
0x2e: {  	[tilespmem:$0xA9C0] =	vst v0  }
0x2f: {  	[tilespmem:$0xA9D0] =	vst v0  }
0x30: {  	[tilespmem:$0xA9E0] =	vst v0  }
0x31: {  	[tilespmem:$0xA9F0] =	vst v0  }
0x32: {  	[tilespmem:$0xAA00] =	vst v0  }
0x33: {  	[tilespmem:$0xAA10] =	vst v0  }
0x34: {  	[tilespmem:$0xAA20] =	vst v0  }
0x35: {  	[tilespmem:$0xAA30] =	vst v0  }
0x36: {  	[tilespmem:$0xAA40] =	vst v0  }
0x37: {  	[tilespmem:$0xAA50] =	vst v0  }
0x38: {  	[tilespmem:$0xAA60] =	vst v0  }
0x39: {  	[tilespmem:$0xAA70] =	vst v0  }
0x3a: {  	[tilespmem:$0xAA80] =	vst v0  }
0x3b: {  	[tilespmem:$0xAA90] =	vst v0  }
0x3c: {  	[tilespmem:$0xAAA0] =	vst v0  }
0x3d: {  	[tilespmem:$0xAAB0] =	vst v0  }
0x3e: {  	[tilespmem:$0xAAC0] =	vst v0  }
0x3f: {  	[tilespmem:$0xAAD0] =	vst v0  }
0x40: {  	[tilespmem:$0xAAE0] =	vst v0  }
0x41: {  	[tilespmem:$0xAAF0] =	vst v0  }
0x42: {  	[tilespmem:$0xAB00] =	vst v0  }
0x43: {  	[tilespmem:$0xAB10] =	vst v0  }
0x44: {  	[tilespmem:$0xAB20] =	vst v0  }
0x45: {  	[tilespmem:$0xAB30] =	vst v0  }
0x46: {  	[tilespmem:$0xAB40] =	vst v0  }
0x47: {  	[tilespmem:$0xAB50] =	vst v0  }
0x48: {  	[tilespmem:$0xAB60] =	vst v0  }
0x49: {  	[tilespmem:$0xAB70] =	vst v0  }
0x4a: {  	[tilespmem:$0xAB80] =	vst v0  }
0x4b: {  	[tilespmem:$0xAB90] =	vst v0  }
0x4c: {  	[tilespmem:$0xABA0] =	vst v0  }
0x4d: {  	[tilespmem:$0xABB0] =	vst v0  }
0x4e: {  	[tilespmem:$0xABC0] =	vst v0  }
0x4f: {  	[tilespmem:$0xABD0] =	vst v0  }
0x50: {  	[tilespmem:$0xABE0] =	vst v0  }
0x51: {  	[tilespmem:$0xABF0] =	vst v0;
	s23 =	sadd.s32 $0x0, s5  }
0x52: {  	[spmem:s23] =	stream.linear.scatter [tilespmem:s10], [sflag:$0x3], $0x400, $0x38;
	[tilespmem:$0x1EC00] =	vst v63  }
0x53: {  	s23 =	simm.s32 $0x1000;
	_ =	swait.ge [sflag:s11], $0x400  }
.LBB2_2:
0x54: {  	s24 =	sshra.s32 s23, $0x2;
	[sflag:s11] =	ssyncset.done $0x0;
	p0 =	sne.s32 s23, $0x4F000  }
.Ltmp0:
0x55: {  	s24 =	sadd.s32 s24, s5;
	[sflag:s11] =	ssyncadd.s32 $0xFFFFFC00;
	(pc) =	sbr.rel @p0 .LBB2_2-.Ltmp0, $3  }
0x56: {  	[spmem:s24] =	stream.linear.scatter [tilespmem:s10], [sflag:$0x3], $0x400, $0x38;
	[tilespmem:$0x1EC00] =	vst v63  }
0x57: {  	s23 =	sadd.s32 $0x1000, s23;
	_ =	sdelay $0x1  }
0x58: {  	_ =	swait.ge [sflag:s11], $0x400  }
0x59: {  	[sflag:s11] =	ssyncset.done $0x0  }
0x5a: {  	[sflag:s11] =	ssyncadd.s32 $0xFFFFFC00  }
0x5b: {  	[bflag:$0x0] =	sbarrier.arrive $0xFFFF  }
0x5c: {  	[tilespmem:s3], [sflag:$0x3] =	stream.linear.gather [hbm4b:s6+s3], $0x2800, $0x38;
	[tilespmem:$0x1EC00] =	vst v63  }
0x5d: {  	_ =	swait.ge [sflag:s11], $0x2800  }
0x5e: {  	[sflag:s11] =	ssyncset.done $0x0  }
0x5f: {  	[sflag:s11] =	ssyncadd.s32 $0xFFFFD800  }
0x60: {  	[tilespmem:s13], [sflag:$0x1] =	stream.indirect.gather [hbm4b:s4+s12], $0x80, s3, s12, $0xb8;
	[tilespmem:$0x1EC00] =	vst v63  }
0x61: {  	_ = 	snop  }
0x62: {  	[tilespmem:s15], [sflag:$0x2] =	stream.indirect.gather [hbm4b:s4+s12], $0x80, s14, s12, $0xb8;
	[tilespmem:$0x1EC00] =	vst v63  }
0x63: {  	_ =	swait.ge [sflag:s16], $0x4000  }
0x64: {  	[sflag:s16] =	ssyncset.done $0x0  }
0x65: {  	s23 =	simm.s32 $0x80;
	[sflag:s16] =	ssyncadd.s32 $0xFFFFC000  }
0x66: {  	[spmem:s1] =	stream.indirect.scatter.add.f32 [tilespmem:s13], [sflag:$0x3], $0x80, s23, s12, $0xb8;
	[tilespmem:$0x1EC00] =	vst v63  }
0x67: {  	_ =	swait.ge [sflag:s11], $0x4000  }
0x68: {  	[sflag:s11] =	ssyncset.done $0x0  }
0x69: {  	s30 =	simm.s32 $0x200;
	[sflag:s11] =	ssyncadd.s32 $0xFFFFC000  }
0x6a: {  	[tilespmem:s13], [sflag:$0x1] =	stream.indirect.gather [hbm4b:s4+s12], $0x80, s30, s12, $0xb8;
	[tilespmem:$0x1EC00] =	vst v63  }
0x6b: {  	_ =	swait.ge [sflag:s17], $0x4000  }
0x6c: {  	[sflag:s17] =	ssyncset.done $0x0  }
0x6d: {  	s31 =	simm.s32 $0x180;
	[sflag:s17] =	ssyncadd.s32 $0xFFFFC000  }
0x6e: {  	[spmem:s1] =	stream.indirect.scatter.add.f32 [tilespmem:s15], [sflag:$0x3], $0x80, s31, s12, $0xb8;
	[tilespmem:$0x1EC00] =	vst v63  }
0x6f: {  	_ =	swait.ge [sflag:s11], $0x4000  }
0x70: {  	[sflag:s11] =	ssyncset.done $0x0  }
0x71: {  	s24 =	simm.s32 $0x300;
	s23 =	simm.s32 $0xFFFF7000;
	[sflag:s11] =	ssyncadd.s32 $0xFFFFC000  }
.LBB2_4:
0x72: {  	[tilespmem:s15], [sflag:$0x2] =	stream.indirect.gather [hbm4b:s4+s12], $0x80, s24, s12, $0xb8;
	[tilespmem:$0x1EC00] =	vst v63  }
0x73: {  	s24 =	smov.u32 s23  }
0x74: {  	p0 =	sne.s32 s23, $0xFFFFF800;
	s23 =	sadd.s32 $0x800, s23;
	_ =	swait.ge [sflag:s16], $0x4000  }
0x75: {  	s24 =	sshra.s32 s24, $0x2;
	[sflag:s16] =	ssyncset.done $0x0  }
0x76: {  	s25 =	sadd.s32 $0x2680, s24;
	[sflag:s16] =	ssyncadd.s32 $0xFFFFC000  }
0x77: {  	[spmem:s1] =	stream.indirect.scatter.add.f32 [tilespmem:s13], [sflag:$0x3], $0x80, s25, s12, $0xb8;
	[tilespmem:$0x1EC00] =	vst v63  }
0x78: {  	_ =	swait.ge [sflag:s11], $0x4000  }
0x79: {  	[sflag:s11] =	ssyncset.done $0x0  }
0x7a: {  	s25 =	sadd.s32 $0x2800, s24;
	[sflag:s11] =	ssyncadd.s32 $0xFFFFC000  }
0x7b: {  	[tilespmem:s13], [sflag:$0x1] =	stream.indirect.gather [hbm4b:s4+s12], $0x80, s25, s12, $0xb8;
	[tilespmem:$0x1EC00] =	vst v63  }
0x7c: {  	_ =	swait.ge [sflag:s17], $0x4000  }
0x7d: {  	[sflag:s17] =	ssyncset.done $0x0  }
.Ltmp1:
0x7e: {  	s25 =	sadd.s32 $0x2780, s24;
	[sflag:s17] =	ssyncadd.s32 $0xFFFFC000;
	(pc) =	sbr.rel @p0 .LBB2_4-.Ltmp1, $4  }
0x7f: {  	[spmem:s1] =	stream.indirect.scatter.add.f32 [tilespmem:s15], [sflag:$0x3], $0x80, s25, s12, $0xb8;
	[tilespmem:$0x1EC00] =	vst v63  }
0x80: {  	_ =	swait.ge [sflag:s11], $0x4000  }
0x81: {  	[sflag:s11] =	ssyncset.done $0x0  }
0x82: {  	s24 =	sadd.s32 $0x2900, s24;
	[sflag:s11] =	ssyncadd.s32 $0xFFFFC000  }
0x83: {  	[tilespmem:s15], [sflag:$0x2] =	stream.indirect.gather [hbm4b:s4+s12], $0x80, s24, s12, $0xb8;
	[tilespmem:$0x1EC00] =	vst v63  }
0x84: {  	_ =	swait.ge [sflag:s16], $0x4000  }
0x85: {  	[sflag:s16] =	ssyncset.done $0x0  }
0x86: {  	[sflag:s16] =	ssyncadd.s32 $0xFFFFC000  }
0x87: {  	[spmem:s1] =	stream.indirect.scatter.add.f32 [tilespmem:s13], [sflag:$0x3], $0x80, s18, s12, $0xb8;
	[tilespmem:$0x1EC00] =	vst v63  }
0x88: {  	_ =	swait.ge [sflag:s11], $0x4000  }
0x89: {  	[sflag:s11] =	ssyncset.done $0x0  }
0x8a: {  	[sflag:s11] =	ssyncadd.s32 $0xFFFFC000  }
0x8b: {  	_ =	swait.ge [sflag:s17], $0x4000  }
0x8c: {  	[sflag:s17] =	ssyncset.done $0x0  }
0x8d: {  	[sflag:s17] =	ssyncadd.s32 $0xFFFFC000  }
0x8e: {  	[spmem:s1] =	stream.indirect.scatter.add.f32 [tilespmem:s15], [sflag:$0x3], $0x80, s19, s12, $0xb8;
	[tilespmem:$0x1EC00] =	vst v63  }
0x8f: {  	_ =	swait.ge [sflag:s11], $0x4000  }
0x90: {  	[sflag:s11] =	ssyncset.done $0x0  }
0x91: {  	[sflag:s11] =	ssyncadd.s32 $0xFFFFC000  }
0x92: {  	[tilespmem:s3], [sflag:$0x3] =	stream.linear.gather [hbm4b:s7+s3], $0x2800, $0x38;
	[tilespmem:$0x1EC00] =	vst v63  }
0x93: {  	_ =	swait.ge [sflag:s11], $0x2800  }
0x94: {  	[sflag:s11] =	ssyncset.done $0x0  }
0x95: {  	[sflag:s11] =	ssyncadd.s32 $0xFFFFD800  }
0x96: {  	[tilespmem:s13], [sflag:$0x1] =	stream.indirect.gather [hbm4b:s4+s12], $0x80, s3, s12, $0xb8;
	[tilespmem:$0x1EC00] =	vst v63  }
0x97: {  	_ = 	snop  }
0x98: {  	[tilespmem:s15], [sflag:$0x2] =	stream.indirect.gather [hbm4b:s4+s12], $0x80, s14, s12, $0xb8;
	[tilespmem:$0x1EC00] =	vst v63  }
0x99: {  	_ =	swait.ge [sflag:s16], $0x4000  }
0x9a: {  	[sflag:s16] =	ssyncset.done $0x0  }
0x9b: {  	s23 =	simm.s32 $0x80;
	[sflag:s16] =	ssyncadd.s32 $0xFFFFC000  }
0x9c: {  	[spmem:s1] =	stream.indirect.scatter.add.f32 [tilespmem:s13], [sflag:$0x3], $0x80, s23, s12, $0xb8;
	[tilespmem:$0x1EC00] =	vst v63  }
0x9d: {  	_ =	swait.ge [sflag:s11], $0x4000  }
0x9e: {  	[sflag:s11] =	ssyncset.done $0x0  }
0x9f: {  	s30 =	simm.s32 $0x200;
	[sflag:s11] =	ssyncadd.s32 $0xFFFFC000  }
0xa0: {  	[tilespmem:s13], [sflag:$0x1] =	stream.indirect.gather [hbm4b:s4+s12], $0x80, s30, s12, $0xb8;
	[tilespmem:$0x1EC00] =	vst v63  }
0xa1: {  	_ =	swait.ge [sflag:s17], $0x4000  }
0xa2: {  	[sflag:s17] =	ssyncset.done $0x0  }
0xa3: {  	s31 =	simm.s32 $0x180;
	[sflag:s17] =	ssyncadd.s32 $0xFFFFC000  }
0xa4: {  	[spmem:s1] =	stream.indirect.scatter.add.f32 [tilespmem:s15], [sflag:$0x3], $0x80, s31, s12, $0xb8;
	[tilespmem:$0x1EC00] =	vst v63  }
0xa5: {  	_ =	swait.ge [sflag:s11], $0x4000  }
0xa6: {  	[sflag:s11] =	ssyncset.done $0x0  }
0xa7: {  	s24 =	simm.s32 $0x300;
	s23 =	simm.s32 $0xFFFF7000;
	[sflag:s11] =	ssyncadd.s32 $0xFFFFC000  }
.LBB2_6:
0xa8: {  	[tilespmem:s15], [sflag:$0x2] =	stream.indirect.gather [hbm4b:s4+s12], $0x80, s24, s12, $0xb8;
	[tilespmem:$0x1EC00] =	vst v63  }
0xa9: {  	s24 =	smov.u32 s23  }
0xaa: {  	p0 =	sne.s32 s23, $0xFFFFF800;
	s23 =	sadd.s32 $0x800, s23;
	_ =	swait.ge [sflag:s16], $0x4000  }
0xab: {  	s24 =	sshra.s32 s24, $0x2;
	[sflag:s16] =	ssyncset.done $0x0  }
0xac: {  	s25 =	sadd.s32 $0x2680, s24;
	[sflag:s16] =	ssyncadd.s32 $0xFFFFC000  }
0xad: {  	[spmem:s1] =	stream.indirect.scatter.add.f32 [tilespmem:s13], [sflag:$0x3], $0x80, s25, s12, $0xb8;
	[tilespmem:$0x1EC00] =	vst v63  }
0xae: {  	_ =	swait.ge [sflag:s11], $0x4000  }
0xaf: {  	[sflag:s11] =	ssyncset.done $0x0  }
0xb0: {  	s25 =	sadd.s32 $0x2800, s24;
	[sflag:s11] =	ssyncadd.s32 $0xFFFFC000  }
0xb1: {  	[tilespmem:s13], [sflag:$0x1] =	stream.indirect.gather [hbm4b:s4+s12], $0x80, s25, s12, $0xb8;
	[tilespmem:$0x1EC00] =	vst v63  }
0xb2: {  	_ =	swait.ge [sflag:s17], $0x4000  }
0xb3: {  	[sflag:s17] =	ssyncset.done $0x0  }
.Ltmp2:
0xb4: {  	s25 =	sadd.s32 $0x2780, s24;
	[sflag:s17] =	ssyncadd.s32 $0xFFFFC000;
	(pc) =	sbr.rel @p0 .LBB2_6-.Ltmp2, $4  }
0xb5: {  	[spmem:s1] =	stream.indirect.scatter.add.f32 [tilespmem:s15], [sflag:$0x3], $0x80, s25, s12, $0xb8;
	[tilespmem:$0x1EC00] =	vst v63  }
0xb6: {  	_ =	swait.ge [sflag:s11], $0x4000  }
0xb7: {  	[sflag:s11] =	ssyncset.done $0x0  }
0xb8: {  	s24 =	sadd.s32 $0x2900, s24;
	[sflag:s11] =	ssyncadd.s32 $0xFFFFC000  }
0xb9: {  	[tilespmem:s15], [sflag:$0x2] =	stream.indirect.gather [hbm4b:s4+s12], $0x80, s24, s12, $0xb8;
	[tilespmem:$0x1EC00] =	vst v63  }
0xba: {  	_ =	swait.ge [sflag:s16], $0x4000  }
0xbb: {  	[sflag:s16] =	ssyncset.done $0x0  }
0xbc: {  	[sflag:s16] =	ssyncadd.s32 $0xFFFFC000  }
0xbd: {  	[spmem:s1] =	stream.indirect.scatter.add.f32 [tilespmem:s13], [sflag:$0x3], $0x80, s18, s12, $0xb8;
	[tilespmem:$0x1EC00] =	vst v63  }
0xbe: {  	_ =	swait.ge [sflag:s11], $0x4000  }
0xbf: {  	[sflag:s11] =	ssyncset.done $0x0  }
0xc0: {  	[sflag:s11] =	ssyncadd.s32 $0xFFFFC000  }
0xc1: {  	_ =	swait.ge [sflag:s17], $0x4000  }
0xc2: {  	[sflag:s17] =	ssyncset.done $0x0  }
0xc3: {  	[sflag:s17] =	ssyncadd.s32 $0xFFFFC000  }
0xc4: {  	[spmem:s1] =	stream.indirect.scatter.add.f32 [tilespmem:s15], [sflag:$0x3], $0x80, s19, s12, $0xb8;
	[tilespmem:$0x1EC00] =	vst v63  }
0xc5: {  	_ =	swait.ge [sflag:s11], $0x4000  }
0xc6: {  	s22 =	sadd.s32 $0x1, s22;
	[sflag:s11] =	ssyncset.done $0x0  }
0xc7: {  	p0 =	sne.s32 s22, s9;
	[sflag:s11] =	ssyncadd.s32 $0xFFFFC000  }
.Ltmp3:
0xc8: {  	[bflag:$0x0] =	sbarrier.arrive $0xFFFF;
	(pc) =	sbr.rel @p0 .LBB2_1-.Ltmp3, $4  }
0xc9: {  	[hbm:s8], [sflag:s20] =	dma.local [spmem:s21], $0x2800  }
0xca: {  	_ =	swait.ge [sflag:s11], $0x2800  }
0xcb: {  	[sflag:s11] =	ssyncset.done $0x0  }
0xcc: {  	[sflag:s11] =	ssyncadd.s32 $0xFFFFD800  }
0xcd: {  	_ =	sfence.sel $0x180000  }
0xce: {  	[bflag:$0x0] =	sbarrier.arrive $0xFFFF  }
0xcf: {  	p0 =	sne.s32 s2, $0x0;
	_ =	strace $0x9000004A  }
0xd0: {  	s0 =	sadd.s32 @!p0 $0x100000, s0;
	[bflag:$0x2] =	sbarrier.arrive $0xFFFF  }
0xd1: {  	[sflag:s0] =	ssyncadd.tile.s32 @!p0 $0x1;
	_ =	shalt  }
.Lfunc_end2:
_tile_overlayer_lowered:
.L_overlay_start_2:
0xd2: {  	(tag) =	ssettag $0x2  }
0xd3: {  	s0 =	rddreg [dreg:$0x0];
	s2 =	stileid.u32  }
0xd4: {  	s1 =	rddreg [dreg:$0x1];
	p0 =	sne.s32 s2, $0x0  }
0xd5: {  	s3 =	rddreg [dreg:$0x2];
	[bflag:$0x3] =	sbarrier.arrive $0xFFFF;
	s2 =	simm.s32 @!p0 $0x1C03  }
0xd6: {  	[timem:s3], [sflag:s2] =	dma.local @!p0 [hbm:s0], s1  }
0xd7: {  	s0 =	simm.s32 @!p0 $0x3  }
0xd8: {  	_ =	swait.ge @!p0 [sflag:s0], s1  }
0xd9: {  	s1 =	ssub.s32 @!p0 $0x0, s1;
	[sflag:s0] =	ssyncset.done @!p0 $0x0  }
0xda: {  	[sflag:s0] =	ssyncadd.s32 @!p0 s1  }
0xdb: {  	[bflag:$0x3] =	sbarrier.arrive $0xFFFF  }
0xdc: {  	_ =	shalt  }

</sc_bundles>
